<compile_context>
chip_gen: v7x
topology: tpu7x:2x2x1
jax: 0.10.2.dev20260603
libtpu: 0.0.44.dev20260713+nightly
codegen_flags: <defaults>
</compile_context>

<pallas_src>
import functools

import jax
import jax.numpy as jnp
from jax import lax
from jax.experimental import pallas as pl
from jax.experimental.pallas import tpu as pltpu
from jax.experimental.pallas import tpu_sc as plsc

NC = 2
NS = 16
NW = NC * NS
LANES = 16
CH = 40
PB = 128
HALF = 50048


def _repack(tables_t, N, Dm, V):
  LB = 2176
  nj = HALF // LB

  def body(in1, in2, o):
    x1 = in1[0]
    x2 = in2[0]
    o[...] = jnp.concatenate([x1.T, x2.T], axis=1)

  return pl.pallas_call(
      body,
      grid=(N, nj),
      in_specs=[
          pl.BlockSpec((1, Dm, LB), lambda i, j: (i, 0, j)),
          pl.BlockSpec((1, Dm, LB), lambda i, j: (i, 0, nj + j)),
      ],
      out_specs=pl.BlockSpec((LB, 2 * Dm), lambda i, j: (i * nj + j, 0)),
      out_shape=jax.ShapeDtypeStruct((N * HALF, 2 * Dm), jnp.float32),
  )(tables_t, tables_t)


def _build(B, N, L, D):
  assert B % NW == 0 and L % CH == 0 and D % LANES == 0
  b_per_w = B // NW
  cpb = L // CH
  M = B * L
  mesh = plsc.VectorSubcoreMesh(core_axis_name="c", subcore_axis_name="s")

  full = [s0 for s0 in range(0, L - LANES + 1, LANES)]
  if L % LANES:
    full.append(L - LANES)

  @functools.partial(
      pl.kernel,
      out_type=jax.ShapeDtypeStruct((M, D), jnp.float32),
      mesh=mesh,
      compiler_params=pltpu.CompilerParams(needs_layout_passes=False),
      scratch_types=[
          pltpu.VMEM((N, L), jnp.int32),
          pltpu.VMEM((N * L,), jnp.int32),
          pltpu.VMEM((N * L,), jnp.int32),
          pltpu.VMEM((CH, D), jnp.float32),
      ]
      + [pltpu.VMEM((CH, 2 * D), jnp.float32) for _ in range(N)]
      + [pltpu.SemaphoreType.DMA],
  )
  def embed(codes_hbm, tabp_hbm, out_hbm, idx_raw, idx_gat, sel, out_v, *rest):
    bufs = rest[:N]
    sem = rest[N]
    wid = lax.axis_index("s") * NC + lax.axis_index("c")

    def batch_body(bb, carry):
      b = wid * b_per_w + bb
      pltpu.sync_copy(codes_hbm.at[b], idx_raw)

      half = jnp.full((LANES,), HALF, jnp.int32)
      zero = jnp.zeros((LANES,), jnp.int32)
      for i in range(N):
        base = jnp.full((LANES,), i * HALF, jnp.int32)
        for s0 in full:
          c = idx_raw[i, pl.ds(s0, LANES)]
          hi = c >= half
          adj = jnp.where(hi, c - half, c)
          idx_gat[pl.ds(i * L + s0, LANES)] = base + adj
          sel[pl.ds(i * L + s0, LANES)] = jnp.where(
              hi, jnp.full((LANES,), 1, jnp.int32), zero)

      def chunk_body(cidx, carry2):
        l0 = cidx * CH
        copies = [
            pltpu.async_copy(
                tabp_hbm.at[idx_gat.at[pl.ds(i * L + l0, CH)]], bufs[i], sem)
            for i in range(N)
        ]
        for cp in copies:
          cp.wait()

        def sum_body(r, carry3):
          masks = []
          for i in range(N):
            pos = jnp.full((LANES,), i * L, jnp.int32) + (l0 + r)
            pv = plsc.load_gather(sel, [pos])
            masks.append(pv == 1)
          for d in range(D // LANES):
            lo = pl.ds(d * LANES, LANES)
            hi_s = pl.ds(D + d * LANES, LANES)
            acc = jnp.where(masks[0], bufs[0][r, hi_s], bufs[0][r, lo])
            for i in range(1, N):
              acc = acc + jnp.where(masks[i], bufs[i][r, hi_s], bufs[i][r, lo])
            out_v[r, lo] = acc
          return carry3

        lax.fori_loop(0, CH, sum_body, 0)
        pltpu.sync_copy(out_v, out_hbm.at[pl.ds(b * L + l0, CH)])
        return carry2

      lax.fori_loop(0, cpb, chunk_body, 0)
      return carry

    lax.fori_loop(0, b_per_w, batch_body, 0)

  return embed


def kernel(codes, tables):
  B, N, L = codes.shape
  V = tables.shape[1]
  D = tables.shape[2]
  assert V <= 2 * HALF and HALF % PB == 0
  tables_t = jnp.transpose(tables, (0, 2, 1))
  tabp = _repack(tables_t, N, D, V)
  out2d = _build(B, N, L, D)(codes, tabp)
  return out2d.reshape(B, L, D)

# --- scband reference (transcript-rebuilt; emitter-appended) ---
"""Pipeline reference for scband-very-simple-codebook-embedding-30520037605439 (READ-ONLY COPY).

The authoritative reference and input builder live on the scoring server;
editing this copy changes nothing except your own understanding.
"""

import jax, jax.numpy as jnp
import numpy as np

N_CODEBOOKS = 8
VOCAB = 100000
D_MODEL = 64
B = 1024
L = 200


def setup_inputs(seed: int = 0) -> dict:
    key = jax.random.key(seed)
    k1, k2 = jax.random.split(key)
    codes = jax.random.randint(k1, (B, N_CODEBOOKS, L), 0, VOCAB + 1, dtype=jnp.int32)
    # Learned parameters: one embedding table per codebook, stacked.
    tables = jax.random.normal(k2, (N_CODEBOOKS, VOCAB + 1, D_MODEL), dtype=jnp.float32) * 0.02
    return {"codes": codes, "tables": tables}


def reference(codes, tables):
    batch_size, n_codebooks, seq_len = codes.shape
    d_model = tables.shape[-1]
    output = jnp.zeros((batch_size, seq_len, d_model), dtype=tables.dtype)
    for i in range(n_codebooks):
        cb_codes = codes[:, i, :]
        cb_embed = jnp.take(tables[i], cb_codes, axis=0)
        output = output + cb_embed
    return output

if __name__ == "__main__":
    import jax
    _d = setup_inputs()
    print(jax.jit(kernel)(*tuple(_d.values())))

</pallas_src>

<mosaic_0001>
#map = affine_map<(d0, d1) -> (0, 0, 0)>
#map1 = affine_map<(d0, d1) -> (0, 0)>
module attributes {stable_mosaic.version = 14 : i64} {
  func.func @embed(%arg0: i32, %arg1: i32, %arg2: memref<1024x8x200xi32, #tpu.memory_space<hbm>>, %arg3: memref<400384x128xf32, #tpu.memory_space<hbm>>, %arg4: memref<204800x64xf32, #tpu.memory_space<hbm>>, %arg5: memref<8x200xi32, #tpu.memory_space<vmem>>, %arg6: memref<1600xi32, #tpu.memory_space<vmem>>, %arg7: memref<1600xi32, #tpu.memory_space<vmem>>, %arg8: memref<40x64xf32, #tpu.memory_space<vmem>>, %arg9: memref<40x128xf32, #tpu.memory_space<vmem>>, %arg10: memref<40x128xf32, #tpu.memory_space<vmem>>, %arg11: memref<40x128xf32, #tpu.memory_space<vmem>>, %arg12: memref<40x128xf32, #tpu.memory_space<vmem>>, %arg13: memref<40x128xf32, #tpu.memory_space<vmem>>, %arg14: memref<40x128xf32, #tpu.memory_space<vmem>>, %arg15: memref<40x128xf32, #tpu.memory_space<vmem>>, %arg16: memref<40x128xf32, #tpu.memory_space<vmem>>, %arg17: memref<!tpu.dma_semaphore, #tpu.memory_space<semaphore_mem>>) attributes {dimension_semantics = [#tpu.dimension_semantics<core_parallel>, #tpu.dimension_semantics<subcore_parallel>], iteration_bounds = array<i64: 2, 16>, scalar_prefetch = 0 : i64, scratch_operands = 13 : i64, tpu.core_type = #tpu.core_type<sc_vector_subcore>, window_params = [{transform_indices = #map}, {transform_indices = #map1}, {transform_indices = #map1}]} {
    %mul3A = arith.constant 2 : i32
    %mul3A_0 = arith.muli %arg1, %mul3A : i32
    %add3A = arith.addi %mul3A_0, %arg0 : i32
    %scan3A = arith.constant 0 : i32
    %scan3A_1 = arith.constant 0 : i32
    %scan3A_2 = arith.constant 32 : i32
    %scan3A_3 = arith.addi %scan3A_1, %scan3A_2 : i32
    %scan3A_4 = arith.constant 1 : i32
    scf.for %scan3A_6 = %scan3A_1 to %scan3A_3 step %scan3A_4  : i32 {
      %mul3A_7 = arith.constant 32 : i32
      %mul3A_8 = arith.muli %add3A, %mul3A_7 : i32
      %add3A_9 = arith.addi %mul3A_8, %scan3A_6 : i32
      "tpu.region"() ({
        %run_scoped3A = tpu.sem_alloc : memref<!tpu.dma_semaphore, #tpu.memory_space<semaphore_mem>>
        %dma_start3A = arith.constant 0 : i32
        %dma_start3A_1590 = arith.constant 0 : i32
        %dma_start3A_1591 = tpu.memref_slice %arg2[%add3A_9, %dma_start3A, %dma_start3A_1590] : memref<1024x8x200xi32, #tpu.memory_space<hbm>> -> memref<1x8x200xi32, #tpu.memory_space<hbm>>
        %dma_start3A_1592 = tpu.memref_squeeze %dma_start3A_1591 : memref<1x8x200xi32, #tpu.memory_space<hbm>> -> memref<8x200xi32, #tpu.memory_space<hbm>>
        %dma_start3A_1593 = arith.constant 0 : i32
        %dma_start3A_1594 = arith.constant 0 : i32
        %dma_start3A_1595 = tpu.memref_slice %arg2[%add3A_9, %dma_start3A_1593, %dma_start3A_1594] : memref<1024x8x200xi32, #tpu.memory_space<hbm>> -> memref<1x8x200xi32, #tpu.memory_space<hbm>>
        %dma_start3A_1596 = tpu.memref_squeeze %dma_start3A_1595 : memref<1x8x200xi32, #tpu.memory_space<hbm>> -> memref<8x200xi32, #tpu.memory_space<hbm>>
        tpu.enqueue_dma source(%dma_start3A_1596 : memref<8x200xi32, #tpu.memory_space<hbm>>) target(%arg5 : memref<8x200xi32, #tpu.memory_space<vmem>>) target_semaphore(%run_scoped3A : memref<!tpu.dma_semaphore, #tpu.memory_space<semaphore_mem>>)
        %dma_wait3A = arith.constant 0 : i32
        %dma_wait3A_1597 = arith.constant 0 : i32
        %dma_wait3A_1598 = tpu.memref_slice %arg2[%add3A_9, %dma_wait3A, %dma_wait3A_1597] : memref<1024x8x200xi32, #tpu.memory_space<hbm>> -> memref<1x8x200xi32, #tpu.memory_space<hbm>>
        %dma_wait3A_1599 = tpu.memref_squeeze %dma_wait3A_1598 : memref<1x8x200xi32, #tpu.memory_space<hbm>> -> memref<8x200xi32, #tpu.memory_space<hbm>>
        %dma_wait3A_1600 = arith.constant 0 : i32
        %dma_wait3A_1601 = arith.constant 0 : i32
        %dma_wait3A_1602 = tpu.memref_slice %arg2[%add3A_9, %dma_wait3A_1600, %dma_wait3A_1601] : memref<1024x8x200xi32, #tpu.memory_space<hbm>> -> memref<1x8x200xi32, #tpu.memory_space<hbm>>
        %dma_wait3A_1603 = tpu.memref_squeeze %dma_wait3A_1602 : memref<1x8x200xi32, #tpu.memory_space<hbm>> -> memref<8x200xi32, #tpu.memory_space<hbm>>
        tpu.wait_dma2 semaphore(%run_scoped3A : memref<!tpu.dma_semaphore, #tpu.memory_space<semaphore_mem>>) src(%dma_wait3A_1603 : memref<8x200xi32, #tpu.memory_space<hbm>>) dst(%arg5 : memref<8x200xi32, #tpu.memory_space<vmem>>)
        tpu.yield
      }) : () -> ()
      %broadcast_in_dim3A = arith.constant 50048 : i32
      %broadcast_in_dim3A_10 = vector.broadcast %broadcast_in_dim3A : i32 to vector<16xi32>
      %broadcast_in_dim3A_11 = arith.constant 0 : i32
      %broadcast_in_dim3A_12 = vector.broadcast %broadcast_in_dim3A_11 : i32 to vector<16xi32>
      %broadcast_in_dim3A_13 = arith.constant 0 : i32
      %broadcast_in_dim3A_14 = vector.broadcast %broadcast_in_dim3A_13 : i32 to vector<16xi32>
      %get3A = arith.constant 0 : i32
      %get3A_15 = arith.index_cast %get3A : i32 to index
      %get3A_16 = arith.constant 0 : index
      %get3A_17 = tpu.vector_load %arg5[%get3A_15, %get3A_16] {strides = array<i32>} : memref<8x200xi32, #tpu.memory_space<vmem>>, vector<16xi32>,
      %ge3A = arith.cmpi sge, %get3A_17, %broadcast_in_dim3A_10 : vector<16xi32>
      %sub3A = arith.subi %get3A_17, %broadcast_in_dim3A_10 : vector<16xi32>
      %select_n3A = arith.select %ge3A, %sub3A, %get3A_17 : vector<16xi1>, vector<16xi32>
      %add3A_18 = arith.addi %broadcast_in_dim3A_14, %select_n3A : vector<16xi32>
      %swap3A = arith.constant 0 : index
      %swap3A_19 = tpu.vector_load %arg6[%swap3A] {strides = array<i32>} : memref<1600xi32, #tpu.memory_space<vmem>>, vector<16xi32>,
      tpu.vector_store %arg6[%swap3A], %add3A_18 {strides = array<i32>} : memref<1600xi32, #tpu.memory_space<vmem>>, vector<16xi32>,
      %broadcast_in_dim3A_20 = arith.constant 1 : i32
      %broadcast_in_dim3A_21 = vector.broadcast %broadcast_in_dim3A_20 : i32 to vector<16xi32>
      %select_n3A_22 = arith.select %ge3A, %broadcast_in_dim3A_21, %broadcast_in_dim3A_12 : vector<16xi1>, vector<16xi32>
      %swap3A_23 = arith.constant 0 : index
      %swap3A_24 = tpu.vector_load %arg7[%swap3A_23] {strides = array<i32>} : memref<1600xi32, #tpu.memory_space<vmem>>, vector<16xi32>,
      tpu.vector_store %arg7[%swap3A_23], %select_n3A_22 {strides = array<i32>} : memref<1600xi32, #tpu.memory_space<vmem>>, vector<16xi32>,
      %get3A_25 = arith.constant 0 : i32
      %get3A_26 = arith.index_cast %get3A_25 : i32 to index
      %get3A_27 = arith.constant 16 : index
      %get3A_28 = tpu.vector_load %arg5[%get3A_26, %get3A_27] {strides = array<i32>} : memref<8x200xi32, #tpu.memory_space<vmem>>, vector<16xi32>,
      %ge3A_29 = arith.cmpi sge, %get3A_28, %broadcast_in_dim3A_10 : vector<16xi32>
      %sub3A_30 = arith.subi %get3A_28, %broadcast_in_dim3A_10 : vector<16xi32>
      %select_n3A_31 = arith.select %ge3A_29, %sub3A_30, %get3A_28 : vector<16xi1>, vector<16xi32>
      %add3A_32 = arith.addi %broadcast_in_dim3A_14, %select_n3A_31 : vector<16xi32>
      %swap3A_33 = arith.constant 16 : index
      %swap3A_34 = tpu.vector_load %arg6[%swap3A_33] {strides = array<i32>} : memref<1600xi32, #tpu.memory_space<vmem>>, vector<16xi32>,
      tpu.vector_store %arg6[%swap3A_33], %add3A_32 {strides = array<i32>} : memref<1600xi32, #tpu.memory_space<vmem>>, vector<16xi32>,
      %broadcast_in_dim3A_35 = arith.constant 1 : i32
      %broadcast_in_dim3A_36 = vector.broadcast %broadcast_in_dim3A_35 : i32 to vector<16xi32>
      %select_n3A_37 = arith.select %ge3A_29, %broadcast_in_dim3A_36, %broadcast_in_dim3A_12 : vector<16xi1>, vector<16xi32>
      %swap3A_38 = arith.constant 16 : index
      %swap3A_39 = tpu.vector_load %arg7[%swap3A_38] {strides = array<i32>} : memref<1600xi32, #tpu.memory_space<vmem>>, vector<16xi32>,
      tpu.vector_store %arg7[%swap3A_38], %select_n3A_37 {strides = array<i32>} : memref<1600xi32, #tpu.memory_space<vmem>>, vector<16xi32>,
      %get3A_40 = arith.constant 0 : i32
      %get3A_41 = arith.index_cast %get3A_40 : i32 to index
      %get3A_42 = arith.constant 32 : index
      %get3A_43 = tpu.vector_load %arg5[%get3A_41, %get3A_42] {strides = array<i32>} : memref<8x200xi32, #tpu.memory_space<vmem>>, vector<16xi32>,
      %ge3A_44 = arith.cmpi sge, %get3A_43, %broadcast_in_dim3A_10 : vector<16xi32>
      %sub3A_45 = arith.subi %get3A_43, %broadcast_in_dim3A_10 : vector<16xi32>
      %select_n3A_46 = arith.select %ge3A_44, %sub3A_45, %get3A_43 : vector<16xi1>, vector<16xi32>
      %add3A_47 = arith.addi %broadcast_in_dim3A_14, %select_n3A_46 : vector<16xi32>
      %swap3A_48 = arith.constant 32 : index
      %swap3A_49 = tpu.vector_load %arg6[%swap3A_48] {strides = array<i32>} : memref<1600xi32, #tpu.memory_space<vmem>>, vector<16xi32>,
      tpu.vector_store %arg6[%swap3A_48], %add3A_47 {strides = array<i32>} : memref<1600xi32, #tpu.memory_space<vmem>>, vector<16xi32>,
      %broadcast_in_dim3A_50 = arith.constant 1 : i32
      %broadcast_in_dim3A_51 = vector.broadcast %broadcast_in_dim3A_50 : i32 to vector<16xi32>
      %select_n3A_52 = arith.select %ge3A_44, %broadcast_in_dim3A_51, %broadcast_in_dim3A_12 : vector<16xi1>, vector<16xi32>
      %swap3A_53 = arith.constant 32 : index
      %swap3A_54 = tpu.vector_load %arg7[%swap3A_53] {strides = array<i32>} : memref<1600xi32, #tpu.memory_space<vmem>>, vector<16xi32>,
      tpu.vector_store %arg7[%swap3A_53], %select_n3A_52 {strides = array<i32>} : memref<1600xi32, #tpu.memory_space<vmem>>, vector<16xi32>,
      %get3A_55 = arith.constant 0 : i32
      %get3A_56 = arith.index_cast %get3A_55 : i32 to index
      %get3A_57 = arith.constant 48 : index
      %get3A_58 = tpu.vector_load %arg5[%get3A_56, %get3A_57] {strides = array<i32>} : memref<8x200xi32, #tpu.memory_space<vmem>>, vector<16xi32>,
      %ge3A_59 = arith.cmpi sge, %get3A_58, %broadcast_in_dim3A_10 : vector<16xi32>
      %sub3A_60 = arith.subi %get3A_58, %broadcast_in_dim3A_10 : vector<16xi32>
      %select_n3A_61 = arith.select %ge3A_59, %sub3A_60, %get3A_58 : vector<16xi1>, vector<16xi32>
      %add3A_62 = arith.addi %broadcast_in_dim3A_14, %select_n3A_61 : vector<16xi32>
      %swap3A_63 = arith.constant 48 : index
      %swap3A_64 = tpu.vector_load %arg6[%swap3A_63] {strides = array<i32>} : memref<1600xi32, #tpu.memory_space<vmem>>, vector<16xi32>,
      tpu.vector_store %arg6[%swap3A_63], %add3A_62 {strides = array<i32>} : memref<1600xi32, #tpu.memory_space<vmem>>, vector<16xi32>,
      %broadcast_in_dim3A_65 = arith.constant 1 : i32
      %broadcast_in_dim3A_66 = vector.broadcast %broadcast_in_dim3A_65 : i32 to vector<16xi32>
      %select_n3A_67 = arith.select %ge3A_59, %broadcast_in_dim3A_66, %broadcast_in_dim3A_12 : vector<16xi1>, vector<16xi32>
      %swap3A_68 = arith.constant 48 : index
      %swap3A_69 = tpu.vector_load %arg7[%swap3A_68] {strides = array<i32>} : memref<1600xi32, #tpu.memory_space<vmem>>, vector<16xi32>,
      tpu.vector_store %arg7[%swap3A_68], %select_n3A_67 {strides = array<i32>} : memref<1600xi32, #tpu.memory_space<vmem>>, vector<16xi32>,
      %get3A_70 = arith.constant 0 : i32
      %get3A_71 = arith.index_cast %get3A_70 : i32 to index
      %get3A_72 = arith.constant 64 : index
      %get3A_73 = tpu.vector_load %arg5[%get3A_71, %get3A_72] {strides = array<i32>} : memref<8x200xi32, #tpu.memory_space<vmem>>, vector<16xi32>,
      %ge3A_74 = arith.cmpi sge, %get3A_73, %broadcast_in_dim3A_10 : vector<16xi32>
      %sub3A_75 = arith.subi %get3A_73, %broadcast_in_dim3A_10 : vector<16xi32>
      %select_n3A_76 = arith.select %ge3A_74, %sub3A_75, %get3A_73 : vector<16xi1>, vector<16xi32>
      %add3A_77 = arith.addi %broadcast_in_dim3A_14, %select_n3A_76 : vector<16xi32>
      %swap3A_78 = arith.constant 64 : index
      %swap3A_79 = tpu.vector_load %arg6[%swap3A_78] {strides = array<i32>} : memref<1600xi32, #tpu.memory_space<vmem>>, vector<16xi32>,
      tpu.vector_store %arg6[%swap3A_78], %add3A_77 {strides = array<i32>} : memref<1600xi32, #tpu.memory_space<vmem>>, vector<16xi32>,
      %broadcast_in_dim3A_80 = arith.constant 1 : i32
      %broadcast_in_dim3A_81 = vector.broadcast %broadcast_in_dim3A_80 : i32 to vector<16xi32>
      %select_n3A_82 = arith.select %ge3A_74, %broadcast_in_dim3A_81, %broadcast_in_dim3A_12 : vector<16xi1>, vector<16xi32>
      %swap3A_83 = arith.constant 64 : index
      %swap3A_84 = tpu.vector_load %arg7[%swap3A_83] {strides = array<i32>} : memref<1600xi32, #tpu.memory_space<vmem>>, vector<16xi32>,
      tpu.vector_store %arg7[%swap3A_83], %select_n3A_82 {strides = array<i32>} : memref<1600xi32, #tpu.memory_space<vmem>>, vector<16xi32>,
      %get3A_85 = arith.constant 0 : i32
      %get3A_86 = arith.index_cast %get3A_85 : i32 to index
      %get3A_87 = arith.constant 80 : index
      %get3A_88 = tpu.vector_load %arg5[%get3A_86, %get3A_87] {strides = array<i32>} : memref<8x200xi32, #tpu.memory_space<vmem>>, vector<16xi32>,
      %ge3A_89 = arith.cmpi sge, %get3A_88, %broadcast_in_dim3A_10 : vector<16xi32>
      %sub3A_90 = arith.subi %get3A_88, %broadcast_in_dim3A_10 : vector<16xi32>
      %select_n3A_91 = arith.select %ge3A_89, %sub3A_90, %get3A_88 : vector<16xi1>, vector<16xi32>
      %add3A_92 = arith.addi %broadcast_in_dim3A_14, %select_n3A_91 : vector<16xi32>
      %swap3A_93 = arith.constant 80 : index
      %swap3A_94 = tpu.vector_load %arg6[%swap3A_93] {strides = array<i32>} : memref<1600xi32, #tpu.memory_space<vmem>>, vector<16xi32>,
      tpu.vector_store %arg6[%swap3A_93], %add3A_92 {strides = array<i32>} : memref<1600xi32, #tpu.memory_space<vmem>>, vector<16xi32>,
      %broadcast_in_dim3A_95 = arith.constant 1 : i32
      %broadcast_in_dim3A_96 = vector.broadcast %broadcast_in_dim3A_95 : i32 to vector<16xi32>
      %select_n3A_97 = arith.select %ge3A_89, %broadcast_in_dim3A_96, %broadcast_in_dim3A_12 : vector<16xi1>, vector<16xi32>
      %swap3A_98 = arith.constant 80 : index
      %swap3A_99 = tpu.vector_load %arg7[%swap3A_98] {strides = array<i32>} : memref<1600xi32, #tpu.memory_space<vmem>>, vector<16xi32>,
      tpu.vector_store %arg7[%swap3A_98], %select_n3A_97 {strides = array<i32>} : memref<1600xi32, #tpu.memory_space<vmem>>, vector<16xi32>,
      %get3A_100 = arith.constant 0 : i32
      %get3A_101 = arith.index_cast %get3A_100 : i32 to index
      %get3A_102 = arith.constant 96 : index
      %get3A_103 = tpu.vector_load %arg5[%get3A_101, %get3A_102] {strides = array<i32>} : memref<8x200xi32, #tpu.memory_space<vmem>>, vector<16xi32>,
      %ge3A_104 = arith.cmpi sge, %get3A_103, %broadcast_in_dim3A_10 : vector<16xi32>
      %sub3A_105 = arith.subi %get3A_103, %broadcast_in_dim3A_10 : vector<16xi32>
      %select_n3A_106 = arith.select %ge3A_104, %sub3A_105, %get3A_103 : vector<16xi1>, vector<16xi32>
      %add3A_107 = arith.addi %broadcast_in_dim3A_14, %select_n3A_106 : vector<16xi32>
      %swap3A_108 = arith.constant 96 : index
      %swap3A_109 = tpu.vector_load %arg6[%swap3A_108] {strides = array<i32>} : memref<1600xi32, #tpu.memory_space<vmem>>, vector<16xi32>,
      tpu.vector_store %arg6[%swap3A_108], %add3A_107 {strides = array<i32>} : memref<1600xi32, #tpu.memory_space<vmem>>, vector<16xi32>,
      %broadcast_in_dim3A_110 = arith.constant 1 : i32
      %broadcast_in_dim3A_111 = vector.broadcast %broadcast_in_dim3A_110 : i32 to vector<16xi32>
      %select_n3A_112 = arith.select %ge3A_104, %broadcast_in_dim3A_111, %broadcast_in_dim3A_12 : vector<16xi1>, vector<16xi32>
      %swap3A_113 = arith.constant 96 : index
      %swap3A_114 = tpu.vector_load %arg7[%swap3A_113] {strides = array<i32>} : memref<1600xi32, #tpu.memory_space<vmem>>, vector<16xi32>,
      tpu.vector_store %arg7[%swap3A_113], %select_n3A_112 {strides = array<i32>} : memref<1600xi32, #tpu.memory_space<vmem>>, vector<16xi32>,
      %get3A_115 = arith.constant 0 : i32
      %get3A_116 = arith.index_cast %get3A_115 : i32 to index
      %get3A_117 = arith.constant 112 : index
      %get3A_118 = tpu.vector_load %arg5[%get3A_116, %get3A_117] {strides = array<i32>} : memref<8x200xi32, #tpu.memory_space<vmem>>, vector<16xi32>,
      %ge3A_119 = arith.cmpi sge, %get3A_118, %broadcast_in_dim3A_10 : vector<16xi32>
      %sub3A_120 = arith.subi %get3A_118, %broadcast_in_dim3A_10 : vector<16xi32>
      %select_n3A_121 = arith.select %ge3A_119, %sub3A_120, %get3A_118 : vector<16xi1>, vector<16xi32>
      %add3A_122 = arith.addi %broadcast_in_dim3A_14, %select_n3A_121 : vector<16xi32>
      %swap3A_123 = arith.constant 112 : index
      %swap3A_124 = tpu.vector_load %arg6[%swap3A_123] {strides = array<i32>} : memref<1600xi32, #tpu.memory_space<vmem>>, vector<16xi32>,
      tpu.vector_store %arg6[%swap3A_123], %add3A_122 {strides = array<i32>} : memref<1600xi32, #tpu.memory_space<vmem>>, vector<16xi32>,
      %broadcast_in_dim3A_125 = arith.constant 1 : i32
      %broadcast_in_dim3A_126 = vector.broadcast %broadcast_in_dim3A_125 : i32 to vector<16xi32>
      %select_n3A_127 = arith.select %ge3A_119, %broadcast_in_dim3A_126, %broadcast_in_dim3A_12 : vector<16xi1>, vector<16xi32>
      %swap3A_128 = arith.constant 112 : index
      %swap3A_129 = tpu.vector_load %arg7[%swap3A_128] {strides = array<i32>} : memref<1600xi32, #tpu.memory_space<vmem>>, vector<16xi32>,
      tpu.vector_store %arg7[%swap3A_128], %select_n3A_127 {strides = array<i32>} : memref<1600xi32, #tpu.memory_space<vmem>>, vector<16xi32>,
      %get3A_130 = arith.constant 0 : i32
      %get3A_131 = arith.index_cast %get3A_130 : i32 to index
      %get3A_132 = arith.constant 128 : index
      %get3A_133 = tpu.vector_load %arg5[%get3A_131, %get3A_132] {strides = array<i32>} : memref<8x200xi32, #tpu.memory_space<vmem>>, vector<16xi32>,
      %ge3A_134 = arith.cmpi sge, %get3A_133, %broadcast_in_dim3A_10 : vector<16xi32>
      %sub3A_135 = arith.subi %get3A_133, %broadcast_in_dim3A_10 : vector<16xi32>
      %select_n3A_136 = arith.select %ge3A_134, %sub3A_135, %get3A_133 : vector<16xi1>, vector<16xi32>
      %add3A_137 = arith.addi %broadcast_in_dim3A_14, %select_n3A_136 : vector<16xi32>
      %swap3A_138 = arith.constant 128 : index
      %swap3A_139 = tpu.vector_load %arg6[%swap3A_138] {strides = array<i32>} : memref<1600xi32, #tpu.memory_space<vmem>>, vector<16xi32>,
      tpu.vector_store %arg6[%swap3A_138], %add3A_137 {strides = array<i32>} : memref<1600xi32, #tpu.memory_space<vmem>>, vector<16xi32>,
      %broadcast_in_dim3A_140 = arith.constant 1 : i32
      %broadcast_in_dim3A_141 = vector.broadcast %broadcast_in_dim3A_140 : i32 to vector<16xi32>
      %select_n3A_142 = arith.select %ge3A_134, %broadcast_in_dim3A_141, %broadcast_in_dim3A_12 : vector<16xi1>, vector<16xi32>
      %swap3A_143 = arith.constant 128 : index
      %swap3A_144 = tpu.vector_load %arg7[%swap3A_143] {strides = array<i32>} : memref<1600xi32, #tpu.memory_space<vmem>>, vector<16xi32>,
      tpu.vector_store %arg7[%swap3A_143], %select_n3A_142 {strides = array<i32>} : memref<1600xi32, #tpu.memory_space<vmem>>, vector<16xi32>,
      %get3A_145 = arith.constant 0 : i32
      %get3A_146 = arith.index_cast %get3A_145 : i32 to index
      %get3A_147 = arith.constant 144 : index
      %get3A_148 = tpu.vector_load %arg5[%get3A_146, %get3A_147] {strides = array<i32>} : memref<8x200xi32, #tpu.memory_space<vmem>>, vector<16xi32>,
      %ge3A_149 = arith.cmpi sge, %get3A_148, %broadcast_in_dim3A_10 : vector<16xi32>
      %sub3A_150 = arith.subi %get3A_148, %broadcast_in_dim3A_10 : vector<16xi32>
      %select_n3A_151 = arith.select %ge3A_149, %sub3A_150, %get3A_148 : vector<16xi1>, vector<16xi32>
      %add3A_152 = arith.addi %broadcast_in_dim3A_14, %select_n3A_151 : vector<16xi32>
      %swap3A_153 = arith.constant 144 : index
      %swap3A_154 = tpu.vector_load %arg6[%swap3A_153] {strides = array<i32>} : memref<1600xi32, #tpu.memory_space<vmem>>, vector<16xi32>,
      tpu.vector_store %arg6[%swap3A_153], %add3A_152 {strides = array<i32>} : memref<1600xi32, #tpu.memory_space<vmem>>, vector<16xi32>,
      %broadcast_in_dim3A_155 = arith.constant 1 : i32
      %broadcast_in_dim3A_156 = vector.broadcast %broadcast_in_dim3A_155 : i32 to vector<16xi32>
      %select_n3A_157 = arith.select %ge3A_149, %broadcast_in_dim3A_156, %broadcast_in_dim3A_12 : vector<16xi1>, vector<16xi32>
      %swap3A_158 = arith.constant 144 : index
      %swap3A_159 = tpu.vector_load %arg7[%swap3A_158] {strides = array<i32>} : memref<1600xi32, #tpu.memory_space<vmem>>, vector<16xi32>,
      tpu.vector_store %arg7[%swap3A_158], %select_n3A_157 {strides = array<i32>} : memref<1600xi32, #tpu.memory_space<vmem>>, vector<16xi32>,
      %get3A_160 = arith.constant 0 : i32
      %get3A_161 = arith.index_cast %get3A_160 : i32 to index
      %get3A_162 = arith.constant 160 : index
      %get3A_163 = tpu.vector_load %arg5[%get3A_161, %get3A_162] {strides = array<i32>} : memref<8x200xi32, #tpu.memory_space<vmem>>, vector<16xi32>,
      %ge3A_164 = arith.cmpi sge, %get3A_163, %broadcast_in_dim3A_10 : vector<16xi32>
      %sub3A_165 = arith.subi %get3A_163, %broadcast_in_dim3A_10 : vector<16xi32>
      %select_n3A_166 = arith.select %ge3A_164, %sub3A_165, %get3A_163 : vector<16xi1>, vector<16xi32>
      %add3A_167 = arith.addi %broadcast_in_dim3A_14, %select_n3A_166 : vector<16xi32>
      %swap3A_168 = arith.constant 160 : index
      %swap3A_169 = tpu.vector_load %arg6[%swap3A_168] {strides = array<i32>} : memref<1600xi32, #tpu.memory_space<vmem>>, vector<16xi32>,
      tpu.vector_store %arg6[%swap3A_168], %add3A_167 {strides = array<i32>} : memref<1600xi32, #tpu.memory_space<vmem>>, vector<16xi32>,
      %broadcast_in_dim3A_170 = arith.constant 1 : i32
      %broadcast_in_dim3A_171 = vector.broadcast %broadcast_in_dim3A_170 : i32 to vector<16xi32>
      %select_n3A_172 = arith.select %ge3A_164, %broadcast_in_dim3A_171, %broadcast_in_dim3A_12 : vector<16xi1>, vector<16xi32>
      %swap3A_173 = arith.constant 160 : index
      %swap3A_174 = tpu.vector_load %arg7[%swap3A_173] {strides = array<i32>} : memref<1600xi32, #tpu.memory_space<vmem>>, vector<16xi32>,
      tpu.vector_store %arg7[%swap3A_173], %select_n3A_172 {strides = array<i32>} : memref<1600xi32, #tpu.memory_space<vmem>>, vector<16xi32>,
      %get3A_175 = arith.constant 0 : i32
      %get3A_176 = arith.index_cast %get3A_175 : i32 to index
      %get3A_177 = arith.constant 176 : index
      %get3A_178 = tpu.vector_load %arg5[%get3A_176, %get3A_177] {strides = array<i32>} : memref<8x200xi32, #tpu.memory_space<vmem>>, vector<16xi32>,
      %ge3A_179 = arith.cmpi sge, %get3A_178, %broadcast_in_dim3A_10 : vector<16xi32>
      %sub3A_180 = arith.subi %get3A_178, %broadcast_in_dim3A_10 : vector<16xi32>
      %select_n3A_181 = arith.select %ge3A_179, %sub3A_180, %get3A_178 : vector<16xi1>, vector<16xi32>
      %add3A_182 = arith.addi %broadcast_in_dim3A_14, %select_n3A_181 : vector<16xi32>
      %swap3A_183 = arith.constant 176 : index
      %swap3A_184 = tpu.vector_load %arg6[%swap3A_183] {strides = array<i32>} : memref<1600xi32, #tpu.memory_space<vmem>>, vector<16xi32>,
      tpu.vector_store %arg6[%swap3A_183], %add3A_182 {strides = array<i32>} : memref<1600xi32, #tpu.memory_space<vmem>>, vector<16xi32>,
      %broadcast_in_dim3A_185 = arith.constant 1 : i32
      %broadcast_in_dim3A_186 = vector.broadcast %broadcast_in_dim3A_185 : i32 to vector<16xi32>
      %select_n3A_187 = arith.select %ge3A_179, %broadcast_in_dim3A_186, %broadcast_in_dim3A_12 : vector<16xi1>, vector<16xi32>
      %swap3A_188 = arith.constant 176 : index
      %swap3A_189 = tpu.vector_load %arg7[%swap3A_188] {strides = array<i32>} : memref<1600xi32, #tpu.memory_space<vmem>>, vector<16xi32>,
      tpu.vector_store %arg7[%swap3A_188], %select_n3A_187 {strides = array<i32>} : memref<1600xi32, #tpu.memory_space<vmem>>, vector<16xi32>,
      %get3A_190 = arith.constant 0 : i32
      %get3A_191 = arith.index_cast %get3A_190 : i32 to index
      %get3A_192 = arith.constant 184 : index
      %get3A_193 = tpu.vector_load %arg5[%get3A_191, %get3A_192] {strides = array<i32>} : memref<8x200xi32, #tpu.memory_space<vmem>>, vector<16xi32>,
      %ge3A_194 = arith.cmpi sge, %get3A_193, %broadcast_in_dim3A_10 : vector<16xi32>
      %sub3A_195 = arith.subi %get3A_193, %broadcast_in_dim3A_10 : vector<16xi32>
      %select_n3A_196 = arith.select %ge3A_194, %sub3A_195, %get3A_193 : vector<16xi1>, vector<16xi32>
      %add3A_197 = arith.addi %broadcast_in_dim3A_14, %select_n3A_196 : vector<16xi32>
      %swap3A_198 = arith.constant 184 : index
      %swap3A_199 = tpu.vector_load %arg6[%swap3A_198] {strides = array<i32>} : memref<1600xi32, #tpu.memory_space<vmem>>, vector<16xi32>,
      tpu.vector_store %arg6[%swap3A_198], %add3A_197 {strides = array<i32>} : memref<1600xi32, #tpu.memory_space<vmem>>, vector<16xi32>,
      %broadcast_in_dim3A_200 = arith.constant 1 : i32
      %broadcast_in_dim3A_201 = vector.broadcast %broadcast_in_dim3A_200 : i32 to vector<16xi32>
      %select_n3A_202 = arith.select %ge3A_194, %broadcast_in_dim3A_201, %broadcast_in_dim3A_12 : vector<16xi1>, vector<16xi32>
      %swap3A_203 = arith.constant 184 : index
      %swap3A_204 = tpu.vector_load %arg7[%swap3A_203] {strides = array<i32>} : memref<1600xi32, #tpu.memory_space<vmem>>, vector<16xi32>,
      tpu.vector_store %arg7[%swap3A_203], %select_n3A_202 {strides = array<i32>} : memref<1600xi32, #tpu.memory_space<vmem>>, vector<16xi32>,
      %broadcast_in_dim3A_205 = arith.constant 50048 : i32
      %broadcast_in_dim3A_206 = vector.broadcast %broadcast_in_dim3A_205 : i32 to vector<16xi32>
      %get3A_207 = arith.constant 1 : i32
      %get3A_208 = arith.index_cast %get3A_207 : i32 to index
      %get3A_209 = arith.constant 0 : index
      %get3A_210 = tpu.vector_load %arg5[%get3A_208, %get3A_209] {strides = array<i32>} : memref<8x200xi32, #tpu.memory_space<vmem>>, vector<16xi32>,
      %ge3A_211 = arith.cmpi sge, %get3A_210, %broadcast_in_dim3A_10 : vector<16xi32>
      %sub3A_212 = arith.subi %get3A_210, %broadcast_in_dim3A_10 : vector<16xi32>
      %select_n3A_213 = arith.select %ge3A_211, %sub3A_212, %get3A_210 : vector<16xi1>, vector<16xi32>
      %add3A_214 = arith.addi %broadcast_in_dim3A_206, %select_n3A_213 : vector<16xi32>
      %swap3A_215 = arith.constant 200 : index
      %swap3A_216 = tpu.vector_load %arg6[%swap3A_215] {strides = array<i32>} : memref<1600xi32, #tpu.memory_space<vmem>>, vector<16xi32>,
      tpu.vector_store %arg6[%swap3A_215], %add3A_214 {strides = array<i32>} : memref<1600xi32, #tpu.memory_space<vmem>>, vector<16xi32>,
      %broadcast_in_dim3A_217 = arith.constant 1 : i32
      %broadcast_in_dim3A_218 = vector.broadcast %broadcast_in_dim3A_217 : i32 to vector<16xi32>
      %select_n3A_219 = arith.select %ge3A_211, %broadcast_in_dim3A_218, %broadcast_in_dim3A_12 : vector<16xi1>, vector<16xi32>
      %swap3A_220 = arith.constant 200 : index
      %swap3A_221 = tpu.vector_load %arg7[%swap3A_220] {strides = array<i32>} : memref<1600xi32, #tpu.memory_space<vmem>>, vector<16xi32>,
      tpu.vector_store %arg7[%swap3A_220], %select_n3A_219 {strides = array<i32>} : memref<1600xi32, #tpu.memory_space<vmem>>, vector<16xi32>,
      %get3A_222 = arith.constant 1 : i32
      %get3A_223 = arith.index_cast %get3A_222 : i32 to index
      %get3A_224 = arith.constant 16 : index
      %get3A_225 = tpu.vector_load %arg5[%get3A_223, %get3A_224] {strides = array<i32>} : memref<8x200xi32, #tpu.memory_space<vmem>>, vector<16xi32>,
      %ge3A_226 = arith.cmpi sge, %get3A_225, %broadcast_in_dim3A_10 : vector<16xi32>
      %sub3A_227 = arith.subi %get3A_225, %broadcast_in_dim3A_10 : vector<16xi32>
      %select_n3A_228 = arith.select %ge3A_226, %sub3A_227, %get3A_225 : vector<16xi1>, vector<16xi32>
      %add3A_229 = arith.addi %broadcast_in_dim3A_206, %select_n3A_228 : vector<16xi32>
      %swap3A_230 = arith.constant 216 : index
      %swap3A_231 = tpu.vector_load %arg6[%swap3A_230] {strides = array<i32>} : memref<1600xi32, #tpu.memory_space<vmem>>, vector<16xi32>,
      tpu.vector_store %arg6[%swap3A_230], %add3A_229 {strides = array<i32>} : memref<1600xi32, #tpu.memory_space<vmem>>, vector<16xi32>,
      %broadcast_in_dim3A_232 = arith.constant 1 : i32
      %broadcast_in_dim3A_233 = vector.broadcast %broadcast_in_dim3A_232 : i32 to vector<16xi32>
      %select_n3A_234 = arith.select %ge3A_226, %broadcast_in_dim3A_233, %broadcast_in_dim3A_12 : vector<16xi1>, vector<16xi32>
      %swap3A_235 = arith.constant 216 : index
      %swap3A_236 = tpu.vector_load %arg7[%swap3A_235] {strides = array<i32>} : memref<1600xi32, #tpu.memory_space<vmem>>, vector<16xi32>,
      tpu.vector_store %arg7[%swap3A_235], %select_n3A_234 {strides = array<i32>} : memref<1600xi32, #tpu.memory_space<vmem>>, vector<16xi32>,
      %get3A_237 = arith.constant 1 : i32
      %get3A_238 = arith.index_cast %get3A_237 : i32 to index
      %get3A_239 = arith.constant 32 : index
      %get3A_240 = tpu.vector_load %arg5[%get3A_238, %get3A_239] {strides = array<i32>} : memref<8x200xi32, #tpu.memory_space<vmem>>, vector<16xi32>,
      %ge3A_241 = arith.cmpi sge, %get3A_240, %broadcast_in_dim3A_10 : vector<16xi32>
      %sub3A_242 = arith.subi %get3A_240, %broadcast_in_dim3A_10 : vector<16xi32>
      %select_n3A_243 = arith.select %ge3A_241, %sub3A_242, %get3A_240 : vector<16xi1>, vector<16xi32>
      %add3A_244 = arith.addi %broadcast_in_dim3A_206, %select_n3A_243 : vector<16xi32>
      %swap3A_245 = arith.constant 232 : index
      %swap3A_246 = tpu.vector_load %arg6[%swap3A_245] {strides = array<i32>} : memref<1600xi32, #tpu.memory_space<vmem>>, vector<16xi32>,
      tpu.vector_store %arg6[%swap3A_245], %add3A_244 {strides = array<i32>} : memref<1600xi32, #tpu.memory_space<vmem>>, vector<16xi32>,
      %broadcast_in_dim3A_247 = arith.constant 1 : i32
      %broadcast_in_dim3A_248 = vector.broadcast %broadcast_in_dim3A_247 : i32 to vector<16xi32>
      %select_n3A_249 = arith.select %ge3A_241, %broadcast_in_dim3A_248, %broadcast_in_dim3A_12 : vector<16xi1>, vector<16xi32>
      %swap3A_250 = arith.constant 232 : index
      %swap3A_251 = tpu.vector_load %arg7[%swap3A_250] {strides = array<i32>} : memref<1600xi32, #tpu.memory_space<vmem>>, vector<16xi32>,
      tpu.vector_store %arg7[%swap3A_250], %select_n3A_249 {strides = array<i32>} : memref<1600xi32, #tpu.memory_space<vmem>>, vector<16xi32>,
      %get3A_252 = arith.constant 1 : i32
      %get3A_253 = arith.index_cast %get3A_252 : i32 to index
      %get3A_254 = arith.constant 48 : index
      %get3A_255 = tpu.vector_load %arg5[%get3A_253, %get3A_254] {strides = array<i32>} : memref<8x200xi32, #tpu.memory_space<vmem>>, vector<16xi32>,
      %ge3A_256 = arith.cmpi sge, %get3A_255, %broadcast_in_dim3A_10 : vector<16xi32>
      %sub3A_257 = arith.subi %get3A_255, %broadcast_in_dim3A_10 : vector<16xi32>
      %select_n3A_258 = arith.select %ge3A_256, %sub3A_257, %get3A_255 : vector<16xi1>, vector<16xi32>
      %add3A_259 = arith.addi %broadcast_in_dim3A_206, %select_n3A_258 : vector<16xi32>
      %swap3A_260 = arith.constant 248 : index
      %swap3A_261 = tpu.vector_load %arg6[%swap3A_260] {strides = array<i32>} : memref<1600xi32, #tpu.memory_space<vmem>>, vector<16xi32>,
      tpu.vector_store %arg6[%swap3A_260], %add3A_259 {strides = array<i32>} : memref<1600xi32, #tpu.memory_space<vmem>>, vector<16xi32>,
      %broadcast_in_dim3A_262 = arith.constant 1 : i32
      %broadcast_in_dim3A_263 = vector.broadcast %broadcast_in_dim3A_262 : i32 to vector<16xi32>
      %select_n3A_264 = arith.select %ge3A_256, %broadcast_in_dim3A_263, %broadcast_in_dim3A_12 : vector<16xi1>, vector<16xi32>
      %swap3A_265 = arith.constant 248 : index
      %swap3A_266 = tpu.vector_load %arg7[%swap3A_265] {strides = array<i32>} : memref<1600xi32, #tpu.memory_space<vmem>>, vector<16xi32>,
      tpu.vector_store %arg7[%swap3A_265], %select_n3A_264 {strides = array<i32>} : memref<1600xi32, #tpu.memory_space<vmem>>, vector<16xi32>,
      %get3A_267 = arith.constant 1 : i32
      %get3A_268 = arith.index_cast %get3A_267 : i32 to index
      %get3A_269 = arith.constant 64 : index
      %get3A_270 = tpu.vector_load %arg5[%get3A_268, %get3A_269] {strides = array<i32>} : memref<8x200xi32, #tpu.memory_space<vmem>>, vector<16xi32>,
      %ge3A_271 = arith.cmpi sge, %get3A_270, %broadcast_in_dim3A_10 : vector<16xi32>
      %sub3A_272 = arith.subi %get3A_270, %broadcast_in_dim3A_10 : vector<16xi32>
      %select_n3A_273 = arith.select %ge3A_271, %sub3A_272, %get3A_270 : vector<16xi1>, vector<16xi32>
      %add3A_274 = arith.addi %broadcast_in_dim3A_206, %select_n3A_273 : vector<16xi32>
      %swap3A_275 = arith.constant 264 : index
      %swap3A_276 = tpu.vector_load %arg6[%swap3A_275] {strides = array<i32>} : memref<1600xi32, #tpu.memory_space<vmem>>, vector<16xi32>,
      tpu.vector_store %arg6[%swap3A_275], %add3A_274 {strides = array<i32>} : memref<1600xi32, #tpu.memory_space<vmem>>, vector<16xi32>,
      %broadcast_in_dim3A_277 = arith.constant 1 : i32
      %broadcast_in_dim3A_278 = vector.broadcast %broadcast_in_dim3A_277 : i32 to vector<16xi32>
      %select_n3A_279 = arith.select %ge3A_271, %broadcast_in_dim3A_278, %broadcast_in_dim3A_12 : vector<16xi1>, vector<16xi32>
      %swap3A_280 = arith.constant 264 : index
      %swap3A_281 = tpu.vector_load %arg7[%swap3A_280] {strides = array<i32>} : memref<1600xi32, #tpu.memory_space<vmem>>, vector<16xi32>,
      tpu.vector_store %arg7[%swap3A_280], %select_n3A_279 {strides = array<i32>} : memref<1600xi32, #tpu.memory_space<vmem>>, vector<16xi32>,
      %get3A_282 = arith.constant 1 : i32
      %get3A_283 = arith.index_cast %get3A_282 : i32 to index
      %get3A_284 = arith.constant 80 : index
      %get3A_285 = tpu.vector_load %arg5[%get3A_283, %get3A_284] {strides = array<i32>} : memref<8x200xi32, #tpu.memory_space<vmem>>, vector<16xi32>,
      %ge3A_286 = arith.cmpi sge, %get3A_285, %broadcast_in_dim3A_10 : vector<16xi32>
      %sub3A_287 = arith.subi %get3A_285, %broadcast_in_dim3A_10 : vector<16xi32>
      %select_n3A_288 = arith.select %ge3A_286, %sub3A_287, %get3A_285 : vector<16xi1>, vector<16xi32>
      %add3A_289 = arith.addi %broadcast_in_dim3A_206, %select_n3A_288 : vector<16xi32>
      %swap3A_290 = arith.constant 280 : index
      %swap3A_291 = tpu.vector_load %arg6[%swap3A_290] {strides = array<i32>} : memref<1600xi32, #tpu.memory_space<vmem>>, vector<16xi32>,
      tpu.vector_store %arg6[%swap3A_290], %add3A_289 {strides = array<i32>} : memref<1600xi32, #tpu.memory_space<vmem>>, vector<16xi32>,
      %broadcast_in_dim3A_292 = arith.constant 1 : i32
      %broadcast_in_dim3A_293 = vector.broadcast %broadcast_in_dim3A_292 : i32 to vector<16xi32>
      %select_n3A_294 = arith.select %ge3A_286, %broadcast_in_dim3A_293, %broadcast_in_dim3A_12 : vector<16xi1>, vector<16xi32>
      %swap3A_295 = arith.constant 280 : index
      %swap3A_296 = tpu.vector_load %arg7[%swap3A_295] {strides = array<i32>} : memref<1600xi32, #tpu.memory_space<vmem>>, vector<16xi32>,
      tpu.vector_store %arg7[%swap3A_295], %select_n3A_294 {strides = array<i32>} : memref<1600xi32, #tpu.memory_space<vmem>>, vector<16xi32>,
      %get3A_297 = arith.constant 1 : i32
      %get3A_298 = arith.index_cast %get3A_297 : i32 to index
      %get3A_299 = arith.constant 96 : index
      %get3A_300 = tpu.vector_load %arg5[%get3A_298, %get3A_299] {strides = array<i32>} : memref<8x200xi32, #tpu.memory_space<vmem>>, vector<16xi32>,
      %ge3A_301 = arith.cmpi sge, %get3A_300, %broadcast_in_dim3A_10 : vector<16xi32>
      %sub3A_302 = arith.subi %get3A_300, %broadcast_in_dim3A_10 : vector<16xi32>
      %select_n3A_303 = arith.select %ge3A_301, %sub3A_302, %get3A_300 : vector<16xi1>, vector<16xi32>
      %add3A_304 = arith.addi %broadcast_in_dim3A_206, %select_n3A_303 : vector<16xi32>
      %swap3A_305 = arith.constant 296 : index
      %swap3A_306 = tpu.vector_load %arg6[%swap3A_305] {strides = array<i32>} : memref<1600xi32, #tpu.memory_space<vmem>>, vector<16xi32>,
      tpu.vector_store %arg6[%swap3A_305], %add3A_304 {strides = array<i32>} : memref<1600xi32, #tpu.memory_space<vmem>>, vector<16xi32>,
      %broadcast_in_dim3A_307 = arith.constant 1 : i32
      %broadcast_in_dim3A_308 = vector.broadcast %broadcast_in_dim3A_307 : i32 to vector<16xi32>
      %select_n3A_309 = arith.select %ge3A_301, %broadcast_in_dim3A_308, %broadcast_in_dim3A_12 : vector<16xi1>, vector<16xi32>
      %swap3A_310 = arith.constant 296 : index
      %swap3A_311 = tpu.vector_load %arg7[%swap3A_310] {strides = array<i32>} : memref<1600xi32, #tpu.memory_space<vmem>>, vector<16xi32>,
      tpu.vector_store %arg7[%swap3A_310], %select_n3A_309 {strides = array<i32>} : memref<1600xi32, #tpu.memory_space<vmem>>, vector<16xi32>,
      %get3A_312 = arith.constant 1 : i32
      %get3A_313 = arith.index_cast %get3A_312 : i32 to index
      %get3A_314 = arith.constant 112 : index
      %get3A_315 = tpu.vector_load %arg5[%get3A_313, %get3A_314] {strides = array<i32>} : memref<8x200xi32, #tpu.memory_space<vmem>>, vector<16xi32>,
      %ge3A_316 = arith.cmpi sge, %get3A_315, %broadcast_in_dim3A_10 : vector<16xi32>
      %sub3A_317 = arith.subi %get3A_315, %broadcast_in_dim3A_10 : vector<16xi32>
      %select_n3A_318 = arith.select %ge3A_316, %sub3A_317, %get3A_315 : vector<16xi1>, vector<16xi32>
      %add3A_319 = arith.addi %broadcast_in_dim3A_206, %select_n3A_318 : vector<16xi32>
      %swap3A_320 = arith.constant 312 : index
      %swap3A_321 = tpu.vector_load %arg6[%swap3A_320] {strides = array<i32>} : memref<1600xi32, #tpu.memory_space<vmem>>, vector<16xi32>,
      tpu.vector_store %arg6[%swap3A_320], %add3A_319 {strides = array<i32>} : memref<1600xi32, #tpu.memory_space<vmem>>, vector<16xi32>,
      %broadcast_in_dim3A_322 = arith.constant 1 : i32
      %broadcast_in_dim3A_323 = vector.broadcast %broadcast_in_dim3A_322 : i32 to vector<16xi32>
      %select_n3A_324 = arith.select %ge3A_316, %broadcast_in_dim3A_323, %broadcast_in_dim3A_12 : vector<16xi1>, vector<16xi32>
      %swap3A_325 = arith.constant 312 : index
      %swap3A_326 = tpu.vector_load %arg7[%swap3A_325] {strides = array<i32>} : memref<1600xi32, #tpu.memory_space<vmem>>, vector<16xi32>,
      tpu.vector_store %arg7[%swap3A_325], %select_n3A_324 {strides = array<i32>} : memref<1600xi32, #tpu.memory_space<vmem>>, vector<16xi32>,
      %get3A_327 = arith.constant 1 : i32
      %get3A_328 = arith.index_cast %get3A_327 : i32 to index
      %get3A_329 = arith.constant 128 : index
      %get3A_330 = tpu.vector_load %arg5[%get3A_328, %get3A_329] {strides = array<i32>} : memref<8x200xi32, #tpu.memory_space<vmem>>, vector<16xi32>,
      %ge3A_331 = arith.cmpi sge, %get3A_330, %broadcast_in_dim3A_10 : vector<16xi32>
      %sub3A_332 = arith.subi %get3A_330, %broadcast_in_dim3A_10 : vector<16xi32>
      %select_n3A_333 = arith.select %ge3A_331, %sub3A_332, %get3A_330 : vector<16xi1>, vector<16xi32>
      %add3A_334 = arith.addi %broadcast_in_dim3A_206, %select_n3A_333 : vector<16xi32>
      %swap3A_335 = arith.constant 328 : index
      %swap3A_336 = tpu.vector_load %arg6[%swap3A_335] {strides = array<i32>} : memref<1600xi32, #tpu.memory_space<vmem>>, vector<16xi32>,
      tpu.vector_store %arg6[%swap3A_335], %add3A_334 {strides = array<i32>} : memref<1600xi32, #tpu.memory_space<vmem>>, vector<16xi32>,
      %broadcast_in_dim3A_337 = arith.constant 1 : i32
      %broadcast_in_dim3A_338 = vector.broadcast %broadcast_in_dim3A_337 : i32 to vector<16xi32>
      %select_n3A_339 = arith.select %ge3A_331, %broadcast_in_dim3A_338, %broadcast_in_dim3A_12 : vector<16xi1>, vector<16xi32>
      %swap3A_340 = arith.constant 328 : index
      %swap3A_341 = tpu.vector_load %arg7[%swap3A_340] {strides = array<i32>} : memref<1600xi32, #tpu.memory_space<vmem>>, vector<16xi32>,
      tpu.vector_store %arg7[%swap3A_340], %select_n3A_339 {strides = array<i32>} : memref<1600xi32, #tpu.memory_space<vmem>>, vector<16xi32>,
      %get3A_342 = arith.constant 1 : i32
      %get3A_343 = arith.index_cast %get3A_342 : i32 to index
      %get3A_344 = arith.constant 144 : index
      %get3A_345 = tpu.vector_load %arg5[%get3A_343, %get3A_344] {strides = array<i32>} : memref<8x200xi32, #tpu.memory_space<vmem>>, vector<16xi32>,
      %ge3A_346 = arith.cmpi sge, %get3A_345, %broadcast_in_dim3A_10 : vector<16xi32>
      %sub3A_347 = arith.subi %get3A_345, %broadcast_in_dim3A_10 : vector<16xi32>
      %select_n3A_348 = arith.select %ge3A_346, %sub3A_347, %get3A_345 : vector<16xi1>, vector<16xi32>
      %add3A_349 = arith.addi %broadcast_in_dim3A_206, %select_n3A_348 : vector<16xi32>
      %swap3A_350 = arith.constant 344 : index
      %swap3A_351 = tpu.vector_load %arg6[%swap3A_350] {strides = array<i32>} : memref<1600xi32, #tpu.memory_space<vmem>>, vector<16xi32>,
      tpu.vector_store %arg6[%swap3A_350], %add3A_349 {strides = array<i32>} : memref<1600xi32, #tpu.memory_space<vmem>>, vector<16xi32>,
      %broadcast_in_dim3A_352 = arith.constant 1 : i32
      %broadcast_in_dim3A_353 = vector.broadcast %broadcast_in_dim3A_352 : i32 to vector<16xi32>
      %select_n3A_354 = arith.select %ge3A_346, %broadcast_in_dim3A_353, %broadcast_in_dim3A_12 : vector<16xi1>, vector<16xi32>
      %swap3A_355 = arith.constant 344 : index
      %swap3A_356 = tpu.vector_load %arg7[%swap3A_355] {strides = array<i32>} : memref<1600xi32, #tpu.memory_space<vmem>>, vector<16xi32>,
      tpu.vector_store %arg7[%swap3A_355], %select_n3A_354 {strides = array<i32>} : memref<1600xi32, #tpu.memory_space<vmem>>, vector<16xi32>,
      %get3A_357 = arith.constant 1 : i32
      %get3A_358 = arith.index_cast %get3A_357 : i32 to index
      %get3A_359 = arith.constant 160 : index
      %get3A_360 = tpu.vector_load %arg5[%get3A_358, %get3A_359] {strides = array<i32>} : memref<8x200xi32, #tpu.memory_space<vmem>>, vector<16xi32>,
      %ge3A_361 = arith.cmpi sge, %get3A_360, %broadcast_in_dim3A_10 : vector<16xi32>
      %sub3A_362 = arith.subi %get3A_360, %broadcast_in_dim3A_10 : vector<16xi32>
      %select_n3A_363 = arith.select %ge3A_361, %sub3A_362, %get3A_360 : vector<16xi1>, vector<16xi32>
      %add3A_364 = arith.addi %broadcast_in_dim3A_206, %select_n3A_363 : vector<16xi32>
      %swap3A_365 = arith.constant 360 : index
      %swap3A_366 = tpu.vector_load %arg6[%swap3A_365] {strides = array<i32>} : memref<1600xi32, #tpu.memory_space<vmem>>, vector<16xi32>,
      tpu.vector_store %arg6[%swap3A_365], %add3A_364 {strides = array<i32>} : memref<1600xi32, #tpu.memory_space<vmem>>, vector<16xi32>,
      %broadcast_in_dim3A_367 = arith.constant 1 : i32
      %broadcast_in_dim3A_368 = vector.broadcast %broadcast_in_dim3A_367 : i32 to vector<16xi32>
      %select_n3A_369 = arith.select %ge3A_361, %broadcast_in_dim3A_368, %broadcast_in_dim3A_12 : vector<16xi1>, vector<16xi32>
      %swap3A_370 = arith.constant 360 : index
      %swap3A_371 = tpu.vector_load %arg7[%swap3A_370] {strides = array<i32>} : memref<1600xi32, #tpu.memory_space<vmem>>, vector<16xi32>,
      tpu.vector_store %arg7[%swap3A_370], %select_n3A_369 {strides = array<i32>} : memref<1600xi32, #tpu.memory_space<vmem>>, vector<16xi32>,
      %get3A_372 = arith.constant 1 : i32
      %get3A_373 = arith.index_cast %get3A_372 : i32 to index
      %get3A_374 = arith.constant 176 : index
      %get3A_375 = tpu.vector_load %arg5[%get3A_373, %get3A_374] {strides = array<i32>} : memref<8x200xi32, #tpu.memory_space<vmem>>, vector<16xi32>,
      %ge3A_376 = arith.cmpi sge, %get3A_375, %broadcast_in_dim3A_10 : vector<16xi32>
      %sub3A_377 = arith.subi %get3A_375, %broadcast_in_dim3A_10 : vector<16xi32>
      %select_n3A_378 = arith.select %ge3A_376, %sub3A_377, %get3A_375 : vector<16xi1>, vector<16xi32>
      %add3A_379 = arith.addi %broadcast_in_dim3A_206, %select_n3A_378 : vector<16xi32>
      %swap3A_380 = arith.constant 376 : index
      %swap3A_381 = tpu.vector_load %arg6[%swap3A_380] {strides = array<i32>} : memref<1600xi32, #tpu.memory_space<vmem>>, vector<16xi32>,
      tpu.vector_store %arg6[%swap3A_380], %add3A_379 {strides = array<i32>} : memref<1600xi32, #tpu.memory_space<vmem>>, vector<16xi32>,
      %broadcast_in_dim3A_382 = arith.constant 1 : i32
      %broadcast_in_dim3A_383 = vector.broadcast %broadcast_in_dim3A_382 : i32 to vector<16xi32>
      %select_n3A_384 = arith.select %ge3A_376, %broadcast_in_dim3A_383, %broadcast_in_dim3A_12 : vector<16xi1>, vector<16xi32>
      %swap3A_385 = arith.constant 376 : index
      %swap3A_386 = tpu.vector_load %arg7[%swap3A_385] {strides = array<i32>} : memref<1600xi32, #tpu.memory_space<vmem>>, vector<16xi32>,
      tpu.vector_store %arg7[%swap3A_385], %select_n3A_384 {strides = array<i32>} : memref<1600xi32, #tpu.memory_space<vmem>>, vector<16xi32>,
      %get3A_387 = arith.constant 1 : i32
      %get3A_388 = arith.index_cast %get3A_387 : i32 to index
      %get3A_389 = arith.constant 184 : index
      %get3A_390 = tpu.vector_load %arg5[%get3A_388, %get3A_389] {strides = array<i32>} : memref<8x200xi32, #tpu.memory_space<vmem>>, vector<16xi32>,
      %ge3A_391 = arith.cmpi sge, %get3A_390, %broadcast_in_dim3A_10 : vector<16xi32>
      %sub3A_392 = arith.subi %get3A_390, %broadcast_in_dim3A_10 : vector<16xi32>
      %select_n3A_393 = arith.select %ge3A_391, %sub3A_392, %get3A_390 : vector<16xi1>, vector<16xi32>
      %add3A_394 = arith.addi %broadcast_in_dim3A_206, %select_n3A_393 : vector<16xi32>
      %swap3A_395 = arith.constant 384 : index
      %swap3A_396 = tpu.vector_load %arg6[%swap3A_395] {strides = array<i32>} : memref<1600xi32, #tpu.memory_space<vmem>>, vector<16xi32>,
      tpu.vector_store %arg6[%swap3A_395], %add3A_394 {strides = array<i32>} : memref<1600xi32, #tpu.memory_space<vmem>>, vector<16xi32>,
      %broadcast_in_dim3A_397 = arith.constant 1 : i32
      %broadcast_in_dim3A_398 = vector.broadcast %broadcast_in_dim3A_397 : i32 to vector<16xi32>
      %select_n3A_399 = arith.select %ge3A_391, %broadcast_in_dim3A_398, %broadcast_in_dim3A_12 : vector<16xi1>, vector<16xi32>
      %swap3A_400 = arith.constant 384 : index
      %swap3A_401 = tpu.vector_load %arg7[%swap3A_400] {strides = array<i32>} : memref<1600xi32, #tpu.memory_space<vmem>>, vector<16xi32>,
      tpu.vector_store %arg7[%swap3A_400], %select_n3A_399 {strides = array<i32>} : memref<1600xi32, #tpu.memory_space<vmem>>, vector<16xi32>,
      %broadcast_in_dim3A_402 = arith.constant 100096 : i32
      %broadcast_in_dim3A_403 = vector.broadcast %broadcast_in_dim3A_402 : i32 to vector<16xi32>
      %get3A_404 = arith.constant 2 : i32
      %get3A_405 = arith.index_cast %get3A_404 : i32 to index
      %get3A_406 = arith.constant 0 : index
      %get3A_407 = tpu.vector_load %arg5[%get3A_405, %get3A_406] {strides = array<i32>} : memref<8x200xi32, #tpu.memory_space<vmem>>, vector<16xi32>,
      %ge3A_408 = arith.cmpi sge, %get3A_407, %broadcast_in_dim3A_10 : vector<16xi32>
      %sub3A_409 = arith.subi %get3A_407, %broadcast_in_dim3A_10 : vector<16xi32>
      %select_n3A_410 = arith.select %ge3A_408, %sub3A_409, %get3A_407 : vector<16xi1>, vector<16xi32>
      %add3A_411 = arith.addi %broadcast_in_dim3A_403, %select_n3A_410 : vector<16xi32>
      %swap3A_412 = arith.constant 400 : index
      %swap3A_413 = tpu.vector_load %arg6[%swap3A_412] {strides = array<i32>} : memref<1600xi32, #tpu.memory_space<vmem>>, vector<16xi32>,
      tpu.vector_store %arg6[%swap3A_412], %add3A_411 {strides = array<i32>} : memref<1600xi32, #tpu.memory_space<vmem>>, vector<16xi32>,
      %broadcast_in_dim3A_414 = arith.constant 1 : i32
      %broadcast_in_dim3A_415 = vector.broadcast %broadcast_in_dim3A_414 : i32 to vector<16xi32>
      %select_n3A_416 = arith.select %ge3A_408, %broadcast_in_dim3A_415, %broadcast_in_dim3A_12 : vector<16xi1>, vector<16xi32>
      %swap3A_417 = arith.constant 400 : index
      %swap3A_418 = tpu.vector_load %arg7[%swap3A_417] {strides = array<i32>} : memref<1600xi32, #tpu.memory_space<vmem>>, vector<16xi32>,
      tpu.vector_store %arg7[%swap3A_417], %select_n3A_416 {strides = array<i32>} : memref<1600xi32, #tpu.memory_space<vmem>>, vector<16xi32>,
      %get3A_419 = arith.constant 2 : i32
      %get3A_420 = arith.index_cast %get3A_419 : i32 to index
      %get3A_421 = arith.constant 16 : index
      %get3A_422 = tpu.vector_load %arg5[%get3A_420, %get3A_421] {strides = array<i32>} : memref<8x200xi32, #tpu.memory_space<vmem>>, vector<16xi32>,
      %ge3A_423 = arith.cmpi sge, %get3A_422, %broadcast_in_dim3A_10 : vector<16xi32>
      %sub3A_424 = arith.subi %get3A_422, %broadcast_in_dim3A_10 : vector<16xi32>
      %select_n3A_425 = arith.select %ge3A_423, %sub3A_424, %get3A_422 : vector<16xi1>, vector<16xi32>
      %add3A_426 = arith.addi %broadcast_in_dim3A_403, %select_n3A_425 : vector<16xi32>
      %swap3A_427 = arith.constant 416 : index
      %swap3A_428 = tpu.vector_load %arg6[%swap3A_427] {strides = array<i32>} : memref<1600xi32, #tpu.memory_space<vmem>>, vector<16xi32>,
      tpu.vector_store %arg6[%swap3A_427], %add3A_426 {strides = array<i32>} : memref<1600xi32, #tpu.memory_space<vmem>>, vector<16xi32>,
      %broadcast_in_dim3A_429 = arith.constant 1 : i32
      %broadcast_in_dim3A_430 = vector.broadcast %broadcast_in_dim3A_429 : i32 to vector<16xi32>
      %select_n3A_431 = arith.select %ge3A_423, %broadcast_in_dim3A_430, %broadcast_in_dim3A_12 : vector<16xi1>, vector<16xi32>
      %swap3A_432 = arith.constant 416 : index
      %swap3A_433 = tpu.vector_load %arg7[%swap3A_432] {strides = array<i32>} : memref<1600xi32, #tpu.memory_space<vmem>>, vector<16xi32>,
      tpu.vector_store %arg7[%swap3A_432], %select_n3A_431 {strides = array<i32>} : memref<1600xi32, #tpu.memory_space<vmem>>, vector<16xi32>,
      %get3A_434 = arith.constant 2 : i32
      %get3A_435 = arith.index_cast %get3A_434 : i32 to index
      %get3A_436 = arith.constant 32 : index
      %get3A_437 = tpu.vector_load %arg5[%get3A_435, %get3A_436] {strides = array<i32>} : memref<8x200xi32, #tpu.memory_space<vmem>>, vector<16xi32>,
      %ge3A_438 = arith.cmpi sge, %get3A_437, %broadcast_in_dim3A_10 : vector<16xi32>
      %sub3A_439 = arith.subi %get3A_437, %broadcast_in_dim3A_10 : vector<16xi32>
      %select_n3A_440 = arith.select %ge3A_438, %sub3A_439, %get3A_437 : vector<16xi1>, vector<16xi32>
      %add3A_441 = arith.addi %broadcast_in_dim3A_403, %select_n3A_440 : vector<16xi32>
      %swap3A_442 = arith.constant 432 : index
      %swap3A_443 = tpu.vector_load %arg6[%swap3A_442] {strides = array<i32>} : memref<1600xi32, #tpu.memory_space<vmem>>, vector<16xi32>,
      tpu.vector_store %arg6[%swap3A_442], %add3A_441 {strides = array<i32>} : memref<1600xi32, #tpu.memory_space<vmem>>, vector<16xi32>,
      %broadcast_in_dim3A_444 = arith.constant 1 : i32
      %broadcast_in_dim3A_445 = vector.broadcast %broadcast_in_dim3A_444 : i32 to vector<16xi32>
      %select_n3A_446 = arith.select %ge3A_438, %broadcast_in_dim3A_445, %broadcast_in_dim3A_12 : vector<16xi1>, vector<16xi32>
      %swap3A_447 = arith.constant 432 : index
      %swap3A_448 = tpu.vector_load %arg7[%swap3A_447] {strides = array<i32>} : memref<1600xi32, #tpu.memory_space<vmem>>, vector<16xi32>,
      tpu.vector_store %arg7[%swap3A_447], %select_n3A_446 {strides = array<i32>} : memref<1600xi32, #tpu.memory_space<vmem>>, vector<16xi32>,
      %get3A_449 = arith.constant 2 : i32
      %get3A_450 = arith.index_cast %get3A_449 : i32 to index
      %get3A_451 = arith.constant 48 : index
      %get3A_452 = tpu.vector_load %arg5[%get3A_450, %get3A_451] {strides = array<i32>} : memref<8x200xi32, #tpu.memory_space<vmem>>, vector<16xi32>,
      %ge3A_453 = arith.cmpi sge, %get3A_452, %broadcast_in_dim3A_10 : vector<16xi32>
      %sub3A_454 = arith.subi %get3A_452, %broadcast_in_dim3A_10 : vector<16xi32>
      %select_n3A_455 = arith.select %ge3A_453, %sub3A_454, %get3A_452 : vector<16xi1>, vector<16xi32>
      %add3A_456 = arith.addi %broadcast_in_dim3A_403, %select_n3A_455 : vector<16xi32>
      %swap3A_457 = arith.constant 448 : index
      %swap3A_458 = tpu.vector_load %arg6[%swap3A_457] {strides = array<i32>} : memref<1600xi32, #tpu.memory_space<vmem>>, vector<16xi32>,
      tpu.vector_store %arg6[%swap3A_457], %add3A_456 {strides = array<i32>} : memref<1600xi32, #tpu.memory_space<vmem>>, vector<16xi32>,
      %broadcast_in_dim3A_459 = arith.constant 1 : i32
      %broadcast_in_dim3A_460 = vector.broadcast %broadcast_in_dim3A_459 : i32 to vector<16xi32>
      %select_n3A_461 = arith.select %ge3A_453, %broadcast_in_dim3A_460, %broadcast_in_dim3A_12 : vector<16xi1>, vector<16xi32>
      %swap3A_462 = arith.constant 448 : index
      %swap3A_463 = tpu.vector_load %arg7[%swap3A_462] {strides = array<i32>} : memref<1600xi32, #tpu.memory_space<vmem>>, vector<16xi32>,
      tpu.vector_store %arg7[%swap3A_462], %select_n3A_461 {strides = array<i32>} : memref<1600xi32, #tpu.memory_space<vmem>>, vector<16xi32>,
      %get3A_464 = arith.constant 2 : i32
      %get3A_465 = arith.index_cast %get3A_464 : i32 to index
      %get3A_466 = arith.constant 64 : index
      %get3A_467 = tpu.vector_load %arg5[%get3A_465, %get3A_466] {strides = array<i32>} : memref<8x200xi32, #tpu.memory_space<vmem>>, vector<16xi32>,
      %ge3A_468 = arith.cmpi sge, %get3A_467, %broadcast_in_dim3A_10 : vector<16xi32>
      %sub3A_469 = arith.subi %get3A_467, %broadcast_in_dim3A_10 : vector<16xi32>
      %select_n3A_470 = arith.select %ge3A_468, %sub3A_469, %get3A_467 : vector<16xi1>, vector<16xi32>
      %add3A_471 = arith.addi %broadcast_in_dim3A_403, %select_n3A_470 : vector<16xi32>
      %swap3A_472 = arith.constant 464 : index
      %swap3A_473 = tpu.vector_load %arg6[%swap3A_472] {strides = array<i32>} : memref<1600xi32, #tpu.memory_space<vmem>>, vector<16xi32>,
      tpu.vector_store %arg6[%swap3A_472], %add3A_471 {strides = array<i32>} : memref<1600xi32, #tpu.memory_space<vmem>>, vector<16xi32>,
      %broadcast_in_dim3A_474 = arith.constant 1 : i32
      %broadcast_in_dim3A_475 = vector.broadcast %broadcast_in_dim3A_474 : i32 to vector<16xi32>
      %select_n3A_476 = arith.select %ge3A_468, %broadcast_in_dim3A_475, %broadcast_in_dim3A_12 : vector<16xi1>, vector<16xi32>
      %swap3A_477 = arith.constant 464 : index
      %swap3A_478 = tpu.vector_load %arg7[%swap3A_477] {strides = array<i32>} : memref<1600xi32, #tpu.memory_space<vmem>>, vector<16xi32>,
      tpu.vector_store %arg7[%swap3A_477], %select_n3A_476 {strides = array<i32>} : memref<1600xi32, #tpu.memory_space<vmem>>, vector<16xi32>,
      %get3A_479 = arith.constant 2 : i32
      %get3A_480 = arith.index_cast %get3A_479 : i32 to index
      %get3A_481 = arith.constant 80 : index
      %get3A_482 = tpu.vector_load %arg5[%get3A_480, %get3A_481] {strides = array<i32>} : memref<8x200xi32, #tpu.memory_space<vmem>>, vector<16xi32>,
      %ge3A_483 = arith.cmpi sge, %get3A_482, %broadcast_in_dim3A_10 : vector<16xi32>
      %sub3A_484 = arith.subi %get3A_482, %broadcast_in_dim3A_10 : vector<16xi32>
      %select_n3A_485 = arith.select %ge3A_483, %sub3A_484, %get3A_482 : vector<16xi1>, vector<16xi32>
      %add3A_486 = arith.addi %broadcast_in_dim3A_403, %select_n3A_485 : vector<16xi32>
      %swap3A_487 = arith.constant 480 : index
      %swap3A_488 = tpu.vector_load %arg6[%swap3A_487] {strides = array<i32>} : memref<1600xi32, #tpu.memory_space<vmem>>, vector<16xi32>,
      tpu.vector_store %arg6[%swap3A_487], %add3A_486 {strides = array<i32>} : memref<1600xi32, #tpu.memory_space<vmem>>, vector<16xi32>,
      %broadcast_in_dim3A_489 = arith.constant 1 : i32
      %broadcast_in_dim3A_490 = vector.broadcast %broadcast_in_dim3A_489 : i32 to vector<16xi32>
      %select_n3A_491 = arith.select %ge3A_483, %broadcast_in_dim3A_490, %broadcast_in_dim3A_12 : vector<16xi1>, vector<16xi32>
      %swap3A_492 = arith.constant 480 : index
      %swap3A_493 = tpu.vector_load %arg7[%swap3A_492] {strides = array<i32>} : memref<1600xi32, #tpu.memory_space<vmem>>, vector<16xi32>,
      tpu.vector_store %arg7[%swap3A_492], %select_n3A_491 {strides = array<i32>} : memref<1600xi32, #tpu.memory_space<vmem>>, vector<16xi32>,
      %get3A_494 = arith.constant 2 : i32
      %get3A_495 = arith.index_cast %get3A_494 : i32 to index
      %get3A_496 = arith.constant 96 : index
      %get3A_497 = tpu.vector_load %arg5[%get3A_495, %get3A_496] {strides = array<i32>} : memref<8x200xi32, #tpu.memory_space<vmem>>, vector<16xi32>,
      %ge3A_498 = arith.cmpi sge, %get3A_497, %broadcast_in_dim3A_10 : vector<16xi32>
      %sub3A_499 = arith.subi %get3A_497, %broadcast_in_dim3A_10 : vector<16xi32>
      %select_n3A_500 = arith.select %ge3A_498, %sub3A_499, %get3A_497 : vector<16xi1>, vector<16xi32>
      %add3A_501 = arith.addi %broadcast_in_dim3A_403, %select_n3A_500 : vector<16xi32>
      %swap3A_502 = arith.constant 496 : index
      %swap3A_503 = tpu.vector_load %arg6[%swap3A_502] {strides = array<i32>} : memref<1600xi32, #tpu.memory_space<vmem>>, vector<16xi32>,
      tpu.vector_store %arg6[%swap3A_502], %add3A_501 {strides = array<i32>} : memref<1600xi32, #tpu.memory_space<vmem>>, vector<16xi32>,
      %broadcast_in_dim3A_504 = arith.constant 1 : i32
      %broadcast_in_dim3A_505 = vector.broadcast %broadcast_in_dim3A_504 : i32 to vector<16xi32>
      %select_n3A_506 = arith.select %ge3A_498, %broadcast_in_dim3A_505, %broadcast_in_dim3A_12 : vector<16xi1>, vector<16xi32>
      %swap3A_507 = arith.constant 496 : index
      %swap3A_508 = tpu.vector_load %arg7[%swap3A_507] {strides = array<i32>} : memref<1600xi32, #tpu.memory_space<vmem>>, vector<16xi32>,
      tpu.vector_store %arg7[%swap3A_507], %select_n3A_506 {strides = array<i32>} : memref<1600xi32, #tpu.memory_space<vmem>>, vector<16xi32>,
      %get3A_509 = arith.constant 2 : i32
      %get3A_510 = arith.index_cast %get3A_509 : i32 to index
      %get3A_511 = arith.constant 112 : index
      %get3A_512 = tpu.vector_load %arg5[%get3A_510, %get3A_511] {strides = array<i32>} : memref<8x200xi32, #tpu.memory_space<vmem>>, vector<16xi32>,
      %ge3A_513 = arith.cmpi sge, %get3A_512, %broadcast_in_dim3A_10 : vector<16xi32>
      %sub3A_514 = arith.subi %get3A_512, %broadcast_in_dim3A_10 : vector<16xi32>
      %select_n3A_515 = arith.select %ge3A_513, %sub3A_514, %get3A_512 : vector<16xi1>, vector<16xi32>
      %add3A_516 = arith.addi %broadcast_in_dim3A_403, %select_n3A_515 : vector<16xi32>
      %swap3A_517 = arith.constant 512 : index
      %swap3A_518 = tpu.vector_load %arg6[%swap3A_517] {strides = array<i32>} : memref<1600xi32, #tpu.memory_space<vmem>>, vector<16xi32>,
      tpu.vector_store %arg6[%swap3A_517], %add3A_516 {strides = array<i32>} : memref<1600xi32, #tpu.memory_space<vmem>>, vector<16xi32>,
      %broadcast_in_dim3A_519 = arith.constant 1 : i32
      %broadcast_in_dim3A_520 = vector.broadcast %broadcast_in_dim3A_519 : i32 to vector<16xi32>
      %select_n3A_521 = arith.select %ge3A_513, %broadcast_in_dim3A_520, %broadcast_in_dim3A_12 : vector<16xi1>, vector<16xi32>
      %swap3A_522 = arith.constant 512 : index
      %swap3A_523 = tpu.vector_load %arg7[%swap3A_522] {strides = array<i32>} : memref<1600xi32, #tpu.memory_space<vmem>>, vector<16xi32>,
      tpu.vector_store %arg7[%swap3A_522], %select_n3A_521 {strides = array<i32>} : memref<1600xi32, #tpu.memory_space<vmem>>, vector<16xi32>,
      %get3A_524 = arith.constant 2 : i32
      %get3A_525 = arith.index_cast %get3A_524 : i32 to index
      %get3A_526 = arith.constant 128 : index
      %get3A_527 = tpu.vector_load %arg5[%get3A_525, %get3A_526] {strides = array<i32>} : memref<8x200xi32, #tpu.memory_space<vmem>>, vector<16xi32>,
      %ge3A_528 = arith.cmpi sge, %get3A_527, %broadcast_in_dim3A_10 : vector<16xi32>
      %sub3A_529 = arith.subi %get3A_527, %broadcast_in_dim3A_10 : vector<16xi32>
      %select_n3A_530 = arith.select %ge3A_528, %sub3A_529, %get3A_527 : vector<16xi1>, vector<16xi32>
      %add3A_531 = arith.addi %broadcast_in_dim3A_403, %select_n3A_530 : vector<16xi32>
      %swap3A_532 = arith.constant 528 : index
      %swap3A_533 = tpu.vector_load %arg6[%swap3A_532] {strides = array<i32>} : memref<1600xi32, #tpu.memory_space<vmem>>, vector<16xi32>,
      tpu.vector_store %arg6[%swap3A_532], %add3A_531 {strides = array<i32>} : memref<1600xi32, #tpu.memory_space<vmem>>, vector<16xi32>,
      %broadcast_in_dim3A_534 = arith.constant 1 : i32
      %broadcast_in_dim3A_535 = vector.broadcast %broadcast_in_dim3A_534 : i32 to vector<16xi32>
      %select_n3A_536 = arith.select %ge3A_528, %broadcast_in_dim3A_535, %broadcast_in_dim3A_12 : vector<16xi1>, vector<16xi32>
      %swap3A_537 = arith.constant 528 : index
      %swap3A_538 = tpu.vector_load %arg7[%swap3A_537] {strides = array<i32>} : memref<1600xi32, #tpu.memory_space<vmem>>, vector<16xi32>,
      tpu.vector_store %arg7[%swap3A_537], %select_n3A_536 {strides = array<i32>} : memref<1600xi32, #tpu.memory_space<vmem>>, vector<16xi32>,
      %get3A_539 = arith.constant 2 : i32
      %get3A_540 = arith.index_cast %get3A_539 : i32 to index
      %get3A_541 = arith.constant 144 : index
      %get3A_542 = tpu.vector_load %arg5[%get3A_540, %get3A_541] {strides = array<i32>} : memref<8x200xi32, #tpu.memory_space<vmem>>, vector<16xi32>,
      %ge3A_543 = arith.cmpi sge, %get3A_542, %broadcast_in_dim3A_10 : vector<16xi32>
      %sub3A_544 = arith.subi %get3A_542, %broadcast_in_dim3A_10 : vector<16xi32>
      %select_n3A_545 = arith.select %ge3A_543, %sub3A_544, %get3A_542 : vector<16xi1>, vector<16xi32>
      %add3A_546 = arith.addi %broadcast_in_dim3A_403, %select_n3A_545 : vector<16xi32>
      %swap3A_547 = arith.constant 544 : index
      %swap3A_548 = tpu.vector_load %arg6[%swap3A_547] {strides = array<i32>} : memref<1600xi32, #tpu.memory_space<vmem>>, vector<16xi32>,
      tpu.vector_store %arg6[%swap3A_547], %add3A_546 {strides = array<i32>} : memref<1600xi32, #tpu.memory_space<vmem>>, vector<16xi32>,
      %broadcast_in_dim3A_549 = arith.constant 1 : i32
      %broadcast_in_dim3A_550 = vector.broadcast %broadcast_in_dim3A_549 : i32 to vector<16xi32>
      %select_n3A_551 = arith.select %ge3A_543, %broadcast_in_dim3A_550, %broadcast_in_dim3A_12 : vector<16xi1>, vector<16xi32>
      %swap3A_552 = arith.constant 544 : index
      %swap3A_553 = tpu.vector_load %arg7[%swap3A_552] {strides = array<i32>} : memref<1600xi32, #tpu.memory_space<vmem>>, vector<16xi32>,
      tpu.vector_store %arg7[%swap3A_552], %select_n3A_551 {strides = array<i32>} : memref<1600xi32, #tpu.memory_space<vmem>>, vector<16xi32>,
      %get3A_554 = arith.constant 2 : i32
      %get3A_555 = arith.index_cast %get3A_554 : i32 to index
      %get3A_556 = arith.constant 160 : index
      %get3A_557 = tpu.vector_load %arg5[%get3A_555, %get3A_556] {strides = array<i32>} : memref<8x200xi32, #tpu.memory_space<vmem>>, vector<16xi32>,
      %ge3A_558 = arith.cmpi sge, %get3A_557, %broadcast_in_dim3A_10 : vector<16xi32>
      %sub3A_559 = arith.subi %get3A_557, %broadcast_in_dim3A_10 : vector<16xi32>
      %select_n3A_560 = arith.select %ge3A_558, %sub3A_559, %get3A_557 : vector<16xi1>, vector<16xi32>
      %add3A_561 = arith.addi %broadcast_in_dim3A_403, %select_n3A_560 : vector<16xi32>
      %swap3A_562 = arith.constant 560 : index
      %swap3A_563 = tpu.vector_load %arg6[%swap3A_562] {strides = array<i32>} : memref<1600xi32, #tpu.memory_space<vmem>>, vector<16xi32>,
      tpu.vector_store %arg6[%swap3A_562], %add3A_561 {strides = array<i32>} : memref<1600xi32, #tpu.memory_space<vmem>>, vector<16xi32>,
      %broadcast_in_dim3A_564 = arith.constant 1 : i32
      %broadcast_in_dim3A_565 = vector.broadcast %broadcast_in_dim3A_564 : i32 to vector<16xi32>
      %select_n3A_566 = arith.select %ge3A_558, %broadcast_in_dim3A_565, %broadcast_in_dim3A_12 : vector<16xi1>, vector<16xi32>
      %swap3A_567 = arith.constant 560 : index
      %swap3A_568 = tpu.vector_load %arg7[%swap3A_567] {strides = array<i32>} : memref<1600xi32, #tpu.memory_space<vmem>>, vector<16xi32>,
      tpu.vector_store %arg7[%swap3A_567], %select_n3A_566 {strides = array<i32>} : memref<1600xi32, #tpu.memory_space<vmem>>, vector<16xi32>,
      %get3A_569 = arith.constant 2 : i32
      %get3A_570 = arith.index_cast %get3A_569 : i32 to index
      %get3A_571 = arith.constant 176 : index
      %get3A_572 = tpu.vector_load %arg5[%get3A_570, %get3A_571] {strides = array<i32>} : memref<8x200xi32, #tpu.memory_space<vmem>>, vector<16xi32>,
      %ge3A_573 = arith.cmpi sge, %get3A_572, %broadcast_in_dim3A_10 : vector<16xi32>
      %sub3A_574 = arith.subi %get3A_572, %broadcast_in_dim3A_10 : vector<16xi32>
      %select_n3A_575 = arith.select %ge3A_573, %sub3A_574, %get3A_572 : vector<16xi1>, vector<16xi32>
      %add3A_576 = arith.addi %broadcast_in_dim3A_403, %select_n3A_575 : vector<16xi32>
      %swap3A_577 = arith.constant 576 : index
      %swap3A_578 = tpu.vector_load %arg6[%swap3A_577] {strides = array<i32>} : memref<1600xi32, #tpu.memory_space<vmem>>, vector<16xi32>,
      tpu.vector_store %arg6[%swap3A_577], %add3A_576 {strides = array<i32>} : memref<1600xi32, #tpu.memory_space<vmem>>, vector<16xi32>,
      %broadcast_in_dim3A_579 = arith.constant 1 : i32
      %broadcast_in_dim3A_580 = vector.broadcast %broadcast_in_dim3A_579 : i32 to vector<16xi32>
      %select_n3A_581 = arith.select %ge3A_573, %broadcast_in_dim3A_580, %broadcast_in_dim3A_12 : vector<16xi1>, vector<16xi32>
      %swap3A_582 = arith.constant 576 : index
      %swap3A_583 = tpu.vector_load %arg7[%swap3A_582] {strides = array<i32>} : memref<1600xi32, #tpu.memory_space<vmem>>, vector<16xi32>,
      tpu.vector_store %arg7[%swap3A_582], %select_n3A_581 {strides = array<i32>} : memref<1600xi32, #tpu.memory_space<vmem>>, vector<16xi32>,
      %get3A_584 = arith.constant 2 : i32
      %get3A_585 = arith.index_cast %get3A_584 : i32 to index
      %get3A_586 = arith.constant 184 : index
      %get3A_587 = tpu.vector_load %arg5[%get3A_585, %get3A_586] {strides = array<i32>} : memref<8x200xi32, #tpu.memory_space<vmem>>, vector<16xi32>,
      %ge3A_588 = arith.cmpi sge, %get3A_587, %broadcast_in_dim3A_10 : vector<16xi32>
      %sub3A_589 = arith.subi %get3A_587, %broadcast_in_dim3A_10 : vector<16xi32>
      %select_n3A_590 = arith.select %ge3A_588, %sub3A_589, %get3A_587 : vector<16xi1>, vector<16xi32>
      %add3A_591 = arith.addi %broadcast_in_dim3A_403, %select_n3A_590 : vector<16xi32>
      %swap3A_592 = arith.constant 584 : index
      %swap3A_593 = tpu.vector_load %arg6[%swap3A_592] {strides = array<i32>} : memref<1600xi32, #tpu.memory_space<vmem>>, vector<16xi32>,
      tpu.vector_store %arg6[%swap3A_592], %add3A_591 {strides = array<i32>} : memref<1600xi32, #tpu.memory_space<vmem>>, vector<16xi32>,
      %broadcast_in_dim3A_594 = arith.constant 1 : i32
      %broadcast_in_dim3A_595 = vector.broadcast %broadcast_in_dim3A_594 : i32 to vector<16xi32>
      %select_n3A_596 = arith.select %ge3A_588, %broadcast_in_dim3A_595, %broadcast_in_dim3A_12 : vector<16xi1>, vector<16xi32>
      %swap3A_597 = arith.constant 584 : index
      %swap3A_598 = tpu.vector_load %arg7[%swap3A_597] {strides = array<i32>} : memref<1600xi32, #tpu.memory_space<vmem>>, vector<16xi32>,
      tpu.vector_store %arg7[%swap3A_597], %select_n3A_596 {strides = array<i32>} : memref<1600xi32, #tpu.memory_space<vmem>>, vector<16xi32>,
      %broadcast_in_dim3A_599 = arith.constant 150144 : i32
      %broadcast_in_dim3A_600 = vector.broadcast %broadcast_in_dim3A_599 : i32 to vector<16xi32>
      %get3A_601 = arith.constant 3 : i32
      %get3A_602 = arith.index_cast %get3A_601 : i32 to index
      %get3A_603 = arith.constant 0 : index
      %get3A_604 = tpu.vector_load %arg5[%get3A_602, %get3A_603] {strides = array<i32>} : memref<8x200xi32, #tpu.memory_space<vmem>>, vector<16xi32>,
      %ge3A_605 = arith.cmpi sge, %get3A_604, %broadcast_in_dim3A_10 : vector<16xi32>
      %sub3A_606 = arith.subi %get3A_604, %broadcast_in_dim3A_10 : vector<16xi32>
      %select_n3A_607 = arith.select %ge3A_605, %sub3A_606, %get3A_604 : vector<16xi1>, vector<16xi32>
      %add3A_608 = arith.addi %broadcast_in_dim3A_600, %select_n3A_607 : vector<16xi32>
      %swap3A_609 = arith.constant 600 : index
      %swap3A_610 = tpu.vector_load %arg6[%swap3A_609] {strides = array<i32>} : memref<1600xi32, #tpu.memory_space<vmem>>, vector<16xi32>,
      tpu.vector_store %arg6[%swap3A_609], %add3A_608 {strides = array<i32>} : memref<1600xi32, #tpu.memory_space<vmem>>, vector<16xi32>,
      %broadcast_in_dim3A_611 = arith.constant 1 : i32
      %broadcast_in_dim3A_612 = vector.broadcast %broadcast_in_dim3A_611 : i32 to vector<16xi32>
      %select_n3A_613 = arith.select %ge3A_605, %broadcast_in_dim3A_612, %broadcast_in_dim3A_12 : vector<16xi1>, vector<16xi32>
      %swap3A_614 = arith.constant 600 : index
      %swap3A_615 = tpu.vector_load %arg7[%swap3A_614] {strides = array<i32>} : memref<1600xi32, #tpu.memory_space<vmem>>, vector<16xi32>,
      tpu.vector_store %arg7[%swap3A_614], %select_n3A_613 {strides = array<i32>} : memref<1600xi32, #tpu.memory_space<vmem>>, vector<16xi32>,
      %get3A_616 = arith.constant 3 : i32
      %get3A_617 = arith.index_cast %get3A_616 : i32 to index
      %get3A_618 = arith.constant 16 : index
      %get3A_619 = tpu.vector_load %arg5[%get3A_617, %get3A_618] {strides = array<i32>} : memref<8x200xi32, #tpu.memory_space<vmem>>, vector<16xi32>,
      %ge3A_620 = arith.cmpi sge, %get3A_619, %broadcast_in_dim3A_10 : vector<16xi32>
      %sub3A_621 = arith.subi %get3A_619, %broadcast_in_dim3A_10 : vector<16xi32>
      %select_n3A_622 = arith.select %ge3A_620, %sub3A_621, %get3A_619 : vector<16xi1>, vector<16xi32>
      %add3A_623 = arith.addi %broadcast_in_dim3A_600, %select_n3A_622 : vector<16xi32>
      %swap3A_624 = arith.constant 616 : index
      %swap3A_625 = tpu.vector_load %arg6[%swap3A_624] {strides = array<i32>} : memref<1600xi32, #tpu.memory_space<vmem>>, vector<16xi32>,
      tpu.vector_store %arg6[%swap3A_624], %add3A_623 {strides = array<i32>} : memref<1600xi32, #tpu.memory_space<vmem>>, vector<16xi32>,
      %broadcast_in_dim3A_626 = arith.constant 1 : i32
      %broadcast_in_dim3A_627 = vector.broadcast %broadcast_in_dim3A_626 : i32 to vector<16xi32>
      %select_n3A_628 = arith.select %ge3A_620, %broadcast_in_dim3A_627, %broadcast_in_dim3A_12 : vector<16xi1>, vector<16xi32>
      %swap3A_629 = arith.constant 616 : index
      %swap3A_630 = tpu.vector_load %arg7[%swap3A_629] {strides = array<i32>} : memref<1600xi32, #tpu.memory_space<vmem>>, vector<16xi32>,
      tpu.vector_store %arg7[%swap3A_629], %select_n3A_628 {strides = array<i32>} : memref<1600xi32, #tpu.memory_space<vmem>>, vector<16xi32>,
      %get3A_631 = arith.constant 3 : i32
      %get3A_632 = arith.index_cast %get3A_631 : i32 to index
      %get3A_633 = arith.constant 32 : index
      %get3A_634 = tpu.vector_load %arg5[%get3A_632, %get3A_633] {strides = array<i32>} : memref<8x200xi32, #tpu.memory_space<vmem>>, vector<16xi32>,
      %ge3A_635 = arith.cmpi sge, %get3A_634, %broadcast_in_dim3A_10 : vector<16xi32>
      %sub3A_636 = arith.subi %get3A_634, %broadcast_in_dim3A_10 : vector<16xi32>
      %select_n3A_637 = arith.select %ge3A_635, %sub3A_636, %get3A_634 : vector<16xi1>, vector<16xi32>
      %add3A_638 = arith.addi %broadcast_in_dim3A_600, %select_n3A_637 : vector<16xi32>
      %swap3A_639 = arith.constant 632 : index
      %swap3A_640 = tpu.vector_load %arg6[%swap3A_639] {strides = array<i32>} : memref<1600xi32, #tpu.memory_space<vmem>>, vector<16xi32>,
      tpu.vector_store %arg6[%swap3A_639], %add3A_638 {strides = array<i32>} : memref<1600xi32, #tpu.memory_space<vmem>>, vector<16xi32>,
      %broadcast_in_dim3A_641 = arith.constant 1 : i32
      %broadcast_in_dim3A_642 = vector.broadcast %broadcast_in_dim3A_641 : i32 to vector<16xi32>
      %select_n3A_643 = arith.select %ge3A_635, %broadcast_in_dim3A_642, %broadcast_in_dim3A_12 : vector<16xi1>, vector<16xi32>
      %swap3A_644 = arith.constant 632 : index
      %swap3A_645 = tpu.vector_load %arg7[%swap3A_644] {strides = array<i32>} : memref<1600xi32, #tpu.memory_space<vmem>>, vector<16xi32>,
      tpu.vector_store %arg7[%swap3A_644], %select_n3A_643 {strides = array<i32>} : memref<1600xi32, #tpu.memory_space<vmem>>, vector<16xi32>,
      %get3A_646 = arith.constant 3 : i32
      %get3A_647 = arith.index_cast %get3A_646 : i32 to index
      %get3A_648 = arith.constant 48 : index
      %get3A_649 = tpu.vector_load %arg5[%get3A_647, %get3A_648] {strides = array<i32>} : memref<8x200xi32, #tpu.memory_space<vmem>>, vector<16xi32>,
      %ge3A_650 = arith.cmpi sge, %get3A_649, %broadcast_in_dim3A_10 : vector<16xi32>
      %sub3A_651 = arith.subi %get3A_649, %broadcast_in_dim3A_10 : vector<16xi32>
      %select_n3A_652 = arith.select %ge3A_650, %sub3A_651, %get3A_649 : vector<16xi1>, vector<16xi32>
      %add3A_653 = arith.addi %broadcast_in_dim3A_600, %select_n3A_652 : vector<16xi32>
      %swap3A_654 = arith.constant 648 : index
      %swap3A_655 = tpu.vector_load %arg6[%swap3A_654] {strides = array<i32>} : memref<1600xi32, #tpu.memory_space<vmem>>, vector<16xi32>,
      tpu.vector_store %arg6[%swap3A_654], %add3A_653 {strides = array<i32>} : memref<1600xi32, #tpu.memory_space<vmem>>, vector<16xi32>,
      %broadcast_in_dim3A_656 = arith.constant 1 : i32
      %broadcast_in_dim3A_657 = vector.broadcast %broadcast_in_dim3A_656 : i32 to vector<16xi32>
      %select_n3A_658 = arith.select %ge3A_650, %broadcast_in_dim3A_657, %broadcast_in_dim3A_12 : vector<16xi1>, vector<16xi32>
      %swap3A_659 = arith.constant 648 : index
      %swap3A_660 = tpu.vector_load %arg7[%swap3A_659] {strides = array<i32>} : memref<1600xi32, #tpu.memory_space<vmem>>, vector<16xi32>,
      tpu.vector_store %arg7[%swap3A_659], %select_n3A_658 {strides = array<i32>} : memref<1600xi32, #tpu.memory_space<vmem>>, vector<16xi32>,
      %get3A_661 = arith.constant 3 : i32
      %get3A_662 = arith.index_cast %get3A_661 : i32 to index
      %get3A_663 = arith.constant 64 : index
      %get3A_664 = tpu.vector_load %arg5[%get3A_662, %get3A_663] {strides = array<i32>} : memref<8x200xi32, #tpu.memory_space<vmem>>, vector<16xi32>,
      %ge3A_665 = arith.cmpi sge, %get3A_664, %broadcast_in_dim3A_10 : vector<16xi32>
      %sub3A_666 = arith.subi %get3A_664, %broadcast_in_dim3A_10 : vector<16xi32>
      %select_n3A_667 = arith.select %ge3A_665, %sub3A_666, %get3A_664 : vector<16xi1>, vector<16xi32>
      %add3A_668 = arith.addi %broadcast_in_dim3A_600, %select_n3A_667 : vector<16xi32>
      %swap3A_669 = arith.constant 664 : index
      %swap3A_670 = tpu.vector_load %arg6[%swap3A_669] {strides = array<i32>} : memref<1600xi32, #tpu.memory_space<vmem>>, vector<16xi32>,
      tpu.vector_store %arg6[%swap3A_669], %add3A_668 {strides = array<i32>} : memref<1600xi32, #tpu.memory_space<vmem>>, vector<16xi32>,
      %broadcast_in_dim3A_671 = arith.constant 1 : i32
      %broadcast_in_dim3A_672 = vector.broadcast %broadcast_in_dim3A_671 : i32 to vector<16xi32>
      %select_n3A_673 = arith.select %ge3A_665, %broadcast_in_dim3A_672, %broadcast_in_dim3A_12 : vector<16xi1>, vector<16xi32>
      %swap3A_674 = arith.constant 664 : index
      %swap3A_675 = tpu.vector_load %arg7[%swap3A_674] {strides = array<i32>} : memref<1600xi32, #tpu.memory_space<vmem>>, vector<16xi32>,
      tpu.vector_store %arg7[%swap3A_674], %select_n3A_673 {strides = array<i32>} : memref<1600xi32, #tpu.memory_space<vmem>>, vector<16xi32>,
      %get3A_676 = arith.constant 3 : i32
      %get3A_677 = arith.index_cast %get3A_676 : i32 to index
      %get3A_678 = arith.constant 80 : index
      %get3A_679 = tpu.vector_load %arg5[%get3A_677, %get3A_678] {strides = array<i32>} : memref<8x200xi32, #tpu.memory_space<vmem>>, vector<16xi32>,
      %ge3A_680 = arith.cmpi sge, %get3A_679, %broadcast_in_dim3A_10 : vector<16xi32>
      %sub3A_681 = arith.subi %get3A_679, %broadcast_in_dim3A_10 : vector<16xi32>
      %select_n3A_682 = arith.select %ge3A_680, %sub3A_681, %get3A_679 : vector<16xi1>, vector<16xi32>
      %add3A_683 = arith.addi %broadcast_in_dim3A_600, %select_n3A_682 : vector<16xi32>
      %swap3A_684 = arith.constant 680 : index
      %swap3A_685 = tpu.vector_load %arg6[%swap3A_684] {strides = array<i32>} : memref<1600xi32, #tpu.memory_space<vmem>>, vector<16xi32>,
      tpu.vector_store %arg6[%swap3A_684], %add3A_683 {strides = array<i32>} : memref<1600xi32, #tpu.memory_space<vmem>>, vector<16xi32>,
      %broadcast_in_dim3A_686 = arith.constant 1 : i32
      %broadcast_in_dim3A_687 = vector.broadcast %broadcast_in_dim3A_686 : i32 to vector<16xi32>
      %select_n3A_688 = arith.select %ge3A_680, %broadcast_in_dim3A_687, %broadcast_in_dim3A_12 : vector<16xi1>, vector<16xi32>
      %swap3A_689 = arith.constant 680 : index
      %swap3A_690 = tpu.vector_load %arg7[%swap3A_689] {strides = array<i32>} : memref<1600xi32, #tpu.memory_space<vmem>>, vector<16xi32>,
      tpu.vector_store %arg7[%swap3A_689], %select_n3A_688 {strides = array<i32>} : memref<1600xi32, #tpu.memory_space<vmem>>, vector<16xi32>,
      %get3A_691 = arith.constant 3 : i32
      %get3A_692 = arith.index_cast %get3A_691 : i32 to index
      %get3A_693 = arith.constant 96 : index
      %get3A_694 = tpu.vector_load %arg5[%get3A_692, %get3A_693] {strides = array<i32>} : memref<8x200xi32, #tpu.memory_space<vmem>>, vector<16xi32>,
      %ge3A_695 = arith.cmpi sge, %get3A_694, %broadcast_in_dim3A_10 : vector<16xi32>
      %sub3A_696 = arith.subi %get3A_694, %broadcast_in_dim3A_10 : vector<16xi32>
      %select_n3A_697 = arith.select %ge3A_695, %sub3A_696, %get3A_694 : vector<16xi1>, vector<16xi32>
      %add3A_698 = arith.addi %broadcast_in_dim3A_600, %select_n3A_697 : vector<16xi32>
      %swap3A_699 = arith.constant 696 : index
      %swap3A_700 = tpu.vector_load %arg6[%swap3A_699] {strides = array<i32>} : memref<1600xi32, #tpu.memory_space<vmem>>, vector<16xi32>,
      tpu.vector_store %arg6[%swap3A_699], %add3A_698 {strides = array<i32>} : memref<1600xi32, #tpu.memory_space<vmem>>, vector<16xi32>,
      %broadcast_in_dim3A_701 = arith.constant 1 : i32
      %broadcast_in_dim3A_702 = vector.broadcast %broadcast_in_dim3A_701 : i32 to vector<16xi32>
      %select_n3A_703 = arith.select %ge3A_695, %broadcast_in_dim3A_702, %broadcast_in_dim3A_12 : vector<16xi1>, vector<16xi32>
      %swap3A_704 = arith.constant 696 : index
      %swap3A_705 = tpu.vector_load %arg7[%swap3A_704] {strides = array<i32>} : memref<1600xi32, #tpu.memory_space<vmem>>, vector<16xi32>,
      tpu.vector_store %arg7[%swap3A_704], %select_n3A_703 {strides = array<i32>} : memref<1600xi32, #tpu.memory_space<vmem>>, vector<16xi32>,
      %get3A_706 = arith.constant 3 : i32
      %get3A_707 = arith.index_cast %get3A_706 : i32 to index
      %get3A_708 = arith.constant 112 : index
      %get3A_709 = tpu.vector_load %arg5[%get3A_707, %get3A_708] {strides = array<i32>} : memref<8x200xi32, #tpu.memory_space<vmem>>, vector<16xi32>,
      %ge3A_710 = arith.cmpi sge, %get3A_709, %broadcast_in_dim3A_10 : vector<16xi32>
      %sub3A_711 = arith.subi %get3A_709, %broadcast_in_dim3A_10 : vector<16xi32>
      %select_n3A_712 = arith.select %ge3A_710, %sub3A_711, %get3A_709 : vector<16xi1>, vector<16xi32>
      %add3A_713 = arith.addi %broadcast_in_dim3A_600, %select_n3A_712 : vector<16xi32>
      %swap3A_714 = arith.constant 712 : index
      %swap3A_715 = tpu.vector_load %arg6[%swap3A_714] {strides = array<i32>} : memref<1600xi32, #tpu.memory_space<vmem>>, vector<16xi32>,
      tpu.vector_store %arg6[%swap3A_714], %add3A_713 {strides = array<i32>} : memref<1600xi32, #tpu.memory_space<vmem>>, vector<16xi32>,
      %broadcast_in_dim3A_716 = arith.constant 1 : i32
      %broadcast_in_dim3A_717 = vector.broadcast %broadcast_in_dim3A_716 : i32 to vector<16xi32>
      %select_n3A_718 = arith.select %ge3A_710, %broadcast_in_dim3A_717, %broadcast_in_dim3A_12 : vector<16xi1>, vector<16xi32>
      %swap3A_719 = arith.constant 712 : index
      %swap3A_720 = tpu.vector_load %arg7[%swap3A_719] {strides = array<i32>} : memref<1600xi32, #tpu.memory_space<vmem>>, vector<16xi32>,
      tpu.vector_store %arg7[%swap3A_719], %select_n3A_718 {strides = array<i32>} : memref<1600xi32, #tpu.memory_space<vmem>>, vector<16xi32>,
      %get3A_721 = arith.constant 3 : i32
      %get3A_722 = arith.index_cast %get3A_721 : i32 to index
      %get3A_723 = arith.constant 128 : index
      %get3A_724 = tpu.vector_load %arg5[%get3A_722, %get3A_723] {strides = array<i32>} : memref<8x200xi32, #tpu.memory_space<vmem>>, vector<16xi32>,
      %ge3A_725 = arith.cmpi sge, %get3A_724, %broadcast_in_dim3A_10 : vector<16xi32>
      %sub3A_726 = arith.subi %get3A_724, %broadcast_in_dim3A_10 : vector<16xi32>
      %select_n3A_727 = arith.select %ge3A_725, %sub3A_726, %get3A_724 : vector<16xi1>, vector<16xi32>
      %add3A_728 = arith.addi %broadcast_in_dim3A_600, %select_n3A_727 : vector<16xi32>
      %swap3A_729 = arith.constant 728 : index
      %swap3A_730 = tpu.vector_load %arg6[%swap3A_729] {strides = array<i32>} : memref<1600xi32, #tpu.memory_space<vmem>>, vector<16xi32>,
      tpu.vector_store %arg6[%swap3A_729], %add3A_728 {strides = array<i32>} : memref<1600xi32, #tpu.memory_space<vmem>>, vector<16xi32>,
      %broadcast_in_dim3A_731 = arith.constant 1 : i32
      %broadcast_in_dim3A_732 = vector.broadcast %broadcast_in_dim3A_731 : i32 to vector<16xi32>
      %select_n3A_733 = arith.select %ge3A_725, %broadcast_in_dim3A_732, %broadcast_in_dim3A_12 : vector<16xi1>, vector<16xi32>
      %swap3A_734 = arith.constant 728 : index
      %swap3A_735 = tpu.vector_load %arg7[%swap3A_734] {strides = array<i32>} : memref<1600xi32, #tpu.memory_space<vmem>>, vector<16xi32>,
      tpu.vector_store %arg7[%swap3A_734], %select_n3A_733 {strides = array<i32>} : memref<1600xi32, #tpu.memory_space<vmem>>, vector<16xi32>,
      %get3A_736 = arith.constant 3 : i32
      %get3A_737 = arith.index_cast %get3A_736 : i32 to index
      %get3A_738 = arith.constant 144 : index
      %get3A_739 = tpu.vector_load %arg5[%get3A_737, %get3A_738] {strides = array<i32>} : memref<8x200xi32, #tpu.memory_space<vmem>>, vector<16xi32>,
      %ge3A_740 = arith.cmpi sge, %get3A_739, %broadcast_in_dim3A_10 : vector<16xi32>
      %sub3A_741 = arith.subi %get3A_739, %broadcast_in_dim3A_10 : vector<16xi32>
      %select_n3A_742 = arith.select %ge3A_740, %sub3A_741, %get3A_739 : vector<16xi1>, vector<16xi32>
      %add3A_743 = arith.addi %broadcast_in_dim3A_600, %select_n3A_742 : vector<16xi32>
      %swap3A_744 = arith.constant 744 : index
      %swap3A_745 = tpu.vector_load %arg6[%swap3A_744] {strides = array<i32>} : memref<1600xi32, #tpu.memory_space<vmem>>, vector<16xi32>,
      tpu.vector_store %arg6[%swap3A_744], %add3A_743 {strides = array<i32>} : memref<1600xi32, #tpu.memory_space<vmem>>, vector<16xi32>,
      %broadcast_in_dim3A_746 = arith.constant 1 : i32
      %broadcast_in_dim3A_747 = vector.broadcast %broadcast_in_dim3A_746 : i32 to vector<16xi32>
      %select_n3A_748 = arith.select %ge3A_740, %broadcast_in_dim3A_747, %broadcast_in_dim3A_12 : vector<16xi1>, vector<16xi32>
      %swap3A_749 = arith.constant 744 : index
      %swap3A_750 = tpu.vector_load %arg7[%swap3A_749] {strides = array<i32>} : memref<1600xi32, #tpu.memory_space<vmem>>, vector<16xi32>,
      tpu.vector_store %arg7[%swap3A_749], %select_n3A_748 {strides = array<i32>} : memref<1600xi32, #tpu.memory_space<vmem>>, vector<16xi32>,
      %get3A_751 = arith.constant 3 : i32
      %get3A_752 = arith.index_cast %get3A_751 : i32 to index
      %get3A_753 = arith.constant 160 : index
      %get3A_754 = tpu.vector_load %arg5[%get3A_752, %get3A_753] {strides = array<i32>} : memref<8x200xi32, #tpu.memory_space<vmem>>, vector<16xi32>,
      %ge3A_755 = arith.cmpi sge, %get3A_754, %broadcast_in_dim3A_10 : vector<16xi32>
      %sub3A_756 = arith.subi %get3A_754, %broadcast_in_dim3A_10 : vector<16xi32>
      %select_n3A_757 = arith.select %ge3A_755, %sub3A_756, %get3A_754 : vector<16xi1>, vector<16xi32>
      %add3A_758 = arith.addi %broadcast_in_dim3A_600, %select_n3A_757 : vector<16xi32>
      %swap3A_759 = arith.constant 760 : index
      %swap3A_760 = tpu.vector_load %arg6[%swap3A_759] {strides = array<i32>} : memref<1600xi32, #tpu.memory_space<vmem>>, vector<16xi32>,
      tpu.vector_store %arg6[%swap3A_759], %add3A_758 {strides = array<i32>} : memref<1600xi32, #tpu.memory_space<vmem>>, vector<16xi32>,
      %broadcast_in_dim3A_761 = arith.constant 1 : i32
      %broadcast_in_dim3A_762 = vector.broadcast %broadcast_in_dim3A_761 : i32 to vector<16xi32>
      %select_n3A_763 = arith.select %ge3A_755, %broadcast_in_dim3A_762, %broadcast_in_dim3A_12 : vector<16xi1>, vector<16xi32>
      %swap3A_764 = arith.constant 760 : index
      %swap3A_765 = tpu.vector_load %arg7[%swap3A_764] {strides = array<i32>} : memref<1600xi32, #tpu.memory_space<vmem>>, vector<16xi32>,
      tpu.vector_store %arg7[%swap3A_764], %select_n3A_763 {strides = array<i32>} : memref<1600xi32, #tpu.memory_space<vmem>>, vector<16xi32>,
      %get3A_766 = arith.constant 3 : i32
      %get3A_767 = arith.index_cast %get3A_766 : i32 to index
      %get3A_768 = arith.constant 176 : index
      %get3A_769 = tpu.vector_load %arg5[%get3A_767, %get3A_768] {strides = array<i32>} : memref<8x200xi32, #tpu.memory_space<vmem>>, vector<16xi32>,
      %ge3A_770 = arith.cmpi sge, %get3A_769, %broadcast_in_dim3A_10 : vector<16xi32>
      %sub3A_771 = arith.subi %get3A_769, %broadcast_in_dim3A_10 : vector<16xi32>
      %select_n3A_772 = arith.select %ge3A_770, %sub3A_771, %get3A_769 : vector<16xi1>, vector<16xi32>
      %add3A_773 = arith.addi %broadcast_in_dim3A_600, %select_n3A_772 : vector<16xi32>
      %swap3A_774 = arith.constant 776 : index
      %swap3A_775 = tpu.vector_load %arg6[%swap3A_774] {strides = array<i32>} : memref<1600xi32, #tpu.memory_space<vmem>>, vector<16xi32>,
      tpu.vector_store %arg6[%swap3A_774], %add3A_773 {strides = array<i32>} : memref<1600xi32, #tpu.memory_space<vmem>>, vector<16xi32>,
      %broadcast_in_dim3A_776 = arith.constant 1 : i32
      %broadcast_in_dim3A_777 = vector.broadcast %broadcast_in_dim3A_776 : i32 to vector<16xi32>
      %select_n3A_778 = arith.select %ge3A_770, %broadcast_in_dim3A_777, %broadcast_in_dim3A_12 : vector<16xi1>, vector<16xi32>
      %swap3A_779 = arith.constant 776 : index
      %swap3A_780 = tpu.vector_load %arg7[%swap3A_779] {strides = array<i32>} : memref<1600xi32, #tpu.memory_space<vmem>>, vector<16xi32>,
      tpu.vector_store %arg7[%swap3A_779], %select_n3A_778 {strides = array<i32>} : memref<1600xi32, #tpu.memory_space<vmem>>, vector<16xi32>,
      %get3A_781 = arith.constant 3 : i32
      %get3A_782 = arith.index_cast %get3A_781 : i32 to index
      %get3A_783 = arith.constant 184 : index
      %get3A_784 = tpu.vector_load %arg5[%get3A_782, %get3A_783] {strides = array<i32>} : memref<8x200xi32, #tpu.memory_space<vmem>>, vector<16xi32>,
      %ge3A_785 = arith.cmpi sge, %get3A_784, %broadcast_in_dim3A_10 : vector<16xi32>
      %sub3A_786 = arith.subi %get3A_784, %broadcast_in_dim3A_10 : vector<16xi32>
      %select_n3A_787 = arith.select %ge3A_785, %sub3A_786, %get3A_784 : vector<16xi1>, vector<16xi32>
      %add3A_788 = arith.addi %broadcast_in_dim3A_600, %select_n3A_787 : vector<16xi32>
      %swap3A_789 = arith.constant 784 : index
      %swap3A_790 = tpu.vector_load %arg6[%swap3A_789] {strides = array<i32>} : memref<1600xi32, #tpu.memory_space<vmem>>, vector<16xi32>,
      tpu.vector_store %arg6[%swap3A_789], %add3A_788 {strides = array<i32>} : memref<1600xi32, #tpu.memory_space<vmem>>, vector<16xi32>,
      %broadcast_in_dim3A_791 = arith.constant 1 : i32
      %broadcast_in_dim3A_792 = vector.broadcast %broadcast_in_dim3A_791 : i32 to vector<16xi32>
      %select_n3A_793 = arith.select %ge3A_785, %broadcast_in_dim3A_792, %broadcast_in_dim3A_12 : vector<16xi1>, vector<16xi32>
      %swap3A_794 = arith.constant 784 : index
      %swap3A_795 = tpu.vector_load %arg7[%swap3A_794] {strides = array<i32>} : memref<1600xi32, #tpu.memory_space<vmem>>, vector<16xi32>,
      tpu.vector_store %arg7[%swap3A_794], %select_n3A_793 {strides = array<i32>} : memref<1600xi32, #tpu.memory_space<vmem>>, vector<16xi32>,
      %broadcast_in_dim3A_796 = arith.constant 200192 : i32
      %broadcast_in_dim3A_797 = vector.broadcast %broadcast_in_dim3A_796 : i32 to vector<16xi32>
      %get3A_798 = arith.constant 4 : i32
      %get3A_799 = arith.index_cast %get3A_798 : i32 to index
      %get3A_800 = arith.constant 0 : index
      %get3A_801 = tpu.vector_load %arg5[%get3A_799, %get3A_800] {strides = array<i32>} : memref<8x200xi32, #tpu.memory_space<vmem>>, vector<16xi32>,
      %ge3A_802 = arith.cmpi sge, %get3A_801, %broadcast_in_dim3A_10 : vector<16xi32>
      %sub3A_803 = arith.subi %get3A_801, %broadcast_in_dim3A_10 : vector<16xi32>
      %select_n3A_804 = arith.select %ge3A_802, %sub3A_803, %get3A_801 : vector<16xi1>, vector<16xi32>
      %add3A_805 = arith.addi %broadcast_in_dim3A_797, %select_n3A_804 : vector<16xi32>
      %swap3A_806 = arith.constant 800 : index
      %swap3A_807 = tpu.vector_load %arg6[%swap3A_806] {strides = array<i32>} : memref<1600xi32, #tpu.memory_space<vmem>>, vector<16xi32>,
      tpu.vector_store %arg6[%swap3A_806], %add3A_805 {strides = array<i32>} : memref<1600xi32, #tpu.memory_space<vmem>>, vector<16xi32>,
      %broadcast_in_dim3A_808 = arith.constant 1 : i32
      %broadcast_in_dim3A_809 = vector.broadcast %broadcast_in_dim3A_808 : i32 to vector<16xi32>
      %select_n3A_810 = arith.select %ge3A_802, %broadcast_in_dim3A_809, %broadcast_in_dim3A_12 : vector<16xi1>, vector<16xi32>
      %swap3A_811 = arith.constant 800 : index
      %swap3A_812 = tpu.vector_load %arg7[%swap3A_811] {strides = array<i32>} : memref<1600xi32, #tpu.memory_space<vmem>>, vector<16xi32>,
      tpu.vector_store %arg7[%swap3A_811], %select_n3A_810 {strides = array<i32>} : memref<1600xi32, #tpu.memory_space<vmem>>, vector<16xi32>,
      %get3A_813 = arith.constant 4 : i32
      %get3A_814 = arith.index_cast %get3A_813 : i32 to index
      %get3A_815 = arith.constant 16 : index
      %get3A_816 = tpu.vector_load %arg5[%get3A_814, %get3A_815] {strides = array<i32>} : memref<8x200xi32, #tpu.memory_space<vmem>>, vector<16xi32>,
      %ge3A_817 = arith.cmpi sge, %get3A_816, %broadcast_in_dim3A_10 : vector<16xi32>
      %sub3A_818 = arith.subi %get3A_816, %broadcast_in_dim3A_10 : vector<16xi32>
      %select_n3A_819 = arith.select %ge3A_817, %sub3A_818, %get3A_816 : vector<16xi1>, vector<16xi32>
      %add3A_820 = arith.addi %broadcast_in_dim3A_797, %select_n3A_819 : vector<16xi32>
      %swap3A_821 = arith.constant 816 : index
      %swap3A_822 = tpu.vector_load %arg6[%swap3A_821] {strides = array<i32>} : memref<1600xi32, #tpu.memory_space<vmem>>, vector<16xi32>,
      tpu.vector_store %arg6[%swap3A_821], %add3A_820 {strides = array<i32>} : memref<1600xi32, #tpu.memory_space<vmem>>, vector<16xi32>,
      %broadcast_in_dim3A_823 = arith.constant 1 : i32
      %broadcast_in_dim3A_824 = vector.broadcast %broadcast_in_dim3A_823 : i32 to vector<16xi32>
      %select_n3A_825 = arith.select %ge3A_817, %broadcast_in_dim3A_824, %broadcast_in_dim3A_12 : vector<16xi1>, vector<16xi32>
      %swap3A_826 = arith.constant 816 : index
      %swap3A_827 = tpu.vector_load %arg7[%swap3A_826] {strides = array<i32>} : memref<1600xi32, #tpu.memory_space<vmem>>, vector<16xi32>,
      tpu.vector_store %arg7[%swap3A_826], %select_n3A_825 {strides = array<i32>} : memref<1600xi32, #tpu.memory_space<vmem>>, vector<16xi32>,
      %get3A_828 = arith.constant 4 : i32
      %get3A_829 = arith.index_cast %get3A_828 : i32 to index
      %get3A_830 = arith.constant 32 : index
      %get3A_831 = tpu.vector_load %arg5[%get3A_829, %get3A_830] {strides = array<i32>} : memref<8x200xi32, #tpu.memory_space<vmem>>, vector<16xi32>,
      %ge3A_832 = arith.cmpi sge, %get3A_831, %broadcast_in_dim3A_10 : vector<16xi32>
      %sub3A_833 = arith.subi %get3A_831, %broadcast_in_dim3A_10 : vector<16xi32>
      %select_n3A_834 = arith.select %ge3A_832, %sub3A_833, %get3A_831 : vector<16xi1>, vector<16xi32>
      %add3A_835 = arith.addi %broadcast_in_dim3A_797, %select_n3A_834 : vector<16xi32>
      %swap3A_836 = arith.constant 832 : index
      %swap3A_837 = tpu.vector_load %arg6[%swap3A_836] {strides = array<i32>} : memref<1600xi32, #tpu.memory_space<vmem>>, vector<16xi32>,
      tpu.vector_store %arg6[%swap3A_836], %add3A_835 {strides = array<i32>} : memref<1600xi32, #tpu.memory_space<vmem>>, vector<16xi32>,
      %broadcast_in_dim3A_838 = arith.constant 1 : i32
      %broadcast_in_dim3A_839 = vector.broadcast %broadcast_in_dim3A_838 : i32 to vector<16xi32>
      %select_n3A_840 = arith.select %ge3A_832, %broadcast_in_dim3A_839, %broadcast_in_dim3A_12 : vector<16xi1>, vector<16xi32>
      %swap3A_841 = arith.constant 832 : index
      %swap3A_842 = tpu.vector_load %arg7[%swap3A_841] {strides = array<i32>} : memref<1600xi32, #tpu.memory_space<vmem>>, vector<16xi32>,
      tpu.vector_store %arg7[%swap3A_841], %select_n3A_840 {strides = array<i32>} : memref<1600xi32, #tpu.memory_space<vmem>>, vector<16xi32>,
      %get3A_843 = arith.constant 4 : i32
      %get3A_844 = arith.index_cast %get3A_843 : i32 to index
      %get3A_845 = arith.constant 48 : index
      %get3A_846 = tpu.vector_load %arg5[%get3A_844, %get3A_845] {strides = array<i32>} : memref<8x200xi32, #tpu.memory_space<vmem>>, vector<16xi32>,
      %ge3A_847 = arith.cmpi sge, %get3A_846, %broadcast_in_dim3A_10 : vector<16xi32>
      %sub3A_848 = arith.subi %get3A_846, %broadcast_in_dim3A_10 : vector<16xi32>
      %select_n3A_849 = arith.select %ge3A_847, %sub3A_848, %get3A_846 : vector<16xi1>, vector<16xi32>
      %add3A_850 = arith.addi %broadcast_in_dim3A_797, %select_n3A_849 : vector<16xi32>
      %swap3A_851 = arith.constant 848 : index
      %swap3A_852 = tpu.vector_load %arg6[%swap3A_851] {strides = array<i32>} : memref<1600xi32, #tpu.memory_space<vmem>>, vector<16xi32>,
      tpu.vector_store %arg6[%swap3A_851], %add3A_850 {strides = array<i32>} : memref<1600xi32, #tpu.memory_space<vmem>>, vector<16xi32>,
      %broadcast_in_dim3A_853 = arith.constant 1 : i32
      %broadcast_in_dim3A_854 = vector.broadcast %broadcast_in_dim3A_853 : i32 to vector<16xi32>
      %select_n3A_855 = arith.select %ge3A_847, %broadcast_in_dim3A_854, %broadcast_in_dim3A_12 : vector<16xi1>, vector<16xi32>
      %swap3A_856 = arith.constant 848 : index
      %swap3A_857 = tpu.vector_load %arg7[%swap3A_856] {strides = array<i32>} : memref<1600xi32, #tpu.memory_space<vmem>>, vector<16xi32>,
      tpu.vector_store %arg7[%swap3A_856], %select_n3A_855 {strides = array<i32>} : memref<1600xi32, #tpu.memory_space<vmem>>, vector<16xi32>,
      %get3A_858 = arith.constant 4 : i32
      %get3A_859 = arith.index_cast %get3A_858 : i32 to index
      %get3A_860 = arith.constant 64 : index
      %get3A_861 = tpu.vector_load %arg5[%get3A_859, %get3A_860] {strides = array<i32>} : memref<8x200xi32, #tpu.memory_space<vmem>>, vector<16xi32>,
      %ge3A_862 = arith.cmpi sge, %get3A_861, %broadcast_in_dim3A_10 : vector<16xi32>
      %sub3A_863 = arith.subi %get3A_861, %broadcast_in_dim3A_10 : vector<16xi32>
      %select_n3A_864 = arith.select %ge3A_862, %sub3A_863, %get3A_861 : vector<16xi1>, vector<16xi32>
      %add3A_865 = arith.addi %broadcast_in_dim3A_797, %select_n3A_864 : vector<16xi32>
      %swap3A_866 = arith.constant 864 : index
      %swap3A_867 = tpu.vector_load %arg6[%swap3A_866] {strides = array<i32>} : memref<1600xi32, #tpu.memory_space<vmem>>, vector<16xi32>,
      tpu.vector_store %arg6[%swap3A_866], %add3A_865 {strides = array<i32>} : memref<1600xi32, #tpu.memory_space<vmem>>, vector<16xi32>,
      %broadcast_in_dim3A_868 = arith.constant 1 : i32
      %broadcast_in_dim3A_869 = vector.broadcast %broadcast_in_dim3A_868 : i32 to vector<16xi32>
      %select_n3A_870 = arith.select %ge3A_862, %broadcast_in_dim3A_869, %broadcast_in_dim3A_12 : vector<16xi1>, vector<16xi32>
      %swap3A_871 = arith.constant 864 : index
      %swap3A_872 = tpu.vector_load %arg7[%swap3A_871] {strides = array<i32>} : memref<1600xi32, #tpu.memory_space<vmem>>, vector<16xi32>,
      tpu.vector_store %arg7[%swap3A_871], %select_n3A_870 {strides = array<i32>} : memref<1600xi32, #tpu.memory_space<vmem>>, vector<16xi32>,
      %get3A_873 = arith.constant 4 : i32
      %get3A_874 = arith.index_cast %get3A_873 : i32 to index
      %get3A_875 = arith.constant 80 : index
      %get3A_876 = tpu.vector_load %arg5[%get3A_874, %get3A_875] {strides = array<i32>} : memref<8x200xi32, #tpu.memory_space<vmem>>, vector<16xi32>,
      %ge3A_877 = arith.cmpi sge, %get3A_876, %broadcast_in_dim3A_10 : vector<16xi32>
      %sub3A_878 = arith.subi %get3A_876, %broadcast_in_dim3A_10 : vector<16xi32>
      %select_n3A_879 = arith.select %ge3A_877, %sub3A_878, %get3A_876 : vector<16xi1>, vector<16xi32>
      %add3A_880 = arith.addi %broadcast_in_dim3A_797, %select_n3A_879 : vector<16xi32>
      %swap3A_881 = arith.constant 880 : index
      %swap3A_882 = tpu.vector_load %arg6[%swap3A_881] {strides = array<i32>} : memref<1600xi32, #tpu.memory_space<vmem>>, vector<16xi32>,
      tpu.vector_store %arg6[%swap3A_881], %add3A_880 {strides = array<i32>} : memref<1600xi32, #tpu.memory_space<vmem>>, vector<16xi32>,
      %broadcast_in_dim3A_883 = arith.constant 1 : i32
      %broadcast_in_dim3A_884 = vector.broadcast %broadcast_in_dim3A_883 : i32 to vector<16xi32>
      %select_n3A_885 = arith.select %ge3A_877, %broadcast_in_dim3A_884, %broadcast_in_dim3A_12 : vector<16xi1>, vector<16xi32>
      %swap3A_886 = arith.constant 880 : index
      %swap3A_887 = tpu.vector_load %arg7[%swap3A_886] {strides = array<i32>} : memref<1600xi32, #tpu.memory_space<vmem>>, vector<16xi32>,
      tpu.vector_store %arg7[%swap3A_886], %select_n3A_885 {strides = array<i32>} : memref<1600xi32, #tpu.memory_space<vmem>>, vector<16xi32>,
      %get3A_888 = arith.constant 4 : i32
      %get3A_889 = arith.index_cast %get3A_888 : i32 to index
      %get3A_890 = arith.constant 96 : index
      %get3A_891 = tpu.vector_load %arg5[%get3A_889, %get3A_890] {strides = array<i32>} : memref<8x200xi32, #tpu.memory_space<vmem>>, vector<16xi32>,
      %ge3A_892 = arith.cmpi sge, %get3A_891, %broadcast_in_dim3A_10 : vector<16xi32>
      %sub3A_893 = arith.subi %get3A_891, %broadcast_in_dim3A_10 : vector<16xi32>
      %select_n3A_894 = arith.select %ge3A_892, %sub3A_893, %get3A_891 : vector<16xi1>, vector<16xi32>
      %add3A_895 = arith.addi %broadcast_in_dim3A_797, %select_n3A_894 : vector<16xi32>
      %swap3A_896 = arith.constant 896 : index
      %swap3A_897 = tpu.vector_load %arg6[%swap3A_896] {strides = array<i32>} : memref<1600xi32, #tpu.memory_space<vmem>>, vector<16xi32>,
      tpu.vector_store %arg6[%swap3A_896], %add3A_895 {strides = array<i32>} : memref<1600xi32, #tpu.memory_space<vmem>>, vector<16xi32>,
      %broadcast_in_dim3A_898 = arith.constant 1 : i32
      %broadcast_in_dim3A_899 = vector.broadcast %broadcast_in_dim3A_898 : i32 to vector<16xi32>
      %select_n3A_900 = arith.select %ge3A_892, %broadcast_in_dim3A_899, %broadcast_in_dim3A_12 : vector<16xi1>, vector<16xi32>
      %swap3A_901 = arith.constant 896 : index
      %swap3A_902 = tpu.vector_load %arg7[%swap3A_901] {strides = array<i32>} : memref<1600xi32, #tpu.memory_space<vmem>>, vector<16xi32>,
      tpu.vector_store %arg7[%swap3A_901], %select_n3A_900 {strides = array<i32>} : memref<1600xi32, #tpu.memory_space<vmem>>, vector<16xi32>,
      %get3A_903 = arith.constant 4 : i32
      %get3A_904 = arith.index_cast %get3A_903 : i32 to index
      %get3A_905 = arith.constant 112 : index
      %get3A_906 = tpu.vector_load %arg5[%get3A_904, %get3A_905] {strides = array<i32>} : memref<8x200xi32, #tpu.memory_space<vmem>>, vector<16xi32>,
      %ge3A_907 = arith.cmpi sge, %get3A_906, %broadcast_in_dim3A_10 : vector<16xi32>
      %sub3A_908 = arith.subi %get3A_906, %broadcast_in_dim3A_10 : vector<16xi32>
      %select_n3A_909 = arith.select %ge3A_907, %sub3A_908, %get3A_906 : vector<16xi1>, vector<16xi32>
      %add3A_910 = arith.addi %broadcast_in_dim3A_797, %select_n3A_909 : vector<16xi32>
      %swap3A_911 = arith.constant 912 : index
      %swap3A_912 = tpu.vector_load %arg6[%swap3A_911] {strides = array<i32>} : memref<1600xi32, #tpu.memory_space<vmem>>, vector<16xi32>,
      tpu.vector_store %arg6[%swap3A_911], %add3A_910 {strides = array<i32>} : memref<1600xi32, #tpu.memory_space<vmem>>, vector<16xi32>,
      %broadcast_in_dim3A_913 = arith.constant 1 : i32
      %broadcast_in_dim3A_914 = vector.broadcast %broadcast_in_dim3A_913 : i32 to vector<16xi32>
      %select_n3A_915 = arith.select %ge3A_907, %broadcast_in_dim3A_914, %broadcast_in_dim3A_12 : vector<16xi1>, vector<16xi32>
      %swap3A_916 = arith.constant 912 : index
      %swap3A_917 = tpu.vector_load %arg7[%swap3A_916] {strides = array<i32>} : memref<1600xi32, #tpu.memory_space<vmem>>, vector<16xi32>,
      tpu.vector_store %arg7[%swap3A_916], %select_n3A_915 {strides = array<i32>} : memref<1600xi32, #tpu.memory_space<vmem>>, vector<16xi32>,
      %get3A_918 = arith.constant 4 : i32
      %get3A_919 = arith.index_cast %get3A_918 : i32 to index
      %get3A_920 = arith.constant 128 : index
      %get3A_921 = tpu.vector_load %arg5[%get3A_919, %get3A_920] {strides = array<i32>} : memref<8x200xi32, #tpu.memory_space<vmem>>, vector<16xi32>,
      %ge3A_922 = arith.cmpi sge, %get3A_921, %broadcast_in_dim3A_10 : vector<16xi32>
      %sub3A_923 = arith.subi %get3A_921, %broadcast_in_dim3A_10 : vector<16xi32>
      %select_n3A_924 = arith.select %ge3A_922, %sub3A_923, %get3A_921 : vector<16xi1>, vector<16xi32>
      %add3A_925 = arith.addi %broadcast_in_dim3A_797, %select_n3A_924 : vector<16xi32>
      %swap3A_926 = arith.constant 928 : index
      %swap3A_927 = tpu.vector_load %arg6[%swap3A_926] {strides = array<i32>} : memref<1600xi32, #tpu.memory_space<vmem>>, vector<16xi32>,
      tpu.vector_store %arg6[%swap3A_926], %add3A_925 {strides = array<i32>} : memref<1600xi32, #tpu.memory_space<vmem>>, vector<16xi32>,
      %broadcast_in_dim3A_928 = arith.constant 1 : i32
      %broadcast_in_dim3A_929 = vector.broadcast %broadcast_in_dim3A_928 : i32 to vector<16xi32>
      %select_n3A_930 = arith.select %ge3A_922, %broadcast_in_dim3A_929, %broadcast_in_dim3A_12 : vector<16xi1>, vector<16xi32>
      %swap3A_931 = arith.constant 928 : index
      %swap3A_932 = tpu.vector_load %arg7[%swap3A_931] {strides = array<i32>} : memref<1600xi32, #tpu.memory_space<vmem>>, vector<16xi32>,
      tpu.vector_store %arg7[%swap3A_931], %select_n3A_930 {strides = array<i32>} : memref<1600xi32, #tpu.memory_space<vmem>>, vector<16xi32>,
      %get3A_933 = arith.constant 4 : i32
      %get3A_934 = arith.index_cast %get3A_933 : i32 to index
      %get3A_935 = arith.constant 144 : index
      %get3A_936 = tpu.vector_load %arg5[%get3A_934, %get3A_935] {strides = array<i32>} : memref<8x200xi32, #tpu.memory_space<vmem>>, vector<16xi32>,
      %ge3A_937 = arith.cmpi sge, %get3A_936, %broadcast_in_dim3A_10 : vector<16xi32>
      %sub3A_938 = arith.subi %get3A_936, %broadcast_in_dim3A_10 : vector<16xi32>
      %select_n3A_939 = arith.select %ge3A_937, %sub3A_938, %get3A_936 : vector<16xi1>, vector<16xi32>
      %add3A_940 = arith.addi %broadcast_in_dim3A_797, %select_n3A_939 : vector<16xi32>
      %swap3A_941 = arith.constant 944 : index
      %swap3A_942 = tpu.vector_load %arg6[%swap3A_941] {strides = array<i32>} : memref<1600xi32, #tpu.memory_space<vmem>>, vector<16xi32>,
      tpu.vector_store %arg6[%swap3A_941], %add3A_940 {strides = array<i32>} : memref<1600xi32, #tpu.memory_space<vmem>>, vector<16xi32>,
      %broadcast_in_dim3A_943 = arith.constant 1 : i32
      %broadcast_in_dim3A_944 = vector.broadcast %broadcast_in_dim3A_943 : i32 to vector<16xi32>
      %select_n3A_945 = arith.select %ge3A_937, %broadcast_in_dim3A_944, %broadcast_in_dim3A_12 : vector<16xi1>, vector<16xi32>
      %swap3A_946 = arith.constant 944 : index
      %swap3A_947 = tpu.vector_load %arg7[%swap3A_946] {strides = array<i32>} : memref<1600xi32, #tpu.memory_space<vmem>>, vector<16xi32>,
      tpu.vector_store %arg7[%swap3A_946], %select_n3A_945 {strides = array<i32>} : memref<1600xi32, #tpu.memory_space<vmem>>, vector<16xi32>,
      %get3A_948 = arith.constant 4 : i32
      %get3A_949 = arith.index_cast %get3A_948 : i32 to index
      %get3A_950 = arith.constant 160 : index
      %get3A_951 = tpu.vector_load %arg5[%get3A_949, %get3A_950] {strides = array<i32>} : memref<8x200xi32, #tpu.memory_space<vmem>>, vector<16xi32>,
      %ge3A_952 = arith.cmpi sge, %get3A_951, %broadcast_in_dim3A_10 : vector<16xi32>
      %sub3A_953 = arith.subi %get3A_951, %broadcast_in_dim3A_10 : vector<16xi32>
      %select_n3A_954 = arith.select %ge3A_952, %sub3A_953, %get3A_951 : vector<16xi1>, vector<16xi32>
      %add3A_955 = arith.addi %broadcast_in_dim3A_797, %select_n3A_954 : vector<16xi32>
      %swap3A_956 = arith.constant 960 : index
      %swap3A_957 = tpu.vector_load %arg6[%swap3A_956] {strides = array<i32>} : memref<1600xi32, #tpu.memory_space<vmem>>, vector<16xi32>,
      tpu.vector_store %arg6[%swap3A_956], %add3A_955 {strides = array<i32>} : memref<1600xi32, #tpu.memory_space<vmem>>, vector<16xi32>,
      %broadcast_in_dim3A_958 = arith.constant 1 : i32
      %broadcast_in_dim3A_959 = vector.broadcast %broadcast_in_dim3A_958 : i32 to vector<16xi32>
      %select_n3A_960 = arith.select %ge3A_952, %broadcast_in_dim3A_959, %broadcast_in_dim3A_12 : vector<16xi1>, vector<16xi32>
      %swap3A_961 = arith.constant 960 : index
      %swap3A_962 = tpu.vector_load %arg7[%swap3A_961] {strides = array<i32>} : memref<1600xi32, #tpu.memory_space<vmem>>, vector<16xi32>,
      tpu.vector_store %arg7[%swap3A_961], %select_n3A_960 {strides = array<i32>} : memref<1600xi32, #tpu.memory_space<vmem>>, vector<16xi32>,
      %get3A_963 = arith.constant 4 : i32
      %get3A_964 = arith.index_cast %get3A_963 : i32 to index
      %get3A_965 = arith.constant 176 : index
      %get3A_966 = tpu.vector_load %arg5[%get3A_964, %get3A_965] {strides = array<i32>} : memref<8x200xi32, #tpu.memory_space<vmem>>, vector<16xi32>,
      %ge3A_967 = arith.cmpi sge, %get3A_966, %broadcast_in_dim3A_10 : vector<16xi32>
      %sub3A_968 = arith.subi %get3A_966, %broadcast_in_dim3A_10 : vector<16xi32>
      %select_n3A_969 = arith.select %ge3A_967, %sub3A_968, %get3A_966 : vector<16xi1>, vector<16xi32>
      %add3A_970 = arith.addi %broadcast_in_dim3A_797, %select_n3A_969 : vector<16xi32>
      %swap3A_971 = arith.constant 976 : index
      %swap3A_972 = tpu.vector_load %arg6[%swap3A_971] {strides = array<i32>} : memref<1600xi32, #tpu.memory_space<vmem>>, vector<16xi32>,
      tpu.vector_store %arg6[%swap3A_971], %add3A_970 {strides = array<i32>} : memref<1600xi32, #tpu.memory_space<vmem>>, vector<16xi32>,
      %broadcast_in_dim3A_973 = arith.constant 1 : i32
      %broadcast_in_dim3A_974 = vector.broadcast %broadcast_in_dim3A_973 : i32 to vector<16xi32>
      %select_n3A_975 = arith.select %ge3A_967, %broadcast_in_dim3A_974, %broadcast_in_dim3A_12 : vector<16xi1>, vector<16xi32>
      %swap3A_976 = arith.constant 976 : index
      %swap3A_977 = tpu.vector_load %arg7[%swap3A_976] {strides = array<i32>} : memref<1600xi32, #tpu.memory_space<vmem>>, vector<16xi32>,
      tpu.vector_store %arg7[%swap3A_976], %select_n3A_975 {strides = array<i32>} : memref<1600xi32, #tpu.memory_space<vmem>>, vector<16xi32>,
      %get3A_978 = arith.constant 4 : i32
      %get3A_979 = arith.index_cast %get3A_978 : i32 to index
      %get3A_980 = arith.constant 184 : index
      %get3A_981 = tpu.vector_load %arg5[%get3A_979, %get3A_980] {strides = array<i32>} : memref<8x200xi32, #tpu.memory_space<vmem>>, vector<16xi32>,
      %ge3A_982 = arith.cmpi sge, %get3A_981, %broadcast_in_dim3A_10 : vector<16xi32>
      %sub3A_983 = arith.subi %get3A_981, %broadcast_in_dim3A_10 : vector<16xi32>
      %select_n3A_984 = arith.select %ge3A_982, %sub3A_983, %get3A_981 : vector<16xi1>, vector<16xi32>
      %add3A_985 = arith.addi %broadcast_in_dim3A_797, %select_n3A_984 : vector<16xi32>
      %swap3A_986 = arith.constant 984 : index
      %swap3A_987 = tpu.vector_load %arg6[%swap3A_986] {strides = array<i32>} : memref<1600xi32, #tpu.memory_space<vmem>>, vector<16xi32>,
      tpu.vector_store %arg6[%swap3A_986], %add3A_985 {strides = array<i32>} : memref<1600xi32, #tpu.memory_space<vmem>>, vector<16xi32>,
      %broadcast_in_dim3A_988 = arith.constant 1 : i32
      %broadcast_in_dim3A_989 = vector.broadcast %broadcast_in_dim3A_988 : i32 to vector<16xi32>
      %select_n3A_990 = arith.select %ge3A_982, %broadcast_in_dim3A_989, %broadcast_in_dim3A_12 : vector<16xi1>, vector<16xi32>
      %swap3A_991 = arith.constant 984 : index
      %swap3A_992 = tpu.vector_load %arg7[%swap3A_991] {strides = array<i32>} : memref<1600xi32, #tpu.memory_space<vmem>>, vector<16xi32>,
      tpu.vector_store %arg7[%swap3A_991], %select_n3A_990 {strides = array<i32>} : memref<1600xi32, #tpu.memory_space<vmem>>, vector<16xi32>,
      %broadcast_in_dim3A_993 = arith.constant 250240 : i32
      %broadcast_in_dim3A_994 = vector.broadcast %broadcast_in_dim3A_993 : i32 to vector<16xi32>
      %get3A_995 = arith.constant 5 : i32
      %get3A_996 = arith.index_cast %get3A_995 : i32 to index
      %get3A_997 = arith.constant 0 : index
      %get3A_998 = tpu.vector_load %arg5[%get3A_996, %get3A_997] {strides = array<i32>} : memref<8x200xi32, #tpu.memory_space<vmem>>, vector<16xi32>,
      %ge3A_999 = arith.cmpi sge, %get3A_998, %broadcast_in_dim3A_10 : vector<16xi32>
      %sub3A_1000 = arith.subi %get3A_998, %broadcast_in_dim3A_10 : vector<16xi32>
      %select_n3A_1001 = arith.select %ge3A_999, %sub3A_1000, %get3A_998 : vector<16xi1>, vector<16xi32>
      %add3A_1002 = arith.addi %broadcast_in_dim3A_994, %select_n3A_1001 : vector<16xi32>
      %swap3A_1003 = arith.constant 1000 : index
      %swap3A_1004 = tpu.vector_load %arg6[%swap3A_1003] {strides = array<i32>} : memref<1600xi32, #tpu.memory_space<vmem>>, vector<16xi32>,
      tpu.vector_store %arg6[%swap3A_1003], %add3A_1002 {strides = array<i32>} : memref<1600xi32, #tpu.memory_space<vmem>>, vector<16xi32>,
      %broadcast_in_dim3A_1005 = arith.constant 1 : i32
      %broadcast_in_dim3A_1006 = vector.broadcast %broadcast_in_dim3A_1005 : i32 to vector<16xi32>
      %select_n3A_1007 = arith.select %ge3A_999, %broadcast_in_dim3A_1006, %broadcast_in_dim3A_12 : vector<16xi1>, vector<16xi32>
      %swap3A_1008 = arith.constant 1000 : index
      %swap3A_1009 = tpu.vector_load %arg7[%swap3A_1008] {strides = array<i32>} : memref<1600xi32, #tpu.memory_space<vmem>>, vector<16xi32>,
      tpu.vector_store %arg7[%swap3A_1008], %select_n3A_1007 {strides = array<i32>} : memref<1600xi32, #tpu.memory_space<vmem>>, vector<16xi32>,
      %get3A_1010 = arith.constant 5 : i32
      %get3A_1011 = arith.index_cast %get3A_1010 : i32 to index
      %get3A_1012 = arith.constant 16 : index
      %get3A_1013 = tpu.vector_load %arg5[%get3A_1011, %get3A_1012] {strides = array<i32>} : memref<8x200xi32, #tpu.memory_space<vmem>>, vector<16xi32>,
      %ge3A_1014 = arith.cmpi sge, %get3A_1013, %broadcast_in_dim3A_10 : vector<16xi32>
      %sub3A_1015 = arith.subi %get3A_1013, %broadcast_in_dim3A_10 : vector<16xi32>
      %select_n3A_1016 = arith.select %ge3A_1014, %sub3A_1015, %get3A_1013 : vector<16xi1>, vector<16xi32>
      %add3A_1017 = arith.addi %broadcast_in_dim3A_994, %select_n3A_1016 : vector<16xi32>
      %swap3A_1018 = arith.constant 1016 : index
      %swap3A_1019 = tpu.vector_load %arg6[%swap3A_1018] {strides = array<i32>} : memref<1600xi32, #tpu.memory_space<vmem>>, vector<16xi32>,
      tpu.vector_store %arg6[%swap3A_1018], %add3A_1017 {strides = array<i32>} : memref<1600xi32, #tpu.memory_space<vmem>>, vector<16xi32>,
      %broadcast_in_dim3A_1020 = arith.constant 1 : i32
      %broadcast_in_dim3A_1021 = vector.broadcast %broadcast_in_dim3A_1020 : i32 to vector<16xi32>
      %select_n3A_1022 = arith.select %ge3A_1014, %broadcast_in_dim3A_1021, %broadcast_in_dim3A_12 : vector<16xi1>, vector<16xi32>
      %swap3A_1023 = arith.constant 1016 : index
      %swap3A_1024 = tpu.vector_load %arg7[%swap3A_1023] {strides = array<i32>} : memref<1600xi32, #tpu.memory_space<vmem>>, vector<16xi32>,
      tpu.vector_store %arg7[%swap3A_1023], %select_n3A_1022 {strides = array<i32>} : memref<1600xi32, #tpu.memory_space<vmem>>, vector<16xi32>,
      %get3A_1025 = arith.constant 5 : i32
      %get3A_1026 = arith.index_cast %get3A_1025 : i32 to index
      %get3A_1027 = arith.constant 32 : index
      %get3A_1028 = tpu.vector_load %arg5[%get3A_1026, %get3A_1027] {strides = array<i32>} : memref<8x200xi32, #tpu.memory_space<vmem>>, vector<16xi32>,
      %ge3A_1029 = arith.cmpi sge, %get3A_1028, %broadcast_in_dim3A_10 : vector<16xi32>
      %sub3A_1030 = arith.subi %get3A_1028, %broadcast_in_dim3A_10 : vector<16xi32>
      %select_n3A_1031 = arith.select %ge3A_1029, %sub3A_1030, %get3A_1028 : vector<16xi1>, vector<16xi32>
      %add3A_1032 = arith.addi %broadcast_in_dim3A_994, %select_n3A_1031 : vector<16xi32>
      %swap3A_1033 = arith.constant 1032 : index
      %swap3A_1034 = tpu.vector_load %arg6[%swap3A_1033] {strides = array<i32>} : memref<1600xi32, #tpu.memory_space<vmem>>, vector<16xi32>,
      tpu.vector_store %arg6[%swap3A_1033], %add3A_1032 {strides = array<i32>} : memref<1600xi32, #tpu.memory_space<vmem>>, vector<16xi32>,
      %broadcast_in_dim3A_1035 = arith.constant 1 : i32
      %broadcast_in_dim3A_1036 = vector.broadcast %broadcast_in_dim3A_1035 : i32 to vector<16xi32>
      %select_n3A_1037 = arith.select %ge3A_1029, %broadcast_in_dim3A_1036, %broadcast_in_dim3A_12 : vector<16xi1>, vector<16xi32>
      %swap3A_1038 = arith.constant 1032 : index
      %swap3A_1039 = tpu.vector_load %arg7[%swap3A_1038] {strides = array<i32>} : memref<1600xi32, #tpu.memory_space<vmem>>, vector<16xi32>,
      tpu.vector_store %arg7[%swap3A_1038], %select_n3A_1037 {strides = array<i32>} : memref<1600xi32, #tpu.memory_space<vmem>>, vector<16xi32>,
      %get3A_1040 = arith.constant 5 : i32
      %get3A_1041 = arith.index_cast %get3A_1040 : i32 to index
      %get3A_1042 = arith.constant 48 : index
      %get3A_1043 = tpu.vector_load %arg5[%get3A_1041, %get3A_1042] {strides = array<i32>} : memref<8x200xi32, #tpu.memory_space<vmem>>, vector<16xi32>,
      %ge3A_1044 = arith.cmpi sge, %get3A_1043, %broadcast_in_dim3A_10 : vector<16xi32>
      %sub3A_1045 = arith.subi %get3A_1043, %broadcast_in_dim3A_10 : vector<16xi32>
      %select_n3A_1046 = arith.select %ge3A_1044, %sub3A_1045, %get3A_1043 : vector<16xi1>, vector<16xi32>
      %add3A_1047 = arith.addi %broadcast_in_dim3A_994, %select_n3A_1046 : vector<16xi32>
      %swap3A_1048 = arith.constant 1048 : index
      %swap3A_1049 = tpu.vector_load %arg6[%swap3A_1048] {strides = array<i32>} : memref<1600xi32, #tpu.memory_space<vmem>>, vector<16xi32>,
      tpu.vector_store %arg6[%swap3A_1048], %add3A_1047 {strides = array<i32>} : memref<1600xi32, #tpu.memory_space<vmem>>, vector<16xi32>,
      %broadcast_in_dim3A_1050 = arith.constant 1 : i32
      %broadcast_in_dim3A_1051 = vector.broadcast %broadcast_in_dim3A_1050 : i32 to vector<16xi32>
      %select_n3A_1052 = arith.select %ge3A_1044, %broadcast_in_dim3A_1051, %broadcast_in_dim3A_12 : vector<16xi1>, vector<16xi32>
      %swap3A_1053 = arith.constant 1048 : index
      %swap3A_1054 = tpu.vector_load %arg7[%swap3A_1053] {strides = array<i32>} : memref<1600xi32, #tpu.memory_space<vmem>>, vector<16xi32>,
      tpu.vector_store %arg7[%swap3A_1053], %select_n3A_1052 {strides = array<i32>} : memref<1600xi32, #tpu.memory_space<vmem>>, vector<16xi32>,
      %get3A_1055 = arith.constant 5 : i32
      %get3A_1056 = arith.index_cast %get3A_1055 : i32 to index
      %get3A_1057 = arith.constant 64 : index
      %get3A_1058 = tpu.vector_load %arg5[%get3A_1056, %get3A_1057] {strides = array<i32>} : memref<8x200xi32, #tpu.memory_space<vmem>>, vector<16xi32>,
      %ge3A_1059 = arith.cmpi sge, %get3A_1058, %broadcast_in_dim3A_10 : vector<16xi32>
      %sub3A_1060 = arith.subi %get3A_1058, %broadcast_in_dim3A_10 : vector<16xi32>
      %select_n3A_1061 = arith.select %ge3A_1059, %sub3A_1060, %get3A_1058 : vector<16xi1>, vector<16xi32>
      %add3A_1062 = arith.addi %broadcast_in_dim3A_994, %select_n3A_1061 : vector<16xi32>
      %swap3A_1063 = arith.constant 1064 : index
      %swap3A_1064 = tpu.vector_load %arg6[%swap3A_1063] {strides = array<i32>} : memref<1600xi32, #tpu.memory_space<vmem>>, vector<16xi32>,
      tpu.vector_store %arg6[%swap3A_1063], %add3A_1062 {strides = array<i32>} : memref<1600xi32, #tpu.memory_space<vmem>>, vector<16xi32>,
      %broadcast_in_dim3A_1065 = arith.constant 1 : i32
      %broadcast_in_dim3A_1066 = vector.broadcast %broadcast_in_dim3A_1065 : i32 to vector<16xi32>
      %select_n3A_1067 = arith.select %ge3A_1059, %broadcast_in_dim3A_1066, %broadcast_in_dim3A_12 : vector<16xi1>, vector<16xi32>
      %swap3A_1068 = arith.constant 1064 : index
      %swap3A_1069 = tpu.vector_load %arg7[%swap3A_1068] {strides = array<i32>} : memref<1600xi32, #tpu.memory_space<vmem>>, vector<16xi32>,
      tpu.vector_store %arg7[%swap3A_1068], %select_n3A_1067 {strides = array<i32>} : memref<1600xi32, #tpu.memory_space<vmem>>, vector<16xi32>,
      %get3A_1070 = arith.constant 5 : i32
      %get3A_1071 = arith.index_cast %get3A_1070 : i32 to index
      %get3A_1072 = arith.constant 80 : index
      %get3A_1073 = tpu.vector_load %arg5[%get3A_1071, %get3A_1072] {strides = array<i32>} : memref<8x200xi32, #tpu.memory_space<vmem>>, vector<16xi32>,
      %ge3A_1074 = arith.cmpi sge, %get3A_1073, %broadcast_in_dim3A_10 : vector<16xi32>
      %sub3A_1075 = arith.subi %get3A_1073, %broadcast_in_dim3A_10 : vector<16xi32>
      %select_n3A_1076 = arith.select %ge3A_1074, %sub3A_1075, %get3A_1073 : vector<16xi1>, vector<16xi32>
      %add3A_1077 = arith.addi %broadcast_in_dim3A_994, %select_n3A_1076 : vector<16xi32>
      %swap3A_1078 = arith.constant 1080 : index
      %swap3A_1079 = tpu.vector_load %arg6[%swap3A_1078] {strides = array<i32>} : memref<1600xi32, #tpu.memory_space<vmem>>, vector<16xi32>,
      tpu.vector_store %arg6[%swap3A_1078], %add3A_1077 {strides = array<i32>} : memref<1600xi32, #tpu.memory_space<vmem>>, vector<16xi32>,
      %broadcast_in_dim3A_1080 = arith.constant 1 : i32
      %broadcast_in_dim3A_1081 = vector.broadcast %broadcast_in_dim3A_1080 : i32 to vector<16xi32>
      %select_n3A_1082 = arith.select %ge3A_1074, %broadcast_in_dim3A_1081, %broadcast_in_dim3A_12 : vector<16xi1>, vector<16xi32>
      %swap3A_1083 = arith.constant 1080 : index
      %swap3A_1084 = tpu.vector_load %arg7[%swap3A_1083] {strides = array<i32>} : memref<1600xi32, #tpu.memory_space<vmem>>, vector<16xi32>,
      tpu.vector_store %arg7[%swap3A_1083], %select_n3A_1082 {strides = array<i32>} : memref<1600xi32, #tpu.memory_space<vmem>>, vector<16xi32>,
      %get3A_1085 = arith.constant 5 : i32
      %get3A_1086 = arith.index_cast %get3A_1085 : i32 to index
      %get3A_1087 = arith.constant 96 : index
      %get3A_1088 = tpu.vector_load %arg5[%get3A_1086, %get3A_1087] {strides = array<i32>} : memref<8x200xi32, #tpu.memory_space<vmem>>, vector<16xi32>,
      %ge3A_1089 = arith.cmpi sge, %get3A_1088, %broadcast_in_dim3A_10 : vector<16xi32>
      %sub3A_1090 = arith.subi %get3A_1088, %broadcast_in_dim3A_10 : vector<16xi32>
      %select_n3A_1091 = arith.select %ge3A_1089, %sub3A_1090, %get3A_1088 : vector<16xi1>, vector<16xi32>
      %add3A_1092 = arith.addi %broadcast_in_dim3A_994, %select_n3A_1091 : vector<16xi32>
      %swap3A_1093 = arith.constant 1096 : index
      %swap3A_1094 = tpu.vector_load %arg6[%swap3A_1093] {strides = array<i32>} : memref<1600xi32, #tpu.memory_space<vmem>>, vector<16xi32>,
      tpu.vector_store %arg6[%swap3A_1093], %add3A_1092 {strides = array<i32>} : memref<1600xi32, #tpu.memory_space<vmem>>, vector<16xi32>,
      %broadcast_in_dim3A_1095 = arith.constant 1 : i32
      %broadcast_in_dim3A_1096 = vector.broadcast %broadcast_in_dim3A_1095 : i32 to vector<16xi32>
      %select_n3A_1097 = arith.select %ge3A_1089, %broadcast_in_dim3A_1096, %broadcast_in_dim3A_12 : vector<16xi1>, vector<16xi32>
      %swap3A_1098 = arith.constant 1096 : index
      %swap3A_1099 = tpu.vector_load %arg7[%swap3A_1098] {strides = array<i32>} : memref<1600xi32, #tpu.memory_space<vmem>>, vector<16xi32>,
      tpu.vector_store %arg7[%swap3A_1098], %select_n3A_1097 {strides = array<i32>} : memref<1600xi32, #tpu.memory_space<vmem>>, vector<16xi32>,
      %get3A_1100 = arith.constant 5 : i32
      %get3A_1101 = arith.index_cast %get3A_1100 : i32 to index
      %get3A_1102 = arith.constant 112 : index
      %get3A_1103 = tpu.vector_load %arg5[%get3A_1101, %get3A_1102] {strides = array<i32>} : memref<8x200xi32, #tpu.memory_space<vmem>>, vector<16xi32>,
      %ge3A_1104 = arith.cmpi sge, %get3A_1103, %broadcast_in_dim3A_10 : vector<16xi32>
      %sub3A_1105 = arith.subi %get3A_1103, %broadcast_in_dim3A_10 : vector<16xi32>
      %select_n3A_1106 = arith.select %ge3A_1104, %sub3A_1105, %get3A_1103 : vector<16xi1>, vector<16xi32>
      %add3A_1107 = arith.addi %broadcast_in_dim3A_994, %select_n3A_1106 : vector<16xi32>
      %swap3A_1108 = arith.constant 1112 : index
      %swap3A_1109 = tpu.vector_load %arg6[%swap3A_1108] {strides = array<i32>} : memref<1600xi32, #tpu.memory_space<vmem>>, vector<16xi32>,
      tpu.vector_store %arg6[%swap3A_1108], %add3A_1107 {strides = array<i32>} : memref<1600xi32, #tpu.memory_space<vmem>>, vector<16xi32>,
      %broadcast_in_dim3A_1110 = arith.constant 1 : i32
      %broadcast_in_dim3A_1111 = vector.broadcast %broadcast_in_dim3A_1110 : i32 to vector<16xi32>
      %select_n3A_1112 = arith.select %ge3A_1104, %broadcast_in_dim3A_1111, %broadcast_in_dim3A_12 : vector<16xi1>, vector<16xi32>
      %swap3A_1113 = arith.constant 1112 : index
      %swap3A_1114 = tpu.vector_load %arg7[%swap3A_1113] {strides = array<i32>} : memref<1600xi32, #tpu.memory_space<vmem>>, vector<16xi32>,
      tpu.vector_store %arg7[%swap3A_1113], %select_n3A_1112 {strides = array<i32>} : memref<1600xi32, #tpu.memory_space<vmem>>, vector<16xi32>,
      %get3A_1115 = arith.constant 5 : i32
      %get3A_1116 = arith.index_cast %get3A_1115 : i32 to index
      %get3A_1117 = arith.constant 128 : index
      %get3A_1118 = tpu.vector_load %arg5[%get3A_1116, %get3A_1117] {strides = array<i32>} : memref<8x200xi32, #tpu.memory_space<vmem>>, vector<16xi32>,
      %ge3A_1119 = arith.cmpi sge, %get3A_1118, %broadcast_in_dim3A_10 : vector<16xi32>
      %sub3A_1120 = arith.subi %get3A_1118, %broadcast_in_dim3A_10 : vector<16xi32>
      %select_n3A_1121 = arith.select %ge3A_1119, %sub3A_1120, %get3A_1118 : vector<16xi1>, vector<16xi32>
      %add3A_1122 = arith.addi %broadcast_in_dim3A_994, %select_n3A_1121 : vector<16xi32>
      %swap3A_1123 = arith.constant 1128 : index
      %swap3A_1124 = tpu.vector_load %arg6[%swap3A_1123] {strides = array<i32>} : memref<1600xi32, #tpu.memory_space<vmem>>, vector<16xi32>,
      tpu.vector_store %arg6[%swap3A_1123], %add3A_1122 {strides = array<i32>} : memref<1600xi32, #tpu.memory_space<vmem>>, vector<16xi32>,
      %broadcast_in_dim3A_1125 = arith.constant 1 : i32
      %broadcast_in_dim3A_1126 = vector.broadcast %broadcast_in_dim3A_1125 : i32 to vector<16xi32>
      %select_n3A_1127 = arith.select %ge3A_1119, %broadcast_in_dim3A_1126, %broadcast_in_dim3A_12 : vector<16xi1>, vector<16xi32>
      %swap3A_1128 = arith.constant 1128 : index
      %swap3A_1129 = tpu.vector_load %arg7[%swap3A_1128] {strides = array<i32>} : memref<1600xi32, #tpu.memory_space<vmem>>, vector<16xi32>,
      tpu.vector_store %arg7[%swap3A_1128], %select_n3A_1127 {strides = array<i32>} : memref<1600xi32, #tpu.memory_space<vmem>>, vector<16xi32>,
      %get3A_1130 = arith.constant 5 : i32
      %get3A_1131 = arith.index_cast %get3A_1130 : i32 to index
      %get3A_1132 = arith.constant 144 : index
      %get3A_1133 = tpu.vector_load %arg5[%get3A_1131, %get3A_1132] {strides = array<i32>} : memref<8x200xi32, #tpu.memory_space<vmem>>, vector<16xi32>,
      %ge3A_1134 = arith.cmpi sge, %get3A_1133, %broadcast_in_dim3A_10 : vector<16xi32>
      %sub3A_1135 = arith.subi %get3A_1133, %broadcast_in_dim3A_10 : vector<16xi32>
      %select_n3A_1136 = arith.select %ge3A_1134, %sub3A_1135, %get3A_1133 : vector<16xi1>, vector<16xi32>
      %add3A_1137 = arith.addi %broadcast_in_dim3A_994, %select_n3A_1136 : vector<16xi32>
      %swap3A_1138 = arith.constant 1144 : index
      %swap3A_1139 = tpu.vector_load %arg6[%swap3A_1138] {strides = array<i32>} : memref<1600xi32, #tpu.memory_space<vmem>>, vector<16xi32>,
      tpu.vector_store %arg6[%swap3A_1138], %add3A_1137 {strides = array<i32>} : memref<1600xi32, #tpu.memory_space<vmem>>, vector<16xi32>,
      %broadcast_in_dim3A_1140 = arith.constant 1 : i32
      %broadcast_in_dim3A_1141 = vector.broadcast %broadcast_in_dim3A_1140 : i32 to vector<16xi32>
      %select_n3A_1142 = arith.select %ge3A_1134, %broadcast_in_dim3A_1141, %broadcast_in_dim3A_12 : vector<16xi1>, vector<16xi32>
      %swap3A_1143 = arith.constant 1144 : index
      %swap3A_1144 = tpu.vector_load %arg7[%swap3A_1143] {strides = array<i32>} : memref<1600xi32, #tpu.memory_space<vmem>>, vector<16xi32>,
      tpu.vector_store %arg7[%swap3A_1143], %select_n3A_1142 {strides = array<i32>} : memref<1600xi32, #tpu.memory_space<vmem>>, vector<16xi32>,
      %get3A_1145 = arith.constant 5 : i32
      %get3A_1146 = arith.index_cast %get3A_1145 : i32 to index
      %get3A_1147 = arith.constant 160 : index
      %get3A_1148 = tpu.vector_load %arg5[%get3A_1146, %get3A_1147] {strides = array<i32>} : memref<8x200xi32, #tpu.memory_space<vmem>>, vector<16xi32>,
      %ge3A_1149 = arith.cmpi sge, %get3A_1148, %broadcast_in_dim3A_10 : vector<16xi32>
      %sub3A_1150 = arith.subi %get3A_1148, %broadcast_in_dim3A_10 : vector<16xi32>
      %select_n3A_1151 = arith.select %ge3A_1149, %sub3A_1150, %get3A_1148 : vector<16xi1>, vector<16xi32>
      %add3A_1152 = arith.addi %broadcast_in_dim3A_994, %select_n3A_1151 : vector<16xi32>
      %swap3A_1153 = arith.constant 1160 : index
      %swap3A_1154 = tpu.vector_load %arg6[%swap3A_1153] {strides = array<i32>} : memref<1600xi32, #tpu.memory_space<vmem>>, vector<16xi32>,
      tpu.vector_store %arg6[%swap3A_1153], %add3A_1152 {strides = array<i32>} : memref<1600xi32, #tpu.memory_space<vmem>>, vector<16xi32>,
      %broadcast_in_dim3A_1155 = arith.constant 1 : i32
      %broadcast_in_dim3A_1156 = vector.broadcast %broadcast_in_dim3A_1155 : i32 to vector<16xi32>
      %select_n3A_1157 = arith.select %ge3A_1149, %broadcast_in_dim3A_1156, %broadcast_in_dim3A_12 : vector<16xi1>, vector<16xi32>
      %swap3A_1158 = arith.constant 1160 : index
      %swap3A_1159 = tpu.vector_load %arg7[%swap3A_1158] {strides = array<i32>} : memref<1600xi32, #tpu.memory_space<vmem>>, vector<16xi32>,
      tpu.vector_store %arg7[%swap3A_1158], %select_n3A_1157 {strides = array<i32>} : memref<1600xi32, #tpu.memory_space<vmem>>, vector<16xi32>,
      %get3A_1160 = arith.constant 5 : i32
      %get3A_1161 = arith.index_cast %get3A_1160 : i32 to index
      %get3A_1162 = arith.constant 176 : index
      %get3A_1163 = tpu.vector_load %arg5[%get3A_1161, %get3A_1162] {strides = array<i32>} : memref<8x200xi32, #tpu.memory_space<vmem>>, vector<16xi32>,
      %ge3A_1164 = arith.cmpi sge, %get3A_1163, %broadcast_in_dim3A_10 : vector<16xi32>
      %sub3A_1165 = arith.subi %get3A_1163, %broadcast_in_dim3A_10 : vector<16xi32>
      %select_n3A_1166 = arith.select %ge3A_1164, %sub3A_1165, %get3A_1163 : vector<16xi1>, vector<16xi32>
      %add3A_1167 = arith.addi %broadcast_in_dim3A_994, %select_n3A_1166 : vector<16xi32>
      %swap3A_1168 = arith.constant 1176 : index
      %swap3A_1169 = tpu.vector_load %arg6[%swap3A_1168] {strides = array<i32>} : memref<1600xi32, #tpu.memory_space<vmem>>, vector<16xi32>,
      tpu.vector_store %arg6[%swap3A_1168], %add3A_1167 {strides = array<i32>} : memref<1600xi32, #tpu.memory_space<vmem>>, vector<16xi32>,
      %broadcast_in_dim3A_1170 = arith.constant 1 : i32
      %broadcast_in_dim3A_1171 = vector.broadcast %broadcast_in_dim3A_1170 : i32 to vector<16xi32>
      %select_n3A_1172 = arith.select %ge3A_1164, %broadcast_in_dim3A_1171, %broadcast_in_dim3A_12 : vector<16xi1>, vector<16xi32>
      %swap3A_1173 = arith.constant 1176 : index
      %swap3A_1174 = tpu.vector_load %arg7[%swap3A_1173] {strides = array<i32>} : memref<1600xi32, #tpu.memory_space<vmem>>, vector<16xi32>,
      tpu.vector_store %arg7[%swap3A_1173], %select_n3A_1172 {strides = array<i32>} : memref<1600xi32, #tpu.memory_space<vmem>>, vector<16xi32>,
      %get3A_1175 = arith.constant 5 : i32
      %get3A_1176 = arith.index_cast %get3A_1175 : i32 to index
      %get3A_1177 = arith.constant 184 : index
      %get3A_1178 = tpu.vector_load %arg5[%get3A_1176, %get3A_1177] {strides = array<i32>} : memref<8x200xi32, #tpu.memory_space<vmem>>, vector<16xi32>,
      %ge3A_1179 = arith.cmpi sge, %get3A_1178, %broadcast_in_dim3A_10 : vector<16xi32>
      %sub3A_1180 = arith.subi %get3A_1178, %broadcast_in_dim3A_10 : vector<16xi32>
      %select_n3A_1181 = arith.select %ge3A_1179, %sub3A_1180, %get3A_1178 : vector<16xi1>, vector<16xi32>
      %add3A_1182 = arith.addi %broadcast_in_dim3A_994, %select_n3A_1181 : vector<16xi32>
      %swap3A_1183 = arith.constant 1184 : index
      %swap3A_1184 = tpu.vector_load %arg6[%swap3A_1183] {strides = array<i32>} : memref<1600xi32, #tpu.memory_space<vmem>>, vector<16xi32>,
      tpu.vector_store %arg6[%swap3A_1183], %add3A_1182 {strides = array<i32>} : memref<1600xi32, #tpu.memory_space<vmem>>, vector<16xi32>,
      %broadcast_in_dim3A_1185 = arith.constant 1 : i32
      %broadcast_in_dim3A_1186 = vector.broadcast %broadcast_in_dim3A_1185 : i32 to vector<16xi32>
      %select_n3A_1187 = arith.select %ge3A_1179, %broadcast_in_dim3A_1186, %broadcast_in_dim3A_12 : vector<16xi1>, vector<16xi32>
      %swap3A_1188 = arith.constant 1184 : index
      %swap3A_1189 = tpu.vector_load %arg7[%swap3A_1188] {strides = array<i32>} : memref<1600xi32, #tpu.memory_space<vmem>>, vector<16xi32>,
      tpu.vector_store %arg7[%swap3A_1188], %select_n3A_1187 {strides = array<i32>} : memref<1600xi32, #tpu.memory_space<vmem>>, vector<16xi32>,
      %broadcast_in_dim3A_1190 = arith.constant 300288 : i32
      %broadcast_in_dim3A_1191 = vector.broadcast %broadcast_in_dim3A_1190 : i32 to vector<16xi32>
      %get3A_1192 = arith.constant 6 : i32
      %get3A_1193 = arith.index_cast %get3A_1192 : i32 to index
      %get3A_1194 = arith.constant 0 : index
      %get3A_1195 = tpu.vector_load %arg5[%get3A_1193, %get3A_1194] {strides = array<i32>} : memref<8x200xi32, #tpu.memory_space<vmem>>, vector<16xi32>,
      %ge3A_1196 = arith.cmpi sge, %get3A_1195, %broadcast_in_dim3A_10 : vector<16xi32>
      %sub3A_1197 = arith.subi %get3A_1195, %broadcast_in_dim3A_10 : vector<16xi32>
      %select_n3A_1198 = arith.select %ge3A_1196, %sub3A_1197, %get3A_1195 : vector<16xi1>, vector<16xi32>
      %add3A_1199 = arith.addi %broadcast_in_dim3A_1191, %select_n3A_1198 : vector<16xi32>
      %swap3A_1200 = arith.constant 1200 : index
      %swap3A_1201 = tpu.vector_load %arg6[%swap3A_1200] {strides = array<i32>} : memref<1600xi32, #tpu.memory_space<vmem>>, vector<16xi32>,
      tpu.vector_store %arg6[%swap3A_1200], %add3A_1199 {strides = array<i32>} : memref<1600xi32, #tpu.memory_space<vmem>>, vector<16xi32>,
      %broadcast_in_dim3A_1202 = arith.constant 1 : i32
      %broadcast_in_dim3A_1203 = vector.broadcast %broadcast_in_dim3A_1202 : i32 to vector<16xi32>
      %select_n3A_1204 = arith.select %ge3A_1196, %broadcast_in_dim3A_1203, %broadcast_in_dim3A_12 : vector<16xi1>, vector<16xi32>
      %swap3A_1205 = arith.constant 1200 : index
      %swap3A_1206 = tpu.vector_load %arg7[%swap3A_1205] {strides = array<i32>} : memref<1600xi32, #tpu.memory_space<vmem>>, vector<16xi32>,
      tpu.vector_store %arg7[%swap3A_1205], %select_n3A_1204 {strides = array<i32>} : memref<1600xi32, #tpu.memory_space<vmem>>, vector<16xi32>,
      %get3A_1207 = arith.constant 6 : i32
      %get3A_1208 = arith.index_cast %get3A_1207 : i32 to index
      %get3A_1209 = arith.constant 16 : index
      %get3A_1210 = tpu.vector_load %arg5[%get3A_1208, %get3A_1209] {strides = array<i32>} : memref<8x200xi32, #tpu.memory_space<vmem>>, vector<16xi32>,
      %ge3A_1211 = arith.cmpi sge, %get3A_1210, %broadcast_in_dim3A_10 : vector<16xi32>
      %sub3A_1212 = arith.subi %get3A_1210, %broadcast_in_dim3A_10 : vector<16xi32>
      %select_n3A_1213 = arith.select %ge3A_1211, %sub3A_1212, %get3A_1210 : vector<16xi1>, vector<16xi32>
      %add3A_1214 = arith.addi %broadcast_in_dim3A_1191, %select_n3A_1213 : vector<16xi32>
      %swap3A_1215 = arith.constant 1216 : index
      %swap3A_1216 = tpu.vector_load %arg6[%swap3A_1215] {strides = array<i32>} : memref<1600xi32, #tpu.memory_space<vmem>>, vector<16xi32>,
      tpu.vector_store %arg6[%swap3A_1215], %add3A_1214 {strides = array<i32>} : memref<1600xi32, #tpu.memory_space<vmem>>, vector<16xi32>,
      %broadcast_in_dim3A_1217 = arith.constant 1 : i32
      %broadcast_in_dim3A_1218 = vector.broadcast %broadcast_in_dim3A_1217 : i32 to vector<16xi32>
      %select_n3A_1219 = arith.select %ge3A_1211, %broadcast_in_dim3A_1218, %broadcast_in_dim3A_12 : vector<16xi1>, vector<16xi32>
      %swap3A_1220 = arith.constant 1216 : index
      %swap3A_1221 = tpu.vector_load %arg7[%swap3A_1220] {strides = array<i32>} : memref<1600xi32, #tpu.memory_space<vmem>>, vector<16xi32>,
      tpu.vector_store %arg7[%swap3A_1220], %select_n3A_1219 {strides = array<i32>} : memref<1600xi32, #tpu.memory_space<vmem>>, vector<16xi32>,
      %get3A_1222 = arith.constant 6 : i32
      %get3A_1223 = arith.index_cast %get3A_1222 : i32 to index
      %get3A_1224 = arith.constant 32 : index
      %get3A_1225 = tpu.vector_load %arg5[%get3A_1223, %get3A_1224] {strides = array<i32>} : memref<8x200xi32, #tpu.memory_space<vmem>>, vector<16xi32>,
      %ge3A_1226 = arith.cmpi sge, %get3A_1225, %broadcast_in_dim3A_10 : vector<16xi32>
      %sub3A_1227 = arith.subi %get3A_1225, %broadcast_in_dim3A_10 : vector<16xi32>
      %select_n3A_1228 = arith.select %ge3A_1226, %sub3A_1227, %get3A_1225 : vector<16xi1>, vector<16xi32>
      %add3A_1229 = arith.addi %broadcast_in_dim3A_1191, %select_n3A_1228 : vector<16xi32>
      %swap3A_1230 = arith.constant 1232 : index
      %swap3A_1231 = tpu.vector_load %arg6[%swap3A_1230] {strides = array<i32>} : memref<1600xi32, #tpu.memory_space<vmem>>, vector<16xi32>,
      tpu.vector_store %arg6[%swap3A_1230], %add3A_1229 {strides = array<i32>} : memref<1600xi32, #tpu.memory_space<vmem>>, vector<16xi32>,
      %broadcast_in_dim3A_1232 = arith.constant 1 : i32
      %broadcast_in_dim3A_1233 = vector.broadcast %broadcast_in_dim3A_1232 : i32 to vector<16xi32>
      %select_n3A_1234 = arith.select %ge3A_1226, %broadcast_in_dim3A_1233, %broadcast_in_dim3A_12 : vector<16xi1>, vector<16xi32>
      %swap3A_1235 = arith.constant 1232 : index
      %swap3A_1236 = tpu.vector_load %arg7[%swap3A_1235] {strides = array<i32>} : memref<1600xi32, #tpu.memory_space<vmem>>, vector<16xi32>,
      tpu.vector_store %arg7[%swap3A_1235], %select_n3A_1234 {strides = array<i32>} : memref<1600xi32, #tpu.memory_space<vmem>>, vector<16xi32>,
      %get3A_1237 = arith.constant 6 : i32
      %get3A_1238 = arith.index_cast %get3A_1237 : i32 to index
      %get3A_1239 = arith.constant 48 : index
      %get3A_1240 = tpu.vector_load %arg5[%get3A_1238, %get3A_1239] {strides = array<i32>} : memref<8x200xi32, #tpu.memory_space<vmem>>, vector<16xi32>,
      %ge3A_1241 = arith.cmpi sge, %get3A_1240, %broadcast_in_dim3A_10 : vector<16xi32>
      %sub3A_1242 = arith.subi %get3A_1240, %broadcast_in_dim3A_10 : vector<16xi32>
      %select_n3A_1243 = arith.select %ge3A_1241, %sub3A_1242, %get3A_1240 : vector<16xi1>, vector<16xi32>
      %add3A_1244 = arith.addi %broadcast_in_dim3A_1191, %select_n3A_1243 : vector<16xi32>
      %swap3A_1245 = arith.constant 1248 : index
      %swap3A_1246 = tpu.vector_load %arg6[%swap3A_1245] {strides = array<i32>} : memref<1600xi32, #tpu.memory_space<vmem>>, vector<16xi32>,
      tpu.vector_store %arg6[%swap3A_1245], %add3A_1244 {strides = array<i32>} : memref<1600xi32, #tpu.memory_space<vmem>>, vector<16xi32>,
      %broadcast_in_dim3A_1247 = arith.constant 1 : i32
      %broadcast_in_dim3A_1248 = vector.broadcast %broadcast_in_dim3A_1247 : i32 to vector<16xi32>
      %select_n3A_1249 = arith.select %ge3A_1241, %broadcast_in_dim3A_1248, %broadcast_in_dim3A_12 : vector<16xi1>, vector<16xi32>
      %swap3A_1250 = arith.constant 1248 : index
      %swap3A_1251 = tpu.vector_load %arg7[%swap3A_1250] {strides = array<i32>} : memref<1600xi32, #tpu.memory_space<vmem>>, vector<16xi32>,
      tpu.vector_store %arg7[%swap3A_1250], %select_n3A_1249 {strides = array<i32>} : memref<1600xi32, #tpu.memory_space<vmem>>, vector<16xi32>,
      %get3A_1252 = arith.constant 6 : i32
      %get3A_1253 = arith.index_cast %get3A_1252 : i32 to index
      %get3A_1254 = arith.constant 64 : index
      %get3A_1255 = tpu.vector_load %arg5[%get3A_1253, %get3A_1254] {strides = array<i32>} : memref<8x200xi32, #tpu.memory_space<vmem>>, vector<16xi32>,
      %ge3A_1256 = arith.cmpi sge, %get3A_1255, %broadcast_in_dim3A_10 : vector<16xi32>
      %sub3A_1257 = arith.subi %get3A_1255, %broadcast_in_dim3A_10 : vector<16xi32>
      %select_n3A_1258 = arith.select %ge3A_1256, %sub3A_1257, %get3A_1255 : vector<16xi1>, vector<16xi32>
      %add3A_1259 = arith.addi %broadcast_in_dim3A_1191, %select_n3A_1258 : vector<16xi32>
      %swap3A_1260 = arith.constant 1264 : index
      %swap3A_1261 = tpu.vector_load %arg6[%swap3A_1260] {strides = array<i32>} : memref<1600xi32, #tpu.memory_space<vmem>>, vector<16xi32>,
      tpu.vector_store %arg6[%swap3A_1260], %add3A_1259 {strides = array<i32>} : memref<1600xi32, #tpu.memory_space<vmem>>, vector<16xi32>,
      %broadcast_in_dim3A_1262 = arith.constant 1 : i32
      %broadcast_in_dim3A_1263 = vector.broadcast %broadcast_in_dim3A_1262 : i32 to vector<16xi32>
      %select_n3A_1264 = arith.select %ge3A_1256, %broadcast_in_dim3A_1263, %broadcast_in_dim3A_12 : vector<16xi1>, vector<16xi32>
      %swap3A_1265 = arith.constant 1264 : index
      %swap3A_1266 = tpu.vector_load %arg7[%swap3A_1265] {strides = array<i32>} : memref<1600xi32, #tpu.memory_space<vmem>>, vector<16xi32>,
      tpu.vector_store %arg7[%swap3A_1265], %select_n3A_1264 {strides = array<i32>} : memref<1600xi32, #tpu.memory_space<vmem>>, vector<16xi32>,
      %get3A_1267 = arith.constant 6 : i32
      %get3A_1268 = arith.index_cast %get3A_1267 : i32 to index
      %get3A_1269 = arith.constant 80 : index
      %get3A_1270 = tpu.vector_load %arg5[%get3A_1268, %get3A_1269] {strides = array<i32>} : memref<8x200xi32, #tpu.memory_space<vmem>>, vector<16xi32>,
      %ge3A_1271 = arith.cmpi sge, %get3A_1270, %broadcast_in_dim3A_10 : vector<16xi32>
      %sub3A_1272 = arith.subi %get3A_1270, %broadcast_in_dim3A_10 : vector<16xi32>
      %select_n3A_1273 = arith.select %ge3A_1271, %sub3A_1272, %get3A_1270 : vector<16xi1>, vector<16xi32>
      %add3A_1274 = arith.addi %broadcast_in_dim3A_1191, %select_n3A_1273 : vector<16xi32>
      %swap3A_1275 = arith.constant 1280 : index
      %swap3A_1276 = tpu.vector_load %arg6[%swap3A_1275] {strides = array<i32>} : memref<1600xi32, #tpu.memory_space<vmem>>, vector<16xi32>,
      tpu.vector_store %arg6[%swap3A_1275], %add3A_1274 {strides = array<i32>} : memref<1600xi32, #tpu.memory_space<vmem>>, vector<16xi32>,
      %broadcast_in_dim3A_1277 = arith.constant 1 : i32
      %broadcast_in_dim3A_1278 = vector.broadcast %broadcast_in_dim3A_1277 : i32 to vector<16xi32>
      %select_n3A_1279 = arith.select %ge3A_1271, %broadcast_in_dim3A_1278, %broadcast_in_dim3A_12 : vector<16xi1>, vector<16xi32>
      %swap3A_1280 = arith.constant 1280 : index
      %swap3A_1281 = tpu.vector_load %arg7[%swap3A_1280] {strides = array<i32>} : memref<1600xi32, #tpu.memory_space<vmem>>, vector<16xi32>,
      tpu.vector_store %arg7[%swap3A_1280], %select_n3A_1279 {strides = array<i32>} : memref<1600xi32, #tpu.memory_space<vmem>>, vector<16xi32>,
      %get3A_1282 = arith.constant 6 : i32
      %get3A_1283 = arith.index_cast %get3A_1282 : i32 to index
      %get3A_1284 = arith.constant 96 : index
      %get3A_1285 = tpu.vector_load %arg5[%get3A_1283, %get3A_1284] {strides = array<i32>} : memref<8x200xi32, #tpu.memory_space<vmem>>, vector<16xi32>,
      %ge3A_1286 = arith.cmpi sge, %get3A_1285, %broadcast_in_dim3A_10 : vector<16xi32>
      %sub3A_1287 = arith.subi %get3A_1285, %broadcast_in_dim3A_10 : vector<16xi32>
      %select_n3A_1288 = arith.select %ge3A_1286, %sub3A_1287, %get3A_1285 : vector<16xi1>, vector<16xi32>
      %add3A_1289 = arith.addi %broadcast_in_dim3A_1191, %select_n3A_1288 : vector<16xi32>
      %swap3A_1290 = arith.constant 1296 : index
      %swap3A_1291 = tpu.vector_load %arg6[%swap3A_1290] {strides = array<i32>} : memref<1600xi32, #tpu.memory_space<vmem>>, vector<16xi32>,
      tpu.vector_store %arg6[%swap3A_1290], %add3A_1289 {strides = array<i32>} : memref<1600xi32, #tpu.memory_space<vmem>>, vector<16xi32>,
      %broadcast_in_dim3A_1292 = arith.constant 1 : i32
      %broadcast_in_dim3A_1293 = vector.broadcast %broadcast_in_dim3A_1292 : i32 to vector<16xi32>
      %select_n3A_1294 = arith.select %ge3A_1286, %broadcast_in_dim3A_1293, %broadcast_in_dim3A_12 : vector<16xi1>, vector<16xi32>
      %swap3A_1295 = arith.constant 1296 : index
      %swap3A_1296 = tpu.vector_load %arg7[%swap3A_1295] {strides = array<i32>} : memref<1600xi32, #tpu.memory_space<vmem>>, vector<16xi32>,
      tpu.vector_store %arg7[%swap3A_1295], %select_n3A_1294 {strides = array<i32>} : memref<1600xi32, #tpu.memory_space<vmem>>, vector<16xi32>,
      %get3A_1297 = arith.constant 6 : i32
      %get3A_1298 = arith.index_cast %get3A_1297 : i32 to index
      %get3A_1299 = arith.constant 112 : index
      %get3A_1300 = tpu.vector_load %arg5[%get3A_1298, %get3A_1299] {strides = array<i32>} : memref<8x200xi32, #tpu.memory_space<vmem>>, vector<16xi32>,
      %ge3A_1301 = arith.cmpi sge, %get3A_1300, %broadcast_in_dim3A_10 : vector<16xi32>
      %sub3A_1302 = arith.subi %get3A_1300, %broadcast_in_dim3A_10 : vector<16xi32>
      %select_n3A_1303 = arith.select %ge3A_1301, %sub3A_1302, %get3A_1300 : vector<16xi1>, vector<16xi32>
      %add3A_1304 = arith.addi %broadcast_in_dim3A_1191, %select_n3A_1303 : vector<16xi32>
      %swap3A_1305 = arith.constant 1312 : index
      %swap3A_1306 = tpu.vector_load %arg6[%swap3A_1305] {strides = array<i32>} : memref<1600xi32, #tpu.memory_space<vmem>>, vector<16xi32>,
      tpu.vector_store %arg6[%swap3A_1305], %add3A_1304 {strides = array<i32>} : memref<1600xi32, #tpu.memory_space<vmem>>, vector<16xi32>,
      %broadcast_in_dim3A_1307 = arith.constant 1 : i32
      %broadcast_in_dim3A_1308 = vector.broadcast %broadcast_in_dim3A_1307 : i32 to vector<16xi32>
      %select_n3A_1309 = arith.select %ge3A_1301, %broadcast_in_dim3A_1308, %broadcast_in_dim3A_12 : vector<16xi1>, vector<16xi32>
      %swap3A_1310 = arith.constant 1312 : index
      %swap3A_1311 = tpu.vector_load %arg7[%swap3A_1310] {strides = array<i32>} : memref<1600xi32, #tpu.memory_space<vmem>>, vector<16xi32>,
      tpu.vector_store %arg7[%swap3A_1310], %select_n3A_1309 {strides = array<i32>} : memref<1600xi32, #tpu.memory_space<vmem>>, vector<16xi32>,
      %get3A_1312 = arith.constant 6 : i32
      %get3A_1313 = arith.index_cast %get3A_1312 : i32 to index
      %get3A_1314 = arith.constant 128 : index
      %get3A_1315 = tpu.vector_load %arg5[%get3A_1313, %get3A_1314] {strides = array<i32>} : memref<8x200xi32, #tpu.memory_space<vmem>>, vector<16xi32>,
      %ge3A_1316 = arith.cmpi sge, %get3A_1315, %broadcast_in_dim3A_10 : vector<16xi32>
      %sub3A_1317 = arith.subi %get3A_1315, %broadcast_in_dim3A_10 : vector<16xi32>
      %select_n3A_1318 = arith.select %ge3A_1316, %sub3A_1317, %get3A_1315 : vector<16xi1>, vector<16xi32>
      %add3A_1319 = arith.addi %broadcast_in_dim3A_1191, %select_n3A_1318 : vector<16xi32>
      %swap3A_1320 = arith.constant 1328 : index
      %swap3A_1321 = tpu.vector_load %arg6[%swap3A_1320] {strides = array<i32>} : memref<1600xi32, #tpu.memory_space<vmem>>, vector<16xi32>,
      tpu.vector_store %arg6[%swap3A_1320], %add3A_1319 {strides = array<i32>} : memref<1600xi32, #tpu.memory_space<vmem>>, vector<16xi32>,
      %broadcast_in_dim3A_1322 = arith.constant 1 : i32
      %broadcast_in_dim3A_1323 = vector.broadcast %broadcast_in_dim3A_1322 : i32 to vector<16xi32>
      %select_n3A_1324 = arith.select %ge3A_1316, %broadcast_in_dim3A_1323, %broadcast_in_dim3A_12 : vector<16xi1>, vector<16xi32>
      %swap3A_1325 = arith.constant 1328 : index
      %swap3A_1326 = tpu.vector_load %arg7[%swap3A_1325] {strides = array<i32>} : memref<1600xi32, #tpu.memory_space<vmem>>, vector<16xi32>,
      tpu.vector_store %arg7[%swap3A_1325], %select_n3A_1324 {strides = array<i32>} : memref<1600xi32, #tpu.memory_space<vmem>>, vector<16xi32>,
      %get3A_1327 = arith.constant 6 : i32
      %get3A_1328 = arith.index_cast %get3A_1327 : i32 to index
      %get3A_1329 = arith.constant 144 : index
      %get3A_1330 = tpu.vector_load %arg5[%get3A_1328, %get3A_1329] {strides = array<i32>} : memref<8x200xi32, #tpu.memory_space<vmem>>, vector<16xi32>,
      %ge3A_1331 = arith.cmpi sge, %get3A_1330, %broadcast_in_dim3A_10 : vector<16xi32>
      %sub3A_1332 = arith.subi %get3A_1330, %broadcast_in_dim3A_10 : vector<16xi32>
      %select_n3A_1333 = arith.select %ge3A_1331, %sub3A_1332, %get3A_1330 : vector<16xi1>, vector<16xi32>
      %add3A_1334 = arith.addi %broadcast_in_dim3A_1191, %select_n3A_1333 : vector<16xi32>
      %swap3A_1335 = arith.constant 1344 : index
      %swap3A_1336 = tpu.vector_load %arg6[%swap3A_1335] {strides = array<i32>} : memref<1600xi32, #tpu.memory_space<vmem>>, vector<16xi32>,
      tpu.vector_store %arg6[%swap3A_1335], %add3A_1334 {strides = array<i32>} : memref<1600xi32, #tpu.memory_space<vmem>>, vector<16xi32>,
      %broadcast_in_dim3A_1337 = arith.constant 1 : i32
      %broadcast_in_dim3A_1338 = vector.broadcast %broadcast_in_dim3A_1337 : i32 to vector<16xi32>
      %select_n3A_1339 = arith.select %ge3A_1331, %broadcast_in_dim3A_1338, %broadcast_in_dim3A_12 : vector<16xi1>, vector<16xi32>
      %swap3A_1340 = arith.constant 1344 : index
      %swap3A_1341 = tpu.vector_load %arg7[%swap3A_1340] {strides = array<i32>} : memref<1600xi32, #tpu.memory_space<vmem>>, vector<16xi32>,
      tpu.vector_store %arg7[%swap3A_1340], %select_n3A_1339 {strides = array<i32>} : memref<1600xi32, #tpu.memory_space<vmem>>, vector<16xi32>,
      %get3A_1342 = arith.constant 6 : i32
      %get3A_1343 = arith.index_cast %get3A_1342 : i32 to index
      %get3A_1344 = arith.constant 160 : index
      %get3A_1345 = tpu.vector_load %arg5[%get3A_1343, %get3A_1344] {strides = array<i32>} : memref<8x200xi32, #tpu.memory_space<vmem>>, vector<16xi32>,
      %ge3A_1346 = arith.cmpi sge, %get3A_1345, %broadcast_in_dim3A_10 : vector<16xi32>
      %sub3A_1347 = arith.subi %get3A_1345, %broadcast_in_dim3A_10 : vector<16xi32>
      %select_n3A_1348 = arith.select %ge3A_1346, %sub3A_1347, %get3A_1345 : vector<16xi1>, vector<16xi32>
      %add3A_1349 = arith.addi %broadcast_in_dim3A_1191, %select_n3A_1348 : vector<16xi32>
      %swap3A_1350 = arith.constant 1360 : index
      %swap3A_1351 = tpu.vector_load %arg6[%swap3A_1350] {strides = array<i32>} : memref<1600xi32, #tpu.memory_space<vmem>>, vector<16xi32>,
      tpu.vector_store %arg6[%swap3A_1350], %add3A_1349 {strides = array<i32>} : memref<1600xi32, #tpu.memory_space<vmem>>, vector<16xi32>,
      %broadcast_in_dim3A_1352 = arith.constant 1 : i32
      %broadcast_in_dim3A_1353 = vector.broadcast %broadcast_in_dim3A_1352 : i32 to vector<16xi32>
      %select_n3A_1354 = arith.select %ge3A_1346, %broadcast_in_dim3A_1353, %broadcast_in_dim3A_12 : vector<16xi1>, vector<16xi32>
      %swap3A_1355 = arith.constant 1360 : index
      %swap3A_1356 = tpu.vector_load %arg7[%swap3A_1355] {strides = array<i32>} : memref<1600xi32, #tpu.memory_space<vmem>>, vector<16xi32>,
      tpu.vector_store %arg7[%swap3A_1355], %select_n3A_1354 {strides = array<i32>} : memref<1600xi32, #tpu.memory_space<vmem>>, vector<16xi32>,
      %get3A_1357 = arith.constant 6 : i32
      %get3A_1358 = arith.index_cast %get3A_1357 : i32 to index
      %get3A_1359 = arith.constant 176 : index
      %get3A_1360 = tpu.vector_load %arg5[%get3A_1358, %get3A_1359] {strides = array<i32>} : memref<8x200xi32, #tpu.memory_space<vmem>>, vector<16xi32>,
      %ge3A_1361 = arith.cmpi sge, %get3A_1360, %broadcast_in_dim3A_10 : vector<16xi32>
      %sub3A_1362 = arith.subi %get3A_1360, %broadcast_in_dim3A_10 : vector<16xi32>
      %select_n3A_1363 = arith.select %ge3A_1361, %sub3A_1362, %get3A_1360 : vector<16xi1>, vector<16xi32>
      %add3A_1364 = arith.addi %broadcast_in_dim3A_1191, %select_n3A_1363 : vector<16xi32>
      %swap3A_1365 = arith.constant 1376 : index
      %swap3A_1366 = tpu.vector_load %arg6[%swap3A_1365] {strides = array<i32>} : memref<1600xi32, #tpu.memory_space<vmem>>, vector<16xi32>,
      tpu.vector_store %arg6[%swap3A_1365], %add3A_1364 {strides = array<i32>} : memref<1600xi32, #tpu.memory_space<vmem>>, vector<16xi32>,
      %broadcast_in_dim3A_1367 = arith.constant 1 : i32
      %broadcast_in_dim3A_1368 = vector.broadcast %broadcast_in_dim3A_1367 : i32 to vector<16xi32>
      %select_n3A_1369 = arith.select %ge3A_1361, %broadcast_in_dim3A_1368, %broadcast_in_dim3A_12 : vector<16xi1>, vector<16xi32>
      %swap3A_1370 = arith.constant 1376 : index
      %swap3A_1371 = tpu.vector_load %arg7[%swap3A_1370] {strides = array<i32>} : memref<1600xi32, #tpu.memory_space<vmem>>, vector<16xi32>,
      tpu.vector_store %arg7[%swap3A_1370], %select_n3A_1369 {strides = array<i32>} : memref<1600xi32, #tpu.memory_space<vmem>>, vector<16xi32>,
      %get3A_1372 = arith.constant 6 : i32
      %get3A_1373 = arith.index_cast %get3A_1372 : i32 to index
      %get3A_1374 = arith.constant 184 : index
      %get3A_1375 = tpu.vector_load %arg5[%get3A_1373, %get3A_1374] {strides = array<i32>} : memref<8x200xi32, #tpu.memory_space<vmem>>, vector<16xi32>,
      %ge3A_1376 = arith.cmpi sge, %get3A_1375, %broadcast_in_dim3A_10 : vector<16xi32>
      %sub3A_1377 = arith.subi %get3A_1375, %broadcast_in_dim3A_10 : vector<16xi32>
      %select_n3A_1378 = arith.select %ge3A_1376, %sub3A_1377, %get3A_1375 : vector<16xi1>, vector<16xi32>
      %add3A_1379 = arith.addi %broadcast_in_dim3A_1191, %select_n3A_1378 : vector<16xi32>
      %swap3A_1380 = arith.constant 1384 : index
      %swap3A_1381 = tpu.vector_load %arg6[%swap3A_1380] {strides = array<i32>} : memref<1600xi32, #tpu.memory_space<vmem>>, vector<16xi32>,
      tpu.vector_store %arg6[%swap3A_1380], %add3A_1379 {strides = array<i32>} : memref<1600xi32, #tpu.memory_space<vmem>>, vector<16xi32>,
      %broadcast_in_dim3A_1382 = arith.constant 1 : i32
      %broadcast_in_dim3A_1383 = vector.broadcast %broadcast_in_dim3A_1382 : i32 to vector<16xi32>
      %select_n3A_1384 = arith.select %ge3A_1376, %broadcast_in_dim3A_1383, %broadcast_in_dim3A_12 : vector<16xi1>, vector<16xi32>
      %swap3A_1385 = arith.constant 1384 : index
      %swap3A_1386 = tpu.vector_load %arg7[%swap3A_1385] {strides = array<i32>} : memref<1600xi32, #tpu.memory_space<vmem>>, vector<16xi32>,
      tpu.vector_store %arg7[%swap3A_1385], %select_n3A_1384 {strides = array<i32>} : memref<1600xi32, #tpu.memory_space<vmem>>, vector<16xi32>,
      %broadcast_in_dim3A_1387 = arith.constant 350336 : i32
      %broadcast_in_dim3A_1388 = vector.broadcast %broadcast_in_dim3A_1387 : i32 to vector<16xi32>
      %get3A_1389 = arith.constant 7 : i32
      %get3A_1390 = arith.index_cast %get3A_1389 : i32 to index
      %get3A_1391 = arith.constant 0 : index
      %get3A_1392 = tpu.vector_load %arg5[%get3A_1390, %get3A_1391] {strides = array<i32>} : memref<8x200xi32, #tpu.memory_space<vmem>>, vector<16xi32>,
      %ge3A_1393 = arith.cmpi sge, %get3A_1392, %broadcast_in_dim3A_10 : vector<16xi32>
      %sub3A_1394 = arith.subi %get3A_1392, %broadcast_in_dim3A_10 : vector<16xi32>
      %select_n3A_1395 = arith.select %ge3A_1393, %sub3A_1394, %get3A_1392 : vector<16xi1>, vector<16xi32>
      %add3A_1396 = arith.addi %broadcast_in_dim3A_1388, %select_n3A_1395 : vector<16xi32>
      %swap3A_1397 = arith.constant 1400 : index
      %swap3A_1398 = tpu.vector_load %arg6[%swap3A_1397] {strides = array<i32>} : memref<1600xi32, #tpu.memory_space<vmem>>, vector<16xi32>,
      tpu.vector_store %arg6[%swap3A_1397], %add3A_1396 {strides = array<i32>} : memref<1600xi32, #tpu.memory_space<vmem>>, vector<16xi32>,
      %broadcast_in_dim3A_1399 = arith.constant 1 : i32
      %broadcast_in_dim3A_1400 = vector.broadcast %broadcast_in_dim3A_1399 : i32 to vector<16xi32>
      %select_n3A_1401 = arith.select %ge3A_1393, %broadcast_in_dim3A_1400, %broadcast_in_dim3A_12 : vector<16xi1>, vector<16xi32>
      %swap3A_1402 = arith.constant 1400 : index
      %swap3A_1403 = tpu.vector_load %arg7[%swap3A_1402] {strides = array<i32>} : memref<1600xi32, #tpu.memory_space<vmem>>, vector<16xi32>,
      tpu.vector_store %arg7[%swap3A_1402], %select_n3A_1401 {strides = array<i32>} : memref<1600xi32, #tpu.memory_space<vmem>>, vector<16xi32>,
      %get3A_1404 = arith.constant 7 : i32
      %get3A_1405 = arith.index_cast %get3A_1404 : i32 to index
      %get3A_1406 = arith.constant 16 : index
      %get3A_1407 = tpu.vector_load %arg5[%get3A_1405, %get3A_1406] {strides = array<i32>} : memref<8x200xi32, #tpu.memory_space<vmem>>, vector<16xi32>,
      %ge3A_1408 = arith.cmpi sge, %get3A_1407, %broadcast_in_dim3A_10 : vector<16xi32>
      %sub3A_1409 = arith.subi %get3A_1407, %broadcast_in_dim3A_10 : vector<16xi32>
      %select_n3A_1410 = arith.select %ge3A_1408, %sub3A_1409, %get3A_1407 : vector<16xi1>, vector<16xi32>
      %add3A_1411 = arith.addi %broadcast_in_dim3A_1388, %select_n3A_1410 : vector<16xi32>
      %swap3A_1412 = arith.constant 1416 : index
      %swap3A_1413 = tpu.vector_load %arg6[%swap3A_1412] {strides = array<i32>} : memref<1600xi32, #tpu.memory_space<vmem>>, vector<16xi32>,
      tpu.vector_store %arg6[%swap3A_1412], %add3A_1411 {strides = array<i32>} : memref<1600xi32, #tpu.memory_space<vmem>>, vector<16xi32>,
      %broadcast_in_dim3A_1414 = arith.constant 1 : i32
      %broadcast_in_dim3A_1415 = vector.broadcast %broadcast_in_dim3A_1414 : i32 to vector<16xi32>
      %select_n3A_1416 = arith.select %ge3A_1408, %broadcast_in_dim3A_1415, %broadcast_in_dim3A_12 : vector<16xi1>, vector<16xi32>
      %swap3A_1417 = arith.constant 1416 : index
      %swap3A_1418 = tpu.vector_load %arg7[%swap3A_1417] {strides = array<i32>} : memref<1600xi32, #tpu.memory_space<vmem>>, vector<16xi32>,
      tpu.vector_store %arg7[%swap3A_1417], %select_n3A_1416 {strides = array<i32>} : memref<1600xi32, #tpu.memory_space<vmem>>, vector<16xi32>,
      %get3A_1419 = arith.constant 7 : i32
      %get3A_1420 = arith.index_cast %get3A_1419 : i32 to index
      %get3A_1421 = arith.constant 32 : index
      %get3A_1422 = tpu.vector_load %arg5[%get3A_1420, %get3A_1421] {strides = array<i32>} : memref<8x200xi32, #tpu.memory_space<vmem>>, vector<16xi32>,
      %ge3A_1423 = arith.cmpi sge, %get3A_1422, %broadcast_in_dim3A_10 : vector<16xi32>
      %sub3A_1424 = arith.subi %get3A_1422, %broadcast_in_dim3A_10 : vector<16xi32>
      %select_n3A_1425 = arith.select %ge3A_1423, %sub3A_1424, %get3A_1422 : vector<16xi1>, vector<16xi32>
      %add3A_1426 = arith.addi %broadcast_in_dim3A_1388, %select_n3A_1425 : vector<16xi32>
      %swap3A_1427 = arith.constant 1432 : index
      %swap3A_1428 = tpu.vector_load %arg6[%swap3A_1427] {strides = array<i32>} : memref<1600xi32, #tpu.memory_space<vmem>>, vector<16xi32>,
      tpu.vector_store %arg6[%swap3A_1427], %add3A_1426 {strides = array<i32>} : memref<1600xi32, #tpu.memory_space<vmem>>, vector<16xi32>,
      %broadcast_in_dim3A_1429 = arith.constant 1 : i32
      %broadcast_in_dim3A_1430 = vector.broadcast %broadcast_in_dim3A_1429 : i32 to vector<16xi32>
      %select_n3A_1431 = arith.select %ge3A_1423, %broadcast_in_dim3A_1430, %broadcast_in_dim3A_12 : vector<16xi1>, vector<16xi32>
      %swap3A_1432 = arith.constant 1432 : index
      %swap3A_1433 = tpu.vector_load %arg7[%swap3A_1432] {strides = array<i32>} : memref<1600xi32, #tpu.memory_space<vmem>>, vector<16xi32>,
      tpu.vector_store %arg7[%swap3A_1432], %select_n3A_1431 {strides = array<i32>} : memref<1600xi32, #tpu.memory_space<vmem>>, vector<16xi32>,
      %get3A_1434 = arith.constant 7 : i32
      %get3A_1435 = arith.index_cast %get3A_1434 : i32 to index
      %get3A_1436 = arith.constant 48 : index
      %get3A_1437 = tpu.vector_load %arg5[%get3A_1435, %get3A_1436] {strides = array<i32>} : memref<8x200xi32, #tpu.memory_space<vmem>>, vector<16xi32>,
      %ge3A_1438 = arith.cmpi sge, %get3A_1437, %broadcast_in_dim3A_10 : vector<16xi32>
      %sub3A_1439 = arith.subi %get3A_1437, %broadcast_in_dim3A_10 : vector<16xi32>
      %select_n3A_1440 = arith.select %ge3A_1438, %sub3A_1439, %get3A_1437 : vector<16xi1>, vector<16xi32>
      %add3A_1441 = arith.addi %broadcast_in_dim3A_1388, %select_n3A_1440 : vector<16xi32>
      %swap3A_1442 = arith.constant 1448 : index
      %swap3A_1443 = tpu.vector_load %arg6[%swap3A_1442] {strides = array<i32>} : memref<1600xi32, #tpu.memory_space<vmem>>, vector<16xi32>,
      tpu.vector_store %arg6[%swap3A_1442], %add3A_1441 {strides = array<i32>} : memref<1600xi32, #tpu.memory_space<vmem>>, vector<16xi32>,
      %broadcast_in_dim3A_1444 = arith.constant 1 : i32
      %broadcast_in_dim3A_1445 = vector.broadcast %broadcast_in_dim3A_1444 : i32 to vector<16xi32>
      %select_n3A_1446 = arith.select %ge3A_1438, %broadcast_in_dim3A_1445, %broadcast_in_dim3A_12 : vector<16xi1>, vector<16xi32>
      %swap3A_1447 = arith.constant 1448 : index
      %swap3A_1448 = tpu.vector_load %arg7[%swap3A_1447] {strides = array<i32>} : memref<1600xi32, #tpu.memory_space<vmem>>, vector<16xi32>,
      tpu.vector_store %arg7[%swap3A_1447], %select_n3A_1446 {strides = array<i32>} : memref<1600xi32, #tpu.memory_space<vmem>>, vector<16xi32>,
      %get3A_1449 = arith.constant 7 : i32
      %get3A_1450 = arith.index_cast %get3A_1449 : i32 to index
      %get3A_1451 = arith.constant 64 : index
      %get3A_1452 = tpu.vector_load %arg5[%get3A_1450, %get3A_1451] {strides = array<i32>} : memref<8x200xi32, #tpu.memory_space<vmem>>, vector<16xi32>,
      %ge3A_1453 = arith.cmpi sge, %get3A_1452, %broadcast_in_dim3A_10 : vector<16xi32>
      %sub3A_1454 = arith.subi %get3A_1452, %broadcast_in_dim3A_10 : vector<16xi32>
      %select_n3A_1455 = arith.select %ge3A_1453, %sub3A_1454, %get3A_1452 : vector<16xi1>, vector<16xi32>
      %add3A_1456 = arith.addi %broadcast_in_dim3A_1388, %select_n3A_1455 : vector<16xi32>
      %swap3A_1457 = arith.constant 1464 : index
      %swap3A_1458 = tpu.vector_load %arg6[%swap3A_1457] {strides = array<i32>} : memref<1600xi32, #tpu.memory_space<vmem>>, vector<16xi32>,
      tpu.vector_store %arg6[%swap3A_1457], %add3A_1456 {strides = array<i32>} : memref<1600xi32, #tpu.memory_space<vmem>>, vector<16xi32>,
      %broadcast_in_dim3A_1459 = arith.constant 1 : i32
      %broadcast_in_dim3A_1460 = vector.broadcast %broadcast_in_dim3A_1459 : i32 to vector<16xi32>
      %select_n3A_1461 = arith.select %ge3A_1453, %broadcast_in_dim3A_1460, %broadcast_in_dim3A_12 : vector<16xi1>, vector<16xi32>
      %swap3A_1462 = arith.constant 1464 : index
      %swap3A_1463 = tpu.vector_load %arg7[%swap3A_1462] {strides = array<i32>} : memref<1600xi32, #tpu.memory_space<vmem>>, vector<16xi32>,
      tpu.vector_store %arg7[%swap3A_1462], %select_n3A_1461 {strides = array<i32>} : memref<1600xi32, #tpu.memory_space<vmem>>, vector<16xi32>,
      %get3A_1464 = arith.constant 7 : i32
      %get3A_1465 = arith.index_cast %get3A_1464 : i32 to index
      %get3A_1466 = arith.constant 80 : index
      %get3A_1467 = tpu.vector_load %arg5[%get3A_1465, %get3A_1466] {strides = array<i32>} : memref<8x200xi32, #tpu.memory_space<vmem>>, vector<16xi32>,
      %ge3A_1468 = arith.cmpi sge, %get3A_1467, %broadcast_in_dim3A_10 : vector<16xi32>
      %sub3A_1469 = arith.subi %get3A_1467, %broadcast_in_dim3A_10 : vector<16xi32>
      %select_n3A_1470 = arith.select %ge3A_1468, %sub3A_1469, %get3A_1467 : vector<16xi1>, vector<16xi32>
      %add3A_1471 = arith.addi %broadcast_in_dim3A_1388, %select_n3A_1470 : vector<16xi32>
      %swap3A_1472 = arith.constant 1480 : index
      %swap3A_1473 = tpu.vector_load %arg6[%swap3A_1472] {strides = array<i32>} : memref<1600xi32, #tpu.memory_space<vmem>>, vector<16xi32>,
      tpu.vector_store %arg6[%swap3A_1472], %add3A_1471 {strides = array<i32>} : memref<1600xi32, #tpu.memory_space<vmem>>, vector<16xi32>,
      %broadcast_in_dim3A_1474 = arith.constant 1 : i32
      %broadcast_in_dim3A_1475 = vector.broadcast %broadcast_in_dim3A_1474 : i32 to vector<16xi32>
      %select_n3A_1476 = arith.select %ge3A_1468, %broadcast_in_dim3A_1475, %broadcast_in_dim3A_12 : vector<16xi1>, vector<16xi32>
      %swap3A_1477 = arith.constant 1480 : index
      %swap3A_1478 = tpu.vector_load %arg7[%swap3A_1477] {strides = array<i32>} : memref<1600xi32, #tpu.memory_space<vmem>>, vector<16xi32>,
      tpu.vector_store %arg7[%swap3A_1477], %select_n3A_1476 {strides = array<i32>} : memref<1600xi32, #tpu.memory_space<vmem>>, vector<16xi32>,
      %get3A_1479 = arith.constant 7 : i32
      %get3A_1480 = arith.index_cast %get3A_1479 : i32 to index
      %get3A_1481 = arith.constant 96 : index
      %get3A_1482 = tpu.vector_load %arg5[%get3A_1480, %get3A_1481] {strides = array<i32>} : memref<8x200xi32, #tpu.memory_space<vmem>>, vector<16xi32>,
      %ge3A_1483 = arith.cmpi sge, %get3A_1482, %broadcast_in_dim3A_10 : vector<16xi32>
      %sub3A_1484 = arith.subi %get3A_1482, %broadcast_in_dim3A_10 : vector<16xi32>
      %select_n3A_1485 = arith.select %ge3A_1483, %sub3A_1484, %get3A_1482 : vector<16xi1>, vector<16xi32>
      %add3A_1486 = arith.addi %broadcast_in_dim3A_1388, %select_n3A_1485 : vector<16xi32>
      %swap3A_1487 = arith.constant 1496 : index
      %swap3A_1488 = tpu.vector_load %arg6[%swap3A_1487] {strides = array<i32>} : memref<1600xi32, #tpu.memory_space<vmem>>, vector<16xi32>,
      tpu.vector_store %arg6[%swap3A_1487], %add3A_1486 {strides = array<i32>} : memref<1600xi32, #tpu.memory_space<vmem>>, vector<16xi32>,
      %broadcast_in_dim3A_1489 = arith.constant 1 : i32
      %broadcast_in_dim3A_1490 = vector.broadcast %broadcast_in_dim3A_1489 : i32 to vector<16xi32>
      %select_n3A_1491 = arith.select %ge3A_1483, %broadcast_in_dim3A_1490, %broadcast_in_dim3A_12 : vector<16xi1>, vector<16xi32>
      %swap3A_1492 = arith.constant 1496 : index
      %swap3A_1493 = tpu.vector_load %arg7[%swap3A_1492] {strides = array<i32>} : memref<1600xi32, #tpu.memory_space<vmem>>, vector<16xi32>,
      tpu.vector_store %arg7[%swap3A_1492], %select_n3A_1491 {strides = array<i32>} : memref<1600xi32, #tpu.memory_space<vmem>>, vector<16xi32>,
      %get3A_1494 = arith.constant 7 : i32
      %get3A_1495 = arith.index_cast %get3A_1494 : i32 to index
      %get3A_1496 = arith.constant 112 : index
      %get3A_1497 = tpu.vector_load %arg5[%get3A_1495, %get3A_1496] {strides = array<i32>} : memref<8x200xi32, #tpu.memory_space<vmem>>, vector<16xi32>,
      %ge3A_1498 = arith.cmpi sge, %get3A_1497, %broadcast_in_dim3A_10 : vector<16xi32>
      %sub3A_1499 = arith.subi %get3A_1497, %broadcast_in_dim3A_10 : vector<16xi32>
      %select_n3A_1500 = arith.select %ge3A_1498, %sub3A_1499, %get3A_1497 : vector<16xi1>, vector<16xi32>
      %add3A_1501 = arith.addi %broadcast_in_dim3A_1388, %select_n3A_1500 : vector<16xi32>
      %swap3A_1502 = arith.constant 1512 : index
      %swap3A_1503 = tpu.vector_load %arg6[%swap3A_1502] {strides = array<i32>} : memref<1600xi32, #tpu.memory_space<vmem>>, vector<16xi32>,
      tpu.vector_store %arg6[%swap3A_1502], %add3A_1501 {strides = array<i32>} : memref<1600xi32, #tpu.memory_space<vmem>>, vector<16xi32>,
      %broadcast_in_dim3A_1504 = arith.constant 1 : i32
      %broadcast_in_dim3A_1505 = vector.broadcast %broadcast_in_dim3A_1504 : i32 to vector<16xi32>
      %select_n3A_1506 = arith.select %ge3A_1498, %broadcast_in_dim3A_1505, %broadcast_in_dim3A_12 : vector<16xi1>, vector<16xi32>
      %swap3A_1507 = arith.constant 1512 : index
      %swap3A_1508 = tpu.vector_load %arg7[%swap3A_1507] {strides = array<i32>} : memref<1600xi32, #tpu.memory_space<vmem>>, vector<16xi32>,
      tpu.vector_store %arg7[%swap3A_1507], %select_n3A_1506 {strides = array<i32>} : memref<1600xi32, #tpu.memory_space<vmem>>, vector<16xi32>,
      %get3A_1509 = arith.constant 7 : i32
      %get3A_1510 = arith.index_cast %get3A_1509 : i32 to index
      %get3A_1511 = arith.constant 128 : index
      %get3A_1512 = tpu.vector_load %arg5[%get3A_1510, %get3A_1511] {strides = array<i32>} : memref<8x200xi32, #tpu.memory_space<vmem>>, vector<16xi32>,
      %ge3A_1513 = arith.cmpi sge, %get3A_1512, %broadcast_in_dim3A_10 : vector<16xi32>
      %sub3A_1514 = arith.subi %get3A_1512, %broadcast_in_dim3A_10 : vector<16xi32>
      %select_n3A_1515 = arith.select %ge3A_1513, %sub3A_1514, %get3A_1512 : vector<16xi1>, vector<16xi32>
      %add3A_1516 = arith.addi %broadcast_in_dim3A_1388, %select_n3A_1515 : vector<16xi32>
      %swap3A_1517 = arith.constant 1528 : index
      %swap3A_1518 = tpu.vector_load %arg6[%swap3A_1517] {strides = array<i32>} : memref<1600xi32, #tpu.memory_space<vmem>>, vector<16xi32>,
      tpu.vector_store %arg6[%swap3A_1517], %add3A_1516 {strides = array<i32>} : memref<1600xi32, #tpu.memory_space<vmem>>, vector<16xi32>,
      %broadcast_in_dim3A_1519 = arith.constant 1 : i32
      %broadcast_in_dim3A_1520 = vector.broadcast %broadcast_in_dim3A_1519 : i32 to vector<16xi32>
      %select_n3A_1521 = arith.select %ge3A_1513, %broadcast_in_dim3A_1520, %broadcast_in_dim3A_12 : vector<16xi1>, vector<16xi32>
      %swap3A_1522 = arith.constant 1528 : index
      %swap3A_1523 = tpu.vector_load %arg7[%swap3A_1522] {strides = array<i32>} : memref<1600xi32, #tpu.memory_space<vmem>>, vector<16xi32>,
      tpu.vector_store %arg7[%swap3A_1522], %select_n3A_1521 {strides = array<i32>} : memref<1600xi32, #tpu.memory_space<vmem>>, vector<16xi32>,
      %get3A_1524 = arith.constant 7 : i32
      %get3A_1525 = arith.index_cast %get3A_1524 : i32 to index
      %get3A_1526 = arith.constant 144 : index
      %get3A_1527 = tpu.vector_load %arg5[%get3A_1525, %get3A_1526] {strides = array<i32>} : memref<8x200xi32, #tpu.memory_space<vmem>>, vector<16xi32>,
      %ge3A_1528 = arith.cmpi sge, %get3A_1527, %broadcast_in_dim3A_10 : vector<16xi32>
      %sub3A_1529 = arith.subi %get3A_1527, %broadcast_in_dim3A_10 : vector<16xi32>
      %select_n3A_1530 = arith.select %ge3A_1528, %sub3A_1529, %get3A_1527 : vector<16xi1>, vector<16xi32>
      %add3A_1531 = arith.addi %broadcast_in_dim3A_1388, %select_n3A_1530 : vector<16xi32>
      %swap3A_1532 = arith.constant 1544 : index
      %swap3A_1533 = tpu.vector_load %arg6[%swap3A_1532] {strides = array<i32>} : memref<1600xi32, #tpu.memory_space<vmem>>, vector<16xi32>,
      tpu.vector_store %arg6[%swap3A_1532], %add3A_1531 {strides = array<i32>} : memref<1600xi32, #tpu.memory_space<vmem>>, vector<16xi32>,
      %broadcast_in_dim3A_1534 = arith.constant 1 : i32
      %broadcast_in_dim3A_1535 = vector.broadcast %broadcast_in_dim3A_1534 : i32 to vector<16xi32>
      %select_n3A_1536 = arith.select %ge3A_1528, %broadcast_in_dim3A_1535, %broadcast_in_dim3A_12 : vector<16xi1>, vector<16xi32>
      %swap3A_1537 = arith.constant 1544 : index
      %swap3A_1538 = tpu.vector_load %arg7[%swap3A_1537] {strides = array<i32>} : memref<1600xi32, #tpu.memory_space<vmem>>, vector<16xi32>,
      tpu.vector_store %arg7[%swap3A_1537], %select_n3A_1536 {strides = array<i32>} : memref<1600xi32, #tpu.memory_space<vmem>>, vector<16xi32>,
      %get3A_1539 = arith.constant 7 : i32
      %get3A_1540 = arith.index_cast %get3A_1539 : i32 to index
      %get3A_1541 = arith.constant 160 : index
      %get3A_1542 = tpu.vector_load %arg5[%get3A_1540, %get3A_1541] {strides = array<i32>} : memref<8x200xi32, #tpu.memory_space<vmem>>, vector<16xi32>,
      %ge3A_1543 = arith.cmpi sge, %get3A_1542, %broadcast_in_dim3A_10 : vector<16xi32>
      %sub3A_1544 = arith.subi %get3A_1542, %broadcast_in_dim3A_10 : vector<16xi32>
      %select_n3A_1545 = arith.select %ge3A_1543, %sub3A_1544, %get3A_1542 : vector<16xi1>, vector<16xi32>
      %add3A_1546 = arith.addi %broadcast_in_dim3A_1388, %select_n3A_1545 : vector<16xi32>
      %swap3A_1547 = arith.constant 1560 : index
      %swap3A_1548 = tpu.vector_load %arg6[%swap3A_1547] {strides = array<i32>} : memref<1600xi32, #tpu.memory_space<vmem>>, vector<16xi32>,
      tpu.vector_store %arg6[%swap3A_1547], %add3A_1546 {strides = array<i32>} : memref<1600xi32, #tpu.memory_space<vmem>>, vector<16xi32>,
      %broadcast_in_dim3A_1549 = arith.constant 1 : i32
      %broadcast_in_dim3A_1550 = vector.broadcast %broadcast_in_dim3A_1549 : i32 to vector<16xi32>
      %select_n3A_1551 = arith.select %ge3A_1543, %broadcast_in_dim3A_1550, %broadcast_in_dim3A_12 : vector<16xi1>, vector<16xi32>
      %swap3A_1552 = arith.constant 1560 : index
      %swap3A_1553 = tpu.vector_load %arg7[%swap3A_1552] {strides = array<i32>} : memref<1600xi32, #tpu.memory_space<vmem>>, vector<16xi32>,
      tpu.vector_store %arg7[%swap3A_1552], %select_n3A_1551 {strides = array<i32>} : memref<1600xi32, #tpu.memory_space<vmem>>, vector<16xi32>,
      %get3A_1554 = arith.constant 7 : i32
      %get3A_1555 = arith.index_cast %get3A_1554 : i32 to index
      %get3A_1556 = arith.constant 176 : index
      %get3A_1557 = tpu.vector_load %arg5[%get3A_1555, %get3A_1556] {strides = array<i32>} : memref<8x200xi32, #tpu.memory_space<vmem>>, vector<16xi32>,
      %ge3A_1558 = arith.cmpi sge, %get3A_1557, %broadcast_in_dim3A_10 : vector<16xi32>
      %sub3A_1559 = arith.subi %get3A_1557, %broadcast_in_dim3A_10 : vector<16xi32>
      %select_n3A_1560 = arith.select %ge3A_1558, %sub3A_1559, %get3A_1557 : vector<16xi1>, vector<16xi32>
      %add3A_1561 = arith.addi %broadcast_in_dim3A_1388, %select_n3A_1560 : vector<16xi32>
      %swap3A_1562 = arith.constant 1576 : index
      %swap3A_1563 = tpu.vector_load %arg6[%swap3A_1562] {strides = array<i32>} : memref<1600xi32, #tpu.memory_space<vmem>>, vector<16xi32>,
      tpu.vector_store %arg6[%swap3A_1562], %add3A_1561 {strides = array<i32>} : memref<1600xi32, #tpu.memory_space<vmem>>, vector<16xi32>,
      %broadcast_in_dim3A_1564 = arith.constant 1 : i32
      %broadcast_in_dim3A_1565 = vector.broadcast %broadcast_in_dim3A_1564 : i32 to vector<16xi32>
      %select_n3A_1566 = arith.select %ge3A_1558, %broadcast_in_dim3A_1565, %broadcast_in_dim3A_12 : vector<16xi1>, vector<16xi32>
      %swap3A_1567 = arith.constant 1576 : index
      %swap3A_1568 = tpu.vector_load %arg7[%swap3A_1567] {strides = array<i32>} : memref<1600xi32, #tpu.memory_space<vmem>>, vector<16xi32>,
      tpu.vector_store %arg7[%swap3A_1567], %select_n3A_1566 {strides = array<i32>} : memref<1600xi32, #tpu.memory_space<vmem>>, vector<16xi32>,
      %get3A_1569 = arith.constant 7 : i32
      %get3A_1570 = arith.index_cast %get3A_1569 : i32 to index
      %get3A_1571 = arith.constant 184 : index
      %get3A_1572 = tpu.vector_load %arg5[%get3A_1570, %get3A_1571] {strides = array<i32>} : memref<8x200xi32, #tpu.memory_space<vmem>>, vector<16xi32>,
      %ge3A_1573 = arith.cmpi sge, %get3A_1572, %broadcast_in_dim3A_10 : vector<16xi32>
      %sub3A_1574 = arith.subi %get3A_1572, %broadcast_in_dim3A_10 : vector<16xi32>
      %select_n3A_1575 = arith.select %ge3A_1573, %sub3A_1574, %get3A_1572 : vector<16xi1>, vector<16xi32>
      %add3A_1576 = arith.addi %broadcast_in_dim3A_1388, %select_n3A_1575 : vector<16xi32>
      %swap3A_1577 = arith.constant 1584 : index
      %swap3A_1578 = tpu.vector_load %arg6[%swap3A_1577] {strides = array<i32>} : memref<1600xi32, #tpu.memory_space<vmem>>, vector<16xi32>,
      tpu.vector_store %arg6[%swap3A_1577], %add3A_1576 {strides = array<i32>} : memref<1600xi32, #tpu.memory_space<vmem>>, vector<16xi32>,
      %broadcast_in_dim3A_1579 = arith.constant 1 : i32
      %broadcast_in_dim3A_1580 = vector.broadcast %broadcast_in_dim3A_1579 : i32 to vector<16xi32>
      %select_n3A_1581 = arith.select %ge3A_1573, %broadcast_in_dim3A_1580, %broadcast_in_dim3A_12 : vector<16xi1>, vector<16xi32>
      %swap3A_1582 = arith.constant 1584 : index
      %swap3A_1583 = tpu.vector_load %arg7[%swap3A_1582] {strides = array<i32>} : memref<1600xi32, #tpu.memory_space<vmem>>, vector<16xi32>,
      tpu.vector_store %arg7[%swap3A_1582], %select_n3A_1581 {strides = array<i32>} : memref<1600xi32, #tpu.memory_space<vmem>>, vector<16xi32>,
      %scan3A_1584 = arith.constant 0 : i32
      %scan3A_1585 = arith.constant 0 : i32
      %scan3A_1586 = arith.constant 5 : i32
      %scan3A_1587 = arith.addi %scan3A_1585, %scan3A_1586 : i32
      %scan3A_1588 = arith.constant 1 : i32
      scf.for %scan3A_1590 = %scan3A_1585 to %scan3A_1587 step %scan3A_1588  : i32 {
        %mul3A_1591 = arith.constant 40 : i32
        %mul3A_1592 = arith.muli %scan3A_1590, %mul3A_1591 : i32
        %add3A_1593 = arith.constant 0 : i32
        %add3A_1594 = arith.addi %add3A_1593, %mul3A_1592 : i32
        %dma_start3A = tpu.memref_slice %arg6[%add3A_1594] : memref<1600xi32, #tpu.memory_space<vmem>> -> memref<40xi32, #tpu.memory_space<vmem>>
        %dma_start3A_1595 = arith.constant 0 : i32
        %dma_start3A_1596 = arith.constant 0 : i32
        %dma_start3A_1597 = tpu.memref_slice %arg3[%dma_start3A_1595, %dma_start3A_1596] : memref<400384x128xf32, #tpu.memory_space<hbm>> -> memref<400384x128xf32, #tpu.memory_space<hbm>>
        tpu.enqueue_indirect_dma source(%dma_start3A_1597 : memref<400384x128xf32, #tpu.memory_space<hbm>>) target(%arg9 : memref<40x128xf32, #tpu.memory_space<vmem>>) offsets(%dma_start3A : memref<40xi32, #tpu.memory_space<vmem>>) semaphore(%arg17 : memref<!tpu.dma_semaphore, #tpu.memory_space<semaphore_mem>>)
        %add3A_1598 = arith.constant 200 : i32
        %add3A_1599 = arith.addi %add3A_1598, %mul3A_1592 : i32
        %dma_start3A_1600 = tpu.memref_slice %arg6[%add3A_1599] : memref<1600xi32, #tpu.memory_space<vmem>> -> memref<40xi32, #tpu.memory_space<vmem>>
        %dma_start3A_1601 = arith.constant 0 : i32
        %dma_start3A_1602 = arith.constant 0 : i32
        %dma_start3A_1603 = tpu.memref_slice %arg3[%dma_start3A_1601, %dma_start3A_1602] : memref<400384x128xf32, #tpu.memory_space<hbm>> -> memref<400384x128xf32, #tpu.memory_space<hbm>>
        tpu.enqueue_indirect_dma source(%dma_start3A_1603 : memref<400384x128xf32, #tpu.memory_space<hbm>>) target(%arg10 : memref<40x128xf32, #tpu.memory_space<vmem>>) offsets(%dma_start3A_1600 : memref<40xi32, #tpu.memory_space<vmem>>) semaphore(%arg17 : memref<!tpu.dma_semaphore, #tpu.memory_space<semaphore_mem>>)
        %add3A_1604 = arith.constant 400 : i32
        %add3A_1605 = arith.addi %add3A_1604, %mul3A_1592 : i32
        %dma_start3A_1606 = tpu.memref_slice %arg6[%add3A_1605] : memref<1600xi32, #tpu.memory_space<vmem>> -> memref<40xi32, #tpu.memory_space<vmem>>
        %dma_start3A_1607 = arith.constant 0 : i32
        %dma_start3A_1608 = arith.constant 0 : i32
        %dma_start3A_1609 = tpu.memref_slice %arg3[%dma_start3A_1607, %dma_start3A_1608] : memref<400384x128xf32, #tpu.memory_space<hbm>> -> memref<400384x128xf32, #tpu.memory_space<hbm>>
        tpu.enqueue_indirect_dma source(%dma_start3A_1609 : memref<400384x128xf32, #tpu.memory_space<hbm>>) target(%arg11 : memref<40x128xf32, #tpu.memory_space<vmem>>) offsets(%dma_start3A_1606 : memref<40xi32, #tpu.memory_space<vmem>>) semaphore(%arg17 : memref<!tpu.dma_semaphore, #tpu.memory_space<semaphore_mem>>)
        %add3A_1610 = arith.constant 600 : i32
        %add3A_1611 = arith.addi %add3A_1610, %mul3A_1592 : i32
        %dma_start3A_1612 = tpu.memref_slice %arg6[%add3A_1611] : memref<1600xi32, #tpu.memory_space<vmem>> -> memref<40xi32, #tpu.memory_space<vmem>>
        %dma_start3A_1613 = arith.constant 0 : i32
        %dma_start3A_1614 = arith.constant 0 : i32
        %dma_start3A_1615 = tpu.memref_slice %arg3[%dma_start3A_1613, %dma_start3A_1614] : memref<400384x128xf32, #tpu.memory_space<hbm>> -> memref<400384x128xf32, #tpu.memory_space<hbm>>
        tpu.enqueue_indirect_dma source(%dma_start3A_1615 : memref<400384x128xf32, #tpu.memory_space<hbm>>) target(%arg12 : memref<40x128xf32, #tpu.memory_space<vmem>>) offsets(%dma_start3A_1612 : memref<40xi32, #tpu.memory_space<vmem>>) semaphore(%arg17 : memref<!tpu.dma_semaphore, #tpu.memory_space<semaphore_mem>>)
        %add3A_1616 = arith.constant 800 : i32
        %add3A_1617 = arith.addi %add3A_1616, %mul3A_1592 : i32
        %dma_start3A_1618 = tpu.memref_slice %arg6[%add3A_1617] : memref<1600xi32, #tpu.memory_space<vmem>> -> memref<40xi32, #tpu.memory_space<vmem>>
        %dma_start3A_1619 = arith.constant 0 : i32
        %dma_start3A_1620 = arith.constant 0 : i32
        %dma_start3A_1621 = tpu.memref_slice %arg3[%dma_start3A_1619, %dma_start3A_1620] : memref<400384x128xf32, #tpu.memory_space<hbm>> -> memref<400384x128xf32, #tpu.memory_space<hbm>>
        tpu.enqueue_indirect_dma source(%dma_start3A_1621 : memref<400384x128xf32, #tpu.memory_space<hbm>>) target(%arg13 : memref<40x128xf32, #tpu.memory_space<vmem>>) offsets(%dma_start3A_1618 : memref<40xi32, #tpu.memory_space<vmem>>) semaphore(%arg17 : memref<!tpu.dma_semaphore, #tpu.memory_space<semaphore_mem>>)
        %add3A_1622 = arith.constant 1000 : i32
        %add3A_1623 = arith.addi %add3A_1622, %mul3A_1592 : i32
        %dma_start3A_1624 = tpu.memref_slice %arg6[%add3A_1623] : memref<1600xi32, #tpu.memory_space<vmem>> -> memref<40xi32, #tpu.memory_space<vmem>>
        %dma_start3A_1625 = arith.constant 0 : i32
        %dma_start3A_1626 = arith.constant 0 : i32
        %dma_start3A_1627 = tpu.memref_slice %arg3[%dma_start3A_1625, %dma_start3A_1626] : memref<400384x128xf32, #tpu.memory_space<hbm>> -> memref<400384x128xf32, #tpu.memory_space<hbm>>
        tpu.enqueue_indirect_dma source(%dma_start3A_1627 : memref<400384x128xf32, #tpu.memory_space<hbm>>) target(%arg14 : memref<40x128xf32, #tpu.memory_space<vmem>>) offsets(%dma_start3A_1624 : memref<40xi32, #tpu.memory_space<vmem>>) semaphore(%arg17 : memref<!tpu.dma_semaphore, #tpu.memory_space<semaphore_mem>>)
        %add3A_1628 = arith.constant 1200 : i32
        %add3A_1629 = arith.addi %add3A_1628, %mul3A_1592 : i32
        %dma_start3A_1630 = tpu.memref_slice %arg6[%add3A_1629] : memref<1600xi32, #tpu.memory_space<vmem>> -> memref<40xi32, #tpu.memory_space<vmem>>
        %dma_start3A_1631 = arith.constant 0 : i32
        %dma_start3A_1632 = arith.constant 0 : i32
        %dma_start3A_1633 = tpu.memref_slice %arg3[%dma_start3A_1631, %dma_start3A_1632] : memref<400384x128xf32, #tpu.memory_space<hbm>> -> memref<400384x128xf32, #tpu.memory_space<hbm>>
        tpu.enqueue_indirect_dma source(%dma_start3A_1633 : memref<400384x128xf32, #tpu.memory_space<hbm>>) target(%arg15 : memref<40x128xf32, #tpu.memory_space<vmem>>) offsets(%dma_start3A_1630 : memref<40xi32, #tpu.memory_space<vmem>>) semaphore(%arg17 : memref<!tpu.dma_semaphore, #tpu.memory_space<semaphore_mem>>)
        %add3A_1634 = arith.constant 1400 : i32
        %add3A_1635 = arith.addi %add3A_1634, %mul3A_1592 : i32
        %dma_start3A_1636 = tpu.memref_slice %arg6[%add3A_1635] : memref<1600xi32, #tpu.memory_space<vmem>> -> memref<40xi32, #tpu.memory_space<vmem>>
        %dma_start3A_1637 = arith.constant 0 : i32
        %dma_start3A_1638 = arith.constant 0 : i32
        %dma_start3A_1639 = tpu.memref_slice %arg3[%dma_start3A_1637, %dma_start3A_1638] : memref<400384x128xf32, #tpu.memory_space<hbm>> -> memref<400384x128xf32, #tpu.memory_space<hbm>>
        tpu.enqueue_indirect_dma source(%dma_start3A_1639 : memref<400384x128xf32, #tpu.memory_space<hbm>>) target(%arg16 : memref<40x128xf32, #tpu.memory_space<vmem>>) offsets(%dma_start3A_1636 : memref<40xi32, #tpu.memory_space<vmem>>) semaphore(%arg17 : memref<!tpu.dma_semaphore, #tpu.memory_space<semaphore_mem>>)
        %dma_wait3A = tpu.memref_slice %arg6[%add3A_1594] : memref<1600xi32, #tpu.memory_space<vmem>> -> memref<40xi32, #tpu.memory_space<vmem>>
        %dma_wait3A_1640 = arith.constant 0 : i32
        %dma_wait3A_1641 = arith.constant 0 : i32
        %dma_wait3A_1642 = tpu.memref_slice %arg3[%dma_wait3A_1640, %dma_wait3A_1641] : memref<400384x128xf32, #tpu.memory_space<hbm>> -> memref<400384x128xf32, #tpu.memory_space<hbm>>
        tpu.wait_indirect_dma semaphore(%arg17 : memref<!tpu.dma_semaphore, #tpu.memory_space<semaphore_mem>>) src(%dma_wait3A_1642 : memref<400384x128xf32, #tpu.memory_space<hbm>>) dst(%arg9 : memref<40x128xf32, #tpu.memory_space<vmem>>)
        %dma_wait3A_1643 = tpu.memref_slice %arg6[%add3A_1599] : memref<1600xi32, #tpu.memory_space<vmem>> -> memref<40xi32, #tpu.memory_space<vmem>>
        %dma_wait3A_1644 = arith.constant 0 : i32
        %dma_wait3A_1645 = arith.constant 0 : i32
        %dma_wait3A_1646 = tpu.memref_slice %arg3[%dma_wait3A_1644, %dma_wait3A_1645] : memref<400384x128xf32, #tpu.memory_space<hbm>> -> memref<400384x128xf32, #tpu.memory_space<hbm>>
        tpu.wait_indirect_dma semaphore(%arg17 : memref<!tpu.dma_semaphore, #tpu.memory_space<semaphore_mem>>) src(%dma_wait3A_1646 : memref<400384x128xf32, #tpu.memory_space<hbm>>) dst(%arg10 : memref<40x128xf32, #tpu.memory_space<vmem>>)
        %dma_wait3A_1647 = tpu.memref_slice %arg6[%add3A_1605] : memref<1600xi32, #tpu.memory_space<vmem>> -> memref<40xi32, #tpu.memory_space<vmem>>
        %dma_wait3A_1648 = arith.constant 0 : i32
        %dma_wait3A_1649 = arith.constant 0 : i32
        %dma_wait3A_1650 = tpu.memref_slice %arg3[%dma_wait3A_1648, %dma_wait3A_1649] : memref<400384x128xf32, #tpu.memory_space<hbm>> -> memref<400384x128xf32, #tpu.memory_space<hbm>>
        tpu.wait_indirect_dma semaphore(%arg17 : memref<!tpu.dma_semaphore, #tpu.memory_space<semaphore_mem>>) src(%dma_wait3A_1650 : memref<400384x128xf32, #tpu.memory_space<hbm>>) dst(%arg11 : memref<40x128xf32, #tpu.memory_space<vmem>>)
        %dma_wait3A_1651 = tpu.memref_slice %arg6[%add3A_1611] : memref<1600xi32, #tpu.memory_space<vmem>> -> memref<40xi32, #tpu.memory_space<vmem>>
        %dma_wait3A_1652 = arith.constant 0 : i32
        %dma_wait3A_1653 = arith.constant 0 : i32
        %dma_wait3A_1654 = tpu.memref_slice %arg3[%dma_wait3A_1652, %dma_wait3A_1653] : memref<400384x128xf32, #tpu.memory_space<hbm>> -> memref<400384x128xf32, #tpu.memory_space<hbm>>
        tpu.wait_indirect_dma semaphore(%arg17 : memref<!tpu.dma_semaphore, #tpu.memory_space<semaphore_mem>>) src(%dma_wait3A_1654 : memref<400384x128xf32, #tpu.memory_space<hbm>>) dst(%arg12 : memref<40x128xf32, #tpu.memory_space<vmem>>)
        %dma_wait3A_1655 = tpu.memref_slice %arg6[%add3A_1617] : memref<1600xi32, #tpu.memory_space<vmem>> -> memref<40xi32, #tpu.memory_space<vmem>>
        %dma_wait3A_1656 = arith.constant 0 : i32
        %dma_wait3A_1657 = arith.constant 0 : i32
        %dma_wait3A_1658 = tpu.memref_slice %arg3[%dma_wait3A_1656, %dma_wait3A_1657] : memref<400384x128xf32, #tpu.memory_space<hbm>> -> memref<400384x128xf32, #tpu.memory_space<hbm>>
        tpu.wait_indirect_dma semaphore(%arg17 : memref<!tpu.dma_semaphore, #tpu.memory_space<semaphore_mem>>) src(%dma_wait3A_1658 : memref<400384x128xf32, #tpu.memory_space<hbm>>) dst(%arg13 : memref<40x128xf32, #tpu.memory_space<vmem>>)
        %dma_wait3A_1659 = tpu.memref_slice %arg6[%add3A_1623] : memref<1600xi32, #tpu.memory_space<vmem>> -> memref<40xi32, #tpu.memory_space<vmem>>
        %dma_wait3A_1660 = arith.constant 0 : i32
        %dma_wait3A_1661 = arith.constant 0 : i32
        %dma_wait3A_1662 = tpu.memref_slice %arg3[%dma_wait3A_1660, %dma_wait3A_1661] : memref<400384x128xf32, #tpu.memory_space<hbm>> -> memref<400384x128xf32, #tpu.memory_space<hbm>>
        tpu.wait_indirect_dma semaphore(%arg17 : memref<!tpu.dma_semaphore, #tpu.memory_space<semaphore_mem>>) src(%dma_wait3A_1662 : memref<400384x128xf32, #tpu.memory_space<hbm>>) dst(%arg14 : memref<40x128xf32, #tpu.memory_space<vmem>>)
        %dma_wait3A_1663 = tpu.memref_slice %arg6[%add3A_1629] : memref<1600xi32, #tpu.memory_space<vmem>> -> memref<40xi32, #tpu.memory_space<vmem>>
        %dma_wait3A_1664 = arith.constant 0 : i32
        %dma_wait3A_1665 = arith.constant 0 : i32
        %dma_wait3A_1666 = tpu.memref_slice %arg3[%dma_wait3A_1664, %dma_wait3A_1665] : memref<400384x128xf32, #tpu.memory_space<hbm>> -> memref<400384x128xf32, #tpu.memory_space<hbm>>
        tpu.wait_indirect_dma semaphore(%arg17 : memref<!tpu.dma_semaphore, #tpu.memory_space<semaphore_mem>>) src(%dma_wait3A_1666 : memref<400384x128xf32, #tpu.memory_space<hbm>>) dst(%arg15 : memref<40x128xf32, #tpu.memory_space<vmem>>)
        %dma_wait3A_1667 = tpu.memref_slice %arg6[%add3A_1635] : memref<1600xi32, #tpu.memory_space<vmem>> -> memref<40xi32, #tpu.memory_space<vmem>>
        %dma_wait3A_1668 = arith.constant 0 : i32
        %dma_wait3A_1669 = arith.constant 0 : i32
        %dma_wait3A_1670 = tpu.memref_slice %arg3[%dma_wait3A_1668, %dma_wait3A_1669] : memref<400384x128xf32, #tpu.memory_space<hbm>> -> memref<400384x128xf32, #tpu.memory_space<hbm>>
        tpu.wait_indirect_dma semaphore(%arg17 : memref<!tpu.dma_semaphore, #tpu.memory_space<semaphore_mem>>) src(%dma_wait3A_1670 : memref<400384x128xf32, #tpu.memory_space<hbm>>) dst(%arg16 : memref<40x128xf32, #tpu.memory_space<vmem>>)
        %scan3A_1671 = arith.constant 0 : i32
        %scan3A_1672 = arith.constant 0 : i32
        %scan3A_1673 = arith.constant 40 : i32
        %scan3A_1674 = arith.addi %scan3A_1672, %scan3A_1673 : i32
        %scan3A_1675 = arith.constant 1 : i32
        scf.for %scan3A_1680 = %scan3A_1672 to %scan3A_1674 step %scan3A_1675  : i32 {
          %broadcast_in_dim3A_1681 = arith.constant 0 : i32
          %broadcast_in_dim3A_1682 = vector.broadcast %broadcast_in_dim3A_1681 : i32 to vector<16xi32>
          %add3A_1683 = arith.addi %mul3A_1592, %scan3A_1680 : i32
          %add3A_1684 = vector.broadcast %add3A_1683 : i32 to vector<16xi32>
          %add3A_1685 = arith.addi %broadcast_in_dim3A_1682, %add3A_1684 : vector<16xi32>
          %gather3A = tpu.vector_load_idx %arg7[%add3A_1685] : memref<1600xi32, #tpu.memory_space<vmem>>[vector<16xi32>], vector<16xi32>,
          %eq3A = arith.constant 1 : i32
          %eq3A_1686 = vector.broadcast %eq3A : i32 to vector<16xi32>
          %eq3A_1687 = arith.cmpi eq, %gather3A, %eq3A_1686 : vector<16xi32>
          %broadcast_in_dim3A_1688 = arith.constant 200 : i32
          %broadcast_in_dim3A_1689 = vector.broadcast %broadcast_in_dim3A_1688 : i32 to vector<16xi32>
          %add3A_1690 = arith.addi %mul3A_1592, %scan3A_1680 : i32
          %add3A_1691 = vector.broadcast %add3A_1690 : i32 to vector<16xi32>
          %add3A_1692 = arith.addi %broadcast_in_dim3A_1689, %add3A_1691 : vector<16xi32>
          %gather3A_1693 = tpu.vector_load_idx %arg7[%add3A_1692] : memref<1600xi32, #tpu.memory_space<vmem>>[vector<16xi32>], vector<16xi32>,
          %eq3A_1694 = arith.constant 1 : i32
          %eq3A_1695 = vector.broadcast %eq3A_1694 : i32 to vector<16xi32>
          %eq3A_1696 = arith.cmpi eq, %gather3A_1693, %eq3A_1695 : vector<16xi32>
          %broadcast_in_dim3A_1697 = arith.constant 400 : i32
          %broadcast_in_dim3A_1698 = vector.broadcast %broadcast_in_dim3A_1697 : i32 to vector<16xi32>
          %add3A_1699 = arith.addi %mul3A_1592, %scan3A_1680 : i32
          %add3A_1700 = vector.broadcast %add3A_1699 : i32 to vector<16xi32>
          %add3A_1701 = arith.addi %broadcast_in_dim3A_1698, %add3A_1700 : vector<16xi32>
          %gather3A_1702 = tpu.vector_load_idx %arg7[%add3A_1701] : memref<1600xi32, #tpu.memory_space<vmem>>[vector<16xi32>], vector<16xi32>,
          %eq3A_1703 = arith.constant 1 : i32
          %eq3A_1704 = vector.broadcast %eq3A_1703 : i32 to vector<16xi32>
          %eq3A_1705 = arith.cmpi eq, %gather3A_1702, %eq3A_1704 : vector<16xi32>
          %broadcast_in_dim3A_1706 = arith.constant 600 : i32
          %broadcast_in_dim3A_1707 = vector.broadcast %broadcast_in_dim3A_1706 : i32 to vector<16xi32>
          %add3A_1708 = arith.addi %mul3A_1592, %scan3A_1680 : i32
          %add3A_1709 = vector.broadcast %add3A_1708 : i32 to vector<16xi32>
          %add3A_1710 = arith.addi %broadcast_in_dim3A_1707, %add3A_1709 : vector<16xi32>
          %gather3A_1711 = tpu.vector_load_idx %arg7[%add3A_1710] : memref<1600xi32, #tpu.memory_space<vmem>>[vector<16xi32>], vector<16xi32>,
          %eq3A_1712 = arith.constant 1 : i32
          %eq3A_1713 = vector.broadcast %eq3A_1712 : i32 to vector<16xi32>
          %eq3A_1714 = arith.cmpi eq, %gather3A_1711, %eq3A_1713 : vector<16xi32>
          %broadcast_in_dim3A_1715 = arith.constant 800 : i32
          %broadcast_in_dim3A_1716 = vector.broadcast %broadcast_in_dim3A_1715 : i32 to vector<16xi32>
          %add3A_1717 = arith.addi %mul3A_1592, %scan3A_1680 : i32
          %add3A_1718 = vector.broadcast %add3A_1717 : i32 to vector<16xi32>
          %add3A_1719 = arith.addi %broadcast_in_dim3A_1716, %add3A_1718 : vector<16xi32>
          %gather3A_1720 = tpu.vector_load_idx %arg7[%add3A_1719] : memref<1600xi32, #tpu.memory_space<vmem>>[vector<16xi32>], vector<16xi32>,
          %eq3A_1721 = arith.constant 1 : i32
          %eq3A_1722 = vector.broadcast %eq3A_1721 : i32 to vector<16xi32>
          %eq3A_1723 = arith.cmpi eq, %gather3A_1720, %eq3A_1722 : vector<16xi32>
          %broadcast_in_dim3A_1724 = arith.constant 1000 : i32
          %broadcast_in_dim3A_1725 = vector.broadcast %broadcast_in_dim3A_1724 : i32 to vector<16xi32>
          %add3A_1726 = arith.addi %mul3A_1592, %scan3A_1680 : i32
          %add3A_1727 = vector.broadcast %add3A_1726 : i32 to vector<16xi32>
          %add3A_1728 = arith.addi %broadcast_in_dim3A_1725, %add3A_1727 : vector<16xi32>
          %gather3A_1729 = tpu.vector_load_idx %arg7[%add3A_1728] : memref<1600xi32, #tpu.memory_space<vmem>>[vector<16xi32>], vector<16xi32>,
          %eq3A_1730 = arith.constant 1 : i32
          %eq3A_1731 = vector.broadcast %eq3A_1730 : i32 to vector<16xi32>
          %eq3A_1732 = arith.cmpi eq, %gather3A_1729, %eq3A_1731 : vector<16xi32>
          %broadcast_in_dim3A_1733 = arith.constant 1200 : i32
          %broadcast_in_dim3A_1734 = vector.broadcast %broadcast_in_dim3A_1733 : i32 to vector<16xi32>
          %add3A_1735 = arith.addi %mul3A_1592, %scan3A_1680 : i32
          %add3A_1736 = vector.broadcast %add3A_1735 : i32 to vector<16xi32>
          %add3A_1737 = arith.addi %broadcast_in_dim3A_1734, %add3A_1736 : vector<16xi32>
          %gather3A_1738 = tpu.vector_load_idx %arg7[%add3A_1737] : memref<1600xi32, #tpu.memory_space<vmem>>[vector<16xi32>], vector<16xi32>,
          %eq3A_1739 = arith.constant 1 : i32
          %eq3A_1740 = vector.broadcast %eq3A_1739 : i32 to vector<16xi32>
          %eq3A_1741 = arith.cmpi eq, %gather3A_1738, %eq3A_1740 : vector<16xi32>
          %broadcast_in_dim3A_1742 = arith.constant 1400 : i32
          %broadcast_in_dim3A_1743 = vector.broadcast %broadcast_in_dim3A_1742 : i32 to vector<16xi32>
          %add3A_1744 = arith.addi %mul3A_1592, %scan3A_1680 : i32
          %add3A_1745 = vector.broadcast %add3A_1744 : i32 to vector<16xi32>
          %add3A_1746 = arith.addi %broadcast_in_dim3A_1743, %add3A_1745 : vector<16xi32>
          %gather3A_1747 = tpu.vector_load_idx %arg7[%add3A_1746] : memref<1600xi32, #tpu.memory_space<vmem>>[vector<16xi32>], vector<16xi32>,
          %eq3A_1748 = arith.constant 1 : i32
          %eq3A_1749 = vector.broadcast %eq3A_1748 : i32 to vector<16xi32>
          %eq3A_1750 = arith.cmpi eq, %gather3A_1747, %eq3A_1749 : vector<16xi32>
          %get3A_1751 = arith.index_cast %scan3A_1680 : i32 to index
          %get3A_1752 = arith.constant 64 : index
          %get3A_1753 = tpu.vector_load %arg9[%get3A_1751, %get3A_1752] {strides = array<i32>} : memref<40x128xf32, #tpu.memory_space<vmem>>, vector<16xf32>,
          %get3A_1754 = arith.index_cast %scan3A_1680 : i32 to index
          %get3A_1755 = arith.constant 0 : index
          %get3A_1756 = tpu.vector_load %arg9[%get3A_1754, %get3A_1755] {strides = array<i32>} : memref<40x128xf32, #tpu.memory_space<vmem>>, vector<16xf32>,
          %select_n3A_1757 = arith.select %eq3A_1687, %get3A_1753, %get3A_1756 : vector<16xi1>, vector<16xf32>
          %get3A_1758 = arith.index_cast %scan3A_1680 : i32 to index
          %get3A_1759 = arith.constant 64 : index
          %get3A_1760 = tpu.vector_load %arg10[%get3A_1758, %get3A_1759] {strides = array<i32>} : memref<40x128xf32, #tpu.memory_space<vmem>>, vector<16xf32>,
          %get3A_1761 = arith.index_cast %scan3A_1680 : i32 to index
          %get3A_1762 = arith.constant 0 : index
          %get3A_1763 = tpu.vector_load %arg10[%get3A_1761, %get3A_1762] {strides = array<i32>} : memref<40x128xf32, #tpu.memory_space<vmem>>, vector<16xf32>,
          %select_n3A_1764 = arith.select %eq3A_1696, %get3A_1760, %get3A_1763 : vector<16xi1>, vector<16xf32>
          %add3A_1765 = arith.addf %select_n3A_1757, %select_n3A_1764 : vector<16xf32>
          %get3A_1766 = arith.index_cast %scan3A_1680 : i32 to index
          %get3A_1767 = arith.constant 64 : index
          %get3A_1768 = tpu.vector_load %arg11[%get3A_1766, %get3A_1767] {strides = array<i32>} : memref<40x128xf32, #tpu.memory_space<vmem>>, vector<16xf32>,
          %get3A_1769 = arith.index_cast %scan3A_1680 : i32 to index
          %get3A_1770 = arith.constant 0 : index
          %get3A_1771 = tpu.vector_load %arg11[%get3A_1769, %get3A_1770] {strides = array<i32>} : memref<40x128xf32, #tpu.memory_space<vmem>>, vector<16xf32>,
          %select_n3A_1772 = arith.select %eq3A_1705, %get3A_1768, %get3A_1771 : vector<16xi1>, vector<16xf32>
          %add3A_1773 = arith.addf %add3A_1765, %select_n3A_1772 : vector<16xf32>
          %get3A_1774 = arith.index_cast %scan3A_1680 : i32 to index
          %get3A_1775 = arith.constant 64 : index
          %get3A_1776 = tpu.vector_load %arg12[%get3A_1774, %get3A_1775] {strides = array<i32>} : memref<40x128xf32, #tpu.memory_space<vmem>>, vector<16xf32>,
          %get3A_1777 = arith.index_cast %scan3A_1680 : i32 to index
          %get3A_1778 = arith.constant 0 : index
          %get3A_1779 = tpu.vector_load %arg12[%get3A_1777, %get3A_1778] {strides = array<i32>} : memref<40x128xf32, #tpu.memory_space<vmem>>, vector<16xf32>,
          %select_n3A_1780 = arith.select %eq3A_1714, %get3A_1776, %get3A_1779 : vector<16xi1>, vector<16xf32>
          %add3A_1781 = arith.addf %add3A_1773, %select_n3A_1780 : vector<16xf32>
          %get3A_1782 = arith.index_cast %scan3A_1680 : i32 to index
          %get3A_1783 = arith.constant 64 : index
          %get3A_1784 = tpu.vector_load %arg13[%get3A_1782, %get3A_1783] {strides = array<i32>} : memref<40x128xf32, #tpu.memory_space<vmem>>, vector<16xf32>,
          %get3A_1785 = arith.index_cast %scan3A_1680 : i32 to index
          %get3A_1786 = arith.constant 0 : index
          %get3A_1787 = tpu.vector_load %arg13[%get3A_1785, %get3A_1786] {strides = array<i32>} : memref<40x128xf32, #tpu.memory_space<vmem>>, vector<16xf32>,
          %select_n3A_1788 = arith.select %eq3A_1723, %get3A_1784, %get3A_1787 : vector<16xi1>, vector<16xf32>
          %add3A_1789 = arith.addf %add3A_1781, %select_n3A_1788 : vector<16xf32>
          %get3A_1790 = arith.index_cast %scan3A_1680 : i32 to index
          %get3A_1791 = arith.constant 64 : index
          %get3A_1792 = tpu.vector_load %arg14[%get3A_1790, %get3A_1791] {strides = array<i32>} : memref<40x128xf32, #tpu.memory_space<vmem>>, vector<16xf32>,
          %get3A_1793 = arith.index_cast %scan3A_1680 : i32 to index
          %get3A_1794 = arith.constant 0 : index
          %get3A_1795 = tpu.vector_load %arg14[%get3A_1793, %get3A_1794] {strides = array<i32>} : memref<40x128xf32, #tpu.memory_space<vmem>>, vector<16xf32>,
          %select_n3A_1796 = arith.select %eq3A_1732, %get3A_1792, %get3A_1795 : vector<16xi1>, vector<16xf32>
          %add3A_1797 = arith.addf %add3A_1789, %select_n3A_1796 : vector<16xf32>
          %get3A_1798 = arith.index_cast %scan3A_1680 : i32 to index
          %get3A_1799 = arith.constant 64 : index
          %get3A_1800 = tpu.vector_load %arg15[%get3A_1798, %get3A_1799] {strides = array<i32>} : memref<40x128xf32, #tpu.memory_space<vmem>>, vector<16xf32>,
          %get3A_1801 = arith.index_cast %scan3A_1680 : i32 to index
          %get3A_1802 = arith.constant 0 : index
          %get3A_1803 = tpu.vector_load %arg15[%get3A_1801, %get3A_1802] {strides = array<i32>} : memref<40x128xf32, #tpu.memory_space<vmem>>, vector<16xf32>,
          %select_n3A_1804 = arith.select %eq3A_1741, %get3A_1800, %get3A_1803 : vector<16xi1>, vector<16xf32>
          %add3A_1805 = arith.addf %add3A_1797, %select_n3A_1804 : vector<16xf32>
          %get3A_1806 = arith.index_cast %scan3A_1680 : i32 to index
          %get3A_1807 = arith.constant 64 : index
          %get3A_1808 = tpu.vector_load %arg16[%get3A_1806, %get3A_1807] {strides = array<i32>} : memref<40x128xf32, #tpu.memory_space<vmem>>, vector<16xf32>,
          %get3A_1809 = arith.index_cast %scan3A_1680 : i32 to index
          %get3A_1810 = arith.constant 0 : index
          %get3A_1811 = tpu.vector_load %arg16[%get3A_1809, %get3A_1810] {strides = array<i32>} : memref<40x128xf32, #tpu.memory_space<vmem>>, vector<16xf32>,
          %select_n3A_1812 = arith.select %eq3A_1750, %get3A_1808, %get3A_1811 : vector<16xi1>, vector<16xf32>
          %add3A_1813 = arith.addf %add3A_1805, %select_n3A_1812 : vector<16xf32>
          %swap3A_1814 = arith.index_cast %scan3A_1680 : i32 to index
          %swap3A_1815 = arith.constant 0 : index
          %swap3A_1816 = tpu.vector_load %arg8[%swap3A_1814, %swap3A_1815] {strides = array<i32>} : memref<40x64xf32, #tpu.memory_space<vmem>>, vector<16xf32>,
          tpu.vector_store %arg8[%swap3A_1814, %swap3A_1815], %add3A_1813 {strides = array<i32>} : memref<40x64xf32, #tpu.memory_space<vmem>>, vector<16xf32>,
          %get3A_1817 = arith.index_cast %scan3A_1680 : i32 to index
          %get3A_1818 = arith.constant 80 : index
          %get3A_1819 = tpu.vector_load %arg9[%get3A_1817, %get3A_1818] {strides = array<i32>} : memref<40x128xf32, #tpu.memory_space<vmem>>, vector<16xf32>,
          %get3A_1820 = arith.index_cast %scan3A_1680 : i32 to index
          %get3A_1821 = arith.constant 16 : index
          %get3A_1822 = tpu.vector_load %arg9[%get3A_1820, %get3A_1821] {strides = array<i32>} : memref<40x128xf32, #tpu.memory_space<vmem>>, vector<16xf32>,
          %select_n3A_1823 = arith.select %eq3A_1687, %get3A_1819, %get3A_1822 : vector<16xi1>, vector<16xf32>
          %get3A_1824 = arith.index_cast %scan3A_1680 : i32 to index
          %get3A_1825 = arith.constant 80 : index
          %get3A_1826 = tpu.vector_load %arg10[%get3A_1824, %get3A_1825] {strides = array<i32>} : memref<40x128xf32, #tpu.memory_space<vmem>>, vector<16xf32>,
          %get3A_1827 = arith.index_cast %scan3A_1680 : i32 to index
          %get3A_1828 = arith.constant 16 : index
          %get3A_1829 = tpu.vector_load %arg10[%get3A_1827, %get3A_1828] {strides = array<i32>} : memref<40x128xf32, #tpu.memory_space<vmem>>, vector<16xf32>,
          %select_n3A_1830 = arith.select %eq3A_1696, %get3A_1826, %get3A_1829 : vector<16xi1>, vector<16xf32>
          %add3A_1831 = arith.addf %select_n3A_1823, %select_n3A_1830 : vector<16xf32>
          %get3A_1832 = arith.index_cast %scan3A_1680 : i32 to index
          %get3A_1833 = arith.constant 80 : index
          %get3A_1834 = tpu.vector_load %arg11[%get3A_1832, %get3A_1833] {strides = array<i32>} : memref<40x128xf32, #tpu.memory_space<vmem>>, vector<16xf32>,
          %get3A_1835 = arith.index_cast %scan3A_1680 : i32 to index
          %get3A_1836 = arith.constant 16 : index
          %get3A_1837 = tpu.vector_load %arg11[%get3A_1835, %get3A_1836] {strides = array<i32>} : memref<40x128xf32, #tpu.memory_space<vmem>>, vector<16xf32>,
          %select_n3A_1838 = arith.select %eq3A_1705, %get3A_1834, %get3A_1837 : vector<16xi1>, vector<16xf32>
          %add3A_1839 = arith.addf %add3A_1831, %select_n3A_1838 : vector<16xf32>
          %get3A_1840 = arith.index_cast %scan3A_1680 : i32 to index
          %get3A_1841 = arith.constant 80 : index
          %get3A_1842 = tpu.vector_load %arg12[%get3A_1840, %get3A_1841] {strides = array<i32>} : memref<40x128xf32, #tpu.memory_space<vmem>>, vector<16xf32>,
          %get3A_1843 = arith.index_cast %scan3A_1680 : i32 to index
          %get3A_1844 = arith.constant 16 : index
          %get3A_1845 = tpu.vector_load %arg12[%get3A_1843, %get3A_1844] {strides = array<i32>} : memref<40x128xf32, #tpu.memory_space<vmem>>, vector<16xf32>,
          %select_n3A_1846 = arith.select %eq3A_1714, %get3A_1842, %get3A_1845 : vector<16xi1>, vector<16xf32>
          %add3A_1847 = arith.addf %add3A_1839, %select_n3A_1846 : vector<16xf32>
          %get3A_1848 = arith.index_cast %scan3A_1680 : i32 to index
          %get3A_1849 = arith.constant 80 : index
          %get3A_1850 = tpu.vector_load %arg13[%get3A_1848, %get3A_1849] {strides = array<i32>} : memref<40x128xf32, #tpu.memory_space<vmem>>, vector<16xf32>,
          %get3A_1851 = arith.index_cast %scan3A_1680 : i32 to index
          %get3A_1852 = arith.constant 16 : index
          %get3A_1853 = tpu.vector_load %arg13[%get3A_1851, %get3A_1852] {strides = array<i32>} : memref<40x128xf32, #tpu.memory_space<vmem>>, vector<16xf32>,
          %select_n3A_1854 = arith.select %eq3A_1723, %get3A_1850, %get3A_1853 : vector<16xi1>, vector<16xf32>
          %add3A_1855 = arith.addf %add3A_1847, %select_n3A_1854 : vector<16xf32>
          %get3A_1856 = arith.index_cast %scan3A_1680 : i32 to index
          %get3A_1857 = arith.constant 80 : index
          %get3A_1858 = tpu.vector_load %arg14[%get3A_1856, %get3A_1857] {strides = array<i32>} : memref<40x128xf32, #tpu.memory_space<vmem>>, vector<16xf32>,
          %get3A_1859 = arith.index_cast %scan3A_1680 : i32 to index
          %get3A_1860 = arith.constant 16 : index
          %get3A_1861 = tpu.vector_load %arg14[%get3A_1859, %get3A_1860] {strides = array<i32>} : memref<40x128xf32, #tpu.memory_space<vmem>>, vector<16xf32>,
          %select_n3A_1862 = arith.select %eq3A_1732, %get3A_1858, %get3A_1861 : vector<16xi1>, vector<16xf32>
          %add3A_1863 = arith.addf %add3A_1855, %select_n3A_1862 : vector<16xf32>
          %get3A_1864 = arith.index_cast %scan3A_1680 : i32 to index
          %get3A_1865 = arith.constant 80 : index
          %get3A_1866 = tpu.vector_load %arg15[%get3A_1864, %get3A_1865] {strides = array<i32>} : memref<40x128xf32, #tpu.memory_space<vmem>>, vector<16xf32>,
          %get3A_1867 = arith.index_cast %scan3A_1680 : i32 to index
          %get3A_1868 = arith.constant 16 : index
          %get3A_1869 = tpu.vector_load %arg15[%get3A_1867, %get3A_1868] {strides = array<i32>} : memref<40x128xf32, #tpu.memory_space<vmem>>, vector<16xf32>,
          %select_n3A_1870 = arith.select %eq3A_1741, %get3A_1866, %get3A_1869 : vector<16xi1>, vector<16xf32>
          %add3A_1871 = arith.addf %add3A_1863, %select_n3A_1870 : vector<16xf32>
          %get3A_1872 = arith.index_cast %scan3A_1680 : i32 to index
          %get3A_1873 = arith.constant 80 : index
          %get3A_1874 = tpu.vector_load %arg16[%get3A_1872, %get3A_1873] {strides = array<i32>} : memref<40x128xf32, #tpu.memory_space<vmem>>, vector<16xf32>,
          %get3A_1875 = arith.index_cast %scan3A_1680 : i32 to index
          %get3A_1876 = arith.constant 16 : index
          %get3A_1877 = tpu.vector_load %arg16[%get3A_1875, %get3A_1876] {strides = array<i32>} : memref<40x128xf32, #tpu.memory_space<vmem>>, vector<16xf32>,
          %select_n3A_1878 = arith.select %eq3A_1750, %get3A_1874, %get3A_1877 : vector<16xi1>, vector<16xf32>
          %add3A_1879 = arith.addf %add3A_1871, %select_n3A_1878 : vector<16xf32>
          %swap3A_1880 = arith.index_cast %scan3A_1680 : i32 to index
          %swap3A_1881 = arith.constant 16 : index
          %swap3A_1882 = tpu.vector_load %arg8[%swap3A_1880, %swap3A_1881] {strides = array<i32>} : memref<40x64xf32, #tpu.memory_space<vmem>>, vector<16xf32>,
          tpu.vector_store %arg8[%swap3A_1880, %swap3A_1881], %add3A_1879 {strides = array<i32>} : memref<40x64xf32, #tpu.memory_space<vmem>>, vector<16xf32>,
          %get3A_1883 = arith.index_cast %scan3A_1680 : i32 to index
          %get3A_1884 = arith.constant 96 : index
          %get3A_1885 = tpu.vector_load %arg9[%get3A_1883, %get3A_1884] {strides = array<i32>} : memref<40x128xf32, #tpu.memory_space<vmem>>, vector<16xf32>,
          %get3A_1886 = arith.index_cast %scan3A_1680 : i32 to index
          %get3A_1887 = arith.constant 32 : index
          %get3A_1888 = tpu.vector_load %arg9[%get3A_1886, %get3A_1887] {strides = array<i32>} : memref<40x128xf32, #tpu.memory_space<vmem>>, vector<16xf32>,
          %select_n3A_1889 = arith.select %eq3A_1687, %get3A_1885, %get3A_1888 : vector<16xi1>, vector<16xf32>
          %get3A_1890 = arith.index_cast %scan3A_1680 : i32 to index
          %get3A_1891 = arith.constant 96 : index
          %get3A_1892 = tpu.vector_load %arg10[%get3A_1890, %get3A_1891] {strides = array<i32>} : memref<40x128xf32, #tpu.memory_space<vmem>>, vector<16xf32>,
          %get3A_1893 = arith.index_cast %scan3A_1680 : i32 to index
          %get3A_1894 = arith.constant 32 : index
          %get3A_1895 = tpu.vector_load %arg10[%get3A_1893, %get3A_1894] {strides = array<i32>} : memref<40x128xf32, #tpu.memory_space<vmem>>, vector<16xf32>,
          %select_n3A_1896 = arith.select %eq3A_1696, %get3A_1892, %get3A_1895 : vector<16xi1>, vector<16xf32>
          %add3A_1897 = arith.addf %select_n3A_1889, %select_n3A_1896 : vector<16xf32>
          %get3A_1898 = arith.index_cast %scan3A_1680 : i32 to index
          %get3A_1899 = arith.constant 96 : index
          %get3A_1900 = tpu.vector_load %arg11[%get3A_1898, %get3A_1899] {strides = array<i32>} : memref<40x128xf32, #tpu.memory_space<vmem>>, vector<16xf32>,
          %get3A_1901 = arith.index_cast %scan3A_1680 : i32 to index
          %get3A_1902 = arith.constant 32 : index
          %get3A_1903 = tpu.vector_load %arg11[%get3A_1901, %get3A_1902] {strides = array<i32>} : memref<40x128xf32, #tpu.memory_space<vmem>>, vector<16xf32>,
          %select_n3A_1904 = arith.select %eq3A_1705, %get3A_1900, %get3A_1903 : vector<16xi1>, vector<16xf32>
          %add3A_1905 = arith.addf %add3A_1897, %select_n3A_1904 : vector<16xf32>
          %get3A_1906 = arith.index_cast %scan3A_1680 : i32 to index
          %get3A_1907 = arith.constant 96 : index
          %get3A_1908 = tpu.vector_load %arg12[%get3A_1906, %get3A_1907] {strides = array<i32>} : memref<40x128xf32, #tpu.memory_space<vmem>>, vector<16xf32>,
          %get3A_1909 = arith.index_cast %scan3A_1680 : i32 to index
          %get3A_1910 = arith.constant 32 : index
          %get3A_1911 = tpu.vector_load %arg12[%get3A_1909, %get3A_1910] {strides = array<i32>} : memref<40x128xf32, #tpu.memory_space<vmem>>, vector<16xf32>,
          %select_n3A_1912 = arith.select %eq3A_1714, %get3A_1908, %get3A_1911 : vector<16xi1>, vector<16xf32>
          %add3A_1913 = arith.addf %add3A_1905, %select_n3A_1912 : vector<16xf32>
          %get3A_1914 = arith.index_cast %scan3A_1680 : i32 to index
          %get3A_1915 = arith.constant 96 : index
          %get3A_1916 = tpu.vector_load %arg13[%get3A_1914, %get3A_1915] {strides = array<i32>} : memref<40x128xf32, #tpu.memory_space<vmem>>, vector<16xf32>,
          %get3A_1917 = arith.index_cast %scan3A_1680 : i32 to index
          %get3A_1918 = arith.constant 32 : index
          %get3A_1919 = tpu.vector_load %arg13[%get3A_1917, %get3A_1918] {strides = array<i32>} : memref<40x128xf32, #tpu.memory_space<vmem>>, vector<16xf32>,
          %select_n3A_1920 = arith.select %eq3A_1723, %get3A_1916, %get3A_1919 : vector<16xi1>, vector<16xf32>
          %add3A_1921 = arith.addf %add3A_1913, %select_n3A_1920 : vector<16xf32>
          %get3A_1922 = arith.index_cast %scan3A_1680 : i32 to index
          %get3A_1923 = arith.constant 96 : index
          %get3A_1924 = tpu.vector_load %arg14[%get3A_1922, %get3A_1923] {strides = array<i32>} : memref<40x128xf32, #tpu.memory_space<vmem>>, vector<16xf32>,
          %get3A_1925 = arith.index_cast %scan3A_1680 : i32 to index
          %get3A_1926 = arith.constant 32 : index
          %get3A_1927 = tpu.vector_load %arg14[%get3A_1925, %get3A_1926] {strides = array<i32>} : memref<40x128xf32, #tpu.memory_space<vmem>>, vector<16xf32>,
          %select_n3A_1928 = arith.select %eq3A_1732, %get3A_1924, %get3A_1927 : vector<16xi1>, vector<16xf32>
          %add3A_1929 = arith.addf %add3A_1921, %select_n3A_1928 : vector<16xf32>
          %get3A_1930 = arith.index_cast %scan3A_1680 : i32 to index
          %get3A_1931 = arith.constant 96 : index
          %get3A_1932 = tpu.vector_load %arg15[%get3A_1930, %get3A_1931] {strides = array<i32>} : memref<40x128xf32, #tpu.memory_space<vmem>>, vector<16xf32>,
          %get3A_1933 = arith.index_cast %scan3A_1680 : i32 to index
          %get3A_1934 = arith.constant 32 : index
          %get3A_1935 = tpu.vector_load %arg15[%get3A_1933, %get3A_1934] {strides = array<i32>} : memref<40x128xf32, #tpu.memory_space<vmem>>, vector<16xf32>,
          %select_n3A_1936 = arith.select %eq3A_1741, %get3A_1932, %get3A_1935 : vector<16xi1>, vector<16xf32>
          %add3A_1937 = arith.addf %add3A_1929, %select_n3A_1936 : vector<16xf32>
          %get3A_1938 = arith.index_cast %scan3A_1680 : i32 to index
          %get3A_1939 = arith.constant 96 : index
          %get3A_1940 = tpu.vector_load %arg16[%get3A_1938, %get3A_1939] {strides = array<i32>} : memref<40x128xf32, #tpu.memory_space<vmem>>, vector<16xf32>,
          %get3A_1941 = arith.index_cast %scan3A_1680 : i32 to index
          %get3A_1942 = arith.constant 32 : index
          %get3A_1943 = tpu.vector_load %arg16[%get3A_1941, %get3A_1942] {strides = array<i32>} : memref<40x128xf32, #tpu.memory_space<vmem>>, vector<16xf32>,
          %select_n3A_1944 = arith.select %eq3A_1750, %get3A_1940, %get3A_1943 : vector<16xi1>, vector<16xf32>
          %add3A_1945 = arith.addf %add3A_1937, %select_n3A_1944 : vector<16xf32>
          %swap3A_1946 = arith.index_cast %scan3A_1680 : i32 to index
          %swap3A_1947 = arith.constant 32 : index
          %swap3A_1948 = tpu.vector_load %arg8[%swap3A_1946, %swap3A_1947] {strides = array<i32>} : memref<40x64xf32, #tpu.memory_space<vmem>>, vector<16xf32>,
          tpu.vector_store %arg8[%swap3A_1946, %swap3A_1947], %add3A_1945 {strides = array<i32>} : memref<40x64xf32, #tpu.memory_space<vmem>>, vector<16xf32>,
          %get3A_1949 = arith.index_cast %scan3A_1680 : i32 to index
          %get3A_1950 = arith.constant 112 : index
          %get3A_1951 = tpu.vector_load %arg9[%get3A_1949, %get3A_1950] {strides = array<i32>} : memref<40x128xf32, #tpu.memory_space<vmem>>, vector<16xf32>,
          %get3A_1952 = arith.index_cast %scan3A_1680 : i32 to index
          %get3A_1953 = arith.constant 48 : index
          %get3A_1954 = tpu.vector_load %arg9[%get3A_1952, %get3A_1953] {strides = array<i32>} : memref<40x128xf32, #tpu.memory_space<vmem>>, vector<16xf32>,
          %select_n3A_1955 = arith.select %eq3A_1687, %get3A_1951, %get3A_1954 : vector<16xi1>, vector<16xf32>
          %get3A_1956 = arith.index_cast %scan3A_1680 : i32 to index
          %get3A_1957 = arith.constant 112 : index
          %get3A_1958 = tpu.vector_load %arg10[%get3A_1956, %get3A_1957] {strides = array<i32>} : memref<40x128xf32, #tpu.memory_space<vmem>>, vector<16xf32>,
          %get3A_1959 = arith.index_cast %scan3A_1680 : i32 to index
          %get3A_1960 = arith.constant 48 : index
          %get3A_1961 = tpu.vector_load %arg10[%get3A_1959, %get3A_1960] {strides = array<i32>} : memref<40x128xf32, #tpu.memory_space<vmem>>, vector<16xf32>,
          %select_n3A_1962 = arith.select %eq3A_1696, %get3A_1958, %get3A_1961 : vector<16xi1>, vector<16xf32>
          %add3A_1963 = arith.addf %select_n3A_1955, %select_n3A_1962 : vector<16xf32>
          %get3A_1964 = arith.index_cast %scan3A_1680 : i32 to index
          %get3A_1965 = arith.constant 112 : index
          %get3A_1966 = tpu.vector_load %arg11[%get3A_1964, %get3A_1965] {strides = array<i32>} : memref<40x128xf32, #tpu.memory_space<vmem>>, vector<16xf32>,
          %get3A_1967 = arith.index_cast %scan3A_1680 : i32 to index
          %get3A_1968 = arith.constant 48 : index
          %get3A_1969 = tpu.vector_load %arg11[%get3A_1967, %get3A_1968] {strides = array<i32>} : memref<40x128xf32, #tpu.memory_space<vmem>>, vector<16xf32>,
          %select_n3A_1970 = arith.select %eq3A_1705, %get3A_1966, %get3A_1969 : vector<16xi1>, vector<16xf32>
          %add3A_1971 = arith.addf %add3A_1963, %select_n3A_1970 : vector<16xf32>
          %get3A_1972 = arith.index_cast %scan3A_1680 : i32 to index
          %get3A_1973 = arith.constant 112 : index
          %get3A_1974 = tpu.vector_load %arg12[%get3A_1972, %get3A_1973] {strides = array<i32>} : memref<40x128xf32, #tpu.memory_space<vmem>>, vector<16xf32>,
          %get3A_1975 = arith.index_cast %scan3A_1680 : i32 to index
          %get3A_1976 = arith.constant 48 : index
          %get3A_1977 = tpu.vector_load %arg12[%get3A_1975, %get3A_1976] {strides = array<i32>} : memref<40x128xf32, #tpu.memory_space<vmem>>, vector<16xf32>,
          %select_n3A_1978 = arith.select %eq3A_1714, %get3A_1974, %get3A_1977 : vector<16xi1>, vector<16xf32>
          %add3A_1979 = arith.addf %add3A_1971, %select_n3A_1978 : vector<16xf32>
          %get3A_1980 = arith.index_cast %scan3A_1680 : i32 to index
          %get3A_1981 = arith.constant 112 : index
          %get3A_1982 = tpu.vector_load %arg13[%get3A_1980, %get3A_1981] {strides = array<i32>} : memref<40x128xf32, #tpu.memory_space<vmem>>, vector<16xf32>,
          %get3A_1983 = arith.index_cast %scan3A_1680 : i32 to index
          %get3A_1984 = arith.constant 48 : index
          %get3A_1985 = tpu.vector_load %arg13[%get3A_1983, %get3A_1984] {strides = array<i32>} : memref<40x128xf32, #tpu.memory_space<vmem>>, vector<16xf32>,
          %select_n3A_1986 = arith.select %eq3A_1723, %get3A_1982, %get3A_1985 : vector<16xi1>, vector<16xf32>
          %add3A_1987 = arith.addf %add3A_1979, %select_n3A_1986 : vector<16xf32>
          %get3A_1988 = arith.index_cast %scan3A_1680 : i32 to index
          %get3A_1989 = arith.constant 112 : index
          %get3A_1990 = tpu.vector_load %arg14[%get3A_1988, %get3A_1989] {strides = array<i32>} : memref<40x128xf32, #tpu.memory_space<vmem>>, vector<16xf32>,
          %get3A_1991 = arith.index_cast %scan3A_1680 : i32 to index
          %get3A_1992 = arith.constant 48 : index
          %get3A_1993 = tpu.vector_load %arg14[%get3A_1991, %get3A_1992] {strides = array<i32>} : memref<40x128xf32, #tpu.memory_space<vmem>>, vector<16xf32>,
          %select_n3A_1994 = arith.select %eq3A_1732, %get3A_1990, %get3A_1993 : vector<16xi1>, vector<16xf32>
          %add3A_1995 = arith.addf %add3A_1987, %select_n3A_1994 : vector<16xf32>
          %get3A_1996 = arith.index_cast %scan3A_1680 : i32 to index
          %get3A_1997 = arith.constant 112 : index
          %get3A_1998 = tpu.vector_load %arg15[%get3A_1996, %get3A_1997] {strides = array<i32>} : memref<40x128xf32, #tpu.memory_space<vmem>>, vector<16xf32>,
          %get3A_1999 = arith.index_cast %scan3A_1680 : i32 to index
          %get3A_2000 = arith.constant 48 : index
          %get3A_2001 = tpu.vector_load %arg15[%get3A_1999, %get3A_2000] {strides = array<i32>} : memref<40x128xf32, #tpu.memory_space<vmem>>, vector<16xf32>,
          %select_n3A_2002 = arith.select %eq3A_1741, %get3A_1998, %get3A_2001 : vector<16xi1>, vector<16xf32>
          %add3A_2003 = arith.addf %add3A_1995, %select_n3A_2002 : vector<16xf32>
          %get3A_2004 = arith.index_cast %scan3A_1680 : i32 to index
          %get3A_2005 = arith.constant 112 : index
          %get3A_2006 = tpu.vector_load %arg16[%get3A_2004, %get3A_2005] {strides = array<i32>} : memref<40x128xf32, #tpu.memory_space<vmem>>, vector<16xf32>,
          %get3A_2007 = arith.index_cast %scan3A_1680 : i32 to index
          %get3A_2008 = arith.constant 48 : index
          %get3A_2009 = tpu.vector_load %arg16[%get3A_2007, %get3A_2008] {strides = array<i32>} : memref<40x128xf32, #tpu.memory_space<vmem>>, vector<16xf32>,
          %select_n3A_2010 = arith.select %eq3A_1750, %get3A_2006, %get3A_2009 : vector<16xi1>, vector<16xf32>
          %add3A_2011 = arith.addf %add3A_2003, %select_n3A_2010 : vector<16xf32>
          %swap3A_2012 = arith.index_cast %scan3A_1680 : i32 to index
          %swap3A_2013 = arith.constant 48 : index
          %swap3A_2014 = tpu.vector_load %arg8[%swap3A_2012, %swap3A_2013] {strides = array<i32>} : memref<40x64xf32, #tpu.memory_space<vmem>>, vector<16xf32>,
          tpu.vector_store %arg8[%swap3A_2012, %swap3A_2013], %add3A_2011 {strides = array<i32>} : memref<40x64xf32, #tpu.memory_space<vmem>>, vector<16xf32>,
        }
        %scan3A_1676 = arith.constant 40 : i32
        %mul3A_1677 = arith.constant 200 : i32
        %mul3A_1678 = arith.muli %add3A_9, %mul3A_1677 : i32
        %add3A_1679 = arith.addi %mul3A_1678, %mul3A_1592 : i32
        "tpu.region"() ({
          %run_scoped3A = tpu.sem_alloc : memref<!tpu.dma_semaphore, #tpu.memory_space<semaphore_mem>>
          %dma_start3A_1680 = arith.constant 0 : i32
          %dma_start3A_1681 = tpu.memref_slice %arg4[%add3A_1679, %dma_start3A_1680] : memref<204800x64xf32, #tpu.memory_space<hbm>> -> memref<40x64xf32, #tpu.memory_space<hbm>>
          %dma_start3A_1682 = arith.constant 0 : i32
          %dma_start3A_1683 = tpu.memref_slice %arg4[%add3A_1679, %dma_start3A_1682] : memref<204800x64xf32, #tpu.memory_space<hbm>> -> memref<40x64xf32, #tpu.memory_space<hbm>>
          tpu.enqueue_dma source(%arg8 : memref<40x64xf32, #tpu.memory_space<vmem>>) target(%dma_start3A_1683 : memref<40x64xf32, #tpu.memory_space<hbm>>) target_semaphore(%run_scoped3A : memref<!tpu.dma_semaphore, #tpu.memory_space<semaphore_mem>>)
          %dma_wait3A_1684 = arith.constant 0 : i32
          %dma_wait3A_1685 = tpu.memref_slice %arg4[%add3A_1679, %dma_wait3A_1684] : memref<204800x64xf32, #tpu.memory_space<hbm>> -> memref<40x64xf32, #tpu.memory_space<hbm>>
          %dma_wait3A_1686 = arith.constant 0 : i32
          %dma_wait3A_1687 = tpu.memref_slice %arg4[%add3A_1679, %dma_wait3A_1686] : memref<204800x64xf32, #tpu.memory_space<hbm>> -> memref<40x64xf32, #tpu.memory_space<hbm>>
          tpu.wait_dma2 semaphore(%run_scoped3A : memref<!tpu.dma_semaphore, #tpu.memory_space<semaphore_mem>>) src(%arg8 : memref<40x64xf32, #tpu.memory_space<vmem>>) dst(%dma_wait3A_1687 : memref<40x64xf32, #tpu.memory_space<hbm>>)
          tpu.yield
        }) : () -> ()
      }
      %scan3A_1589 = arith.constant 5 : i32
    }
    %scan3A_5 = arith.constant 32 : i32
    return
  }
}

module attributes {stable_mosaic.version = 14 : i64} {
  func.func @body(%arg0: i32, %arg1: i32, %arg2: memref<1x64x2176xf32, #tpu.memory_space<vmem>>, %arg3: memref<1x64x2176xf32, #tpu.memory_space<vmem>>, %arg4: memref<2176x128xf32, #tpu.memory_space<vmem>>) attributes {dimension_semantics = [#tpu.dimension_semantics<arbitrary>, #tpu.dimension_semantics<arbitrary>], iteration_bounds = array<i64: 8, 23>, scalar_prefetch = 0 : i64, scratch_operands = 0 : i64, tpu.core_type = #tpu.core_type<tc>, window_params = [{transform_indices = @transform_0, window_bounds = array<i64: 1, 64, 2176>}, {transform_indices = @transform_1, window_bounds = array<i64: 1, 64, 2176>}, {transform_indices = @transform_2, window_bounds = array<i64: 2176, 128>}]} {
    %get3A = arith.constant 0 : index
    %get3A_0 = arith.constant 0 : index
    %get3A_1 = arith.constant 0 : index
    %get3A_2 = vector.load %arg2[%get3A, %get3A_0, %get3A_1] : memref<1x64x2176xf32, #tpu.memory_space<vmem>>, vector<1x64x2176xf32>
    %get3A_3 = vector.shape_cast %get3A_2 : vector<1x64x2176xf32> to vector<64x2176xf32>
    %get3A_4 = arith.constant 0 : index
    %get3A_5 = arith.constant 0 : index
    %get3A_6 = arith.constant 0 : index
    %get3A_7 = vector.load %arg3[%get3A_4, %get3A_5, %get3A_6] : memref<1x64x2176xf32, #tpu.memory_space<vmem>>, vector<1x64x2176xf32>
    %get3A_8 = vector.shape_cast %get3A_7 : vector<1x64x2176xf32> to vector<64x2176xf32>
    %transpose3A = tpu.transpose %get3A_3, [1, 0] : vector<64x2176xf32> -> vector<2176x64xf32>
    %transpose3A_9 = tpu.transpose %get3A_8, [1, 0] : vector<64x2176xf32> -> vector<2176x64xf32>
    %concatenate3A = tpu.concatenate %transpose3A, %transpose3A_9 in 1 : vector<2176x64xf32>, vector<2176x64xf32> -> vector<2176x128xf32>
    %swap3A = arith.constant 0 : index
    %swap3A_10 = arith.constant 0 : index
    %swap3A_11 = vector.load %arg4[%swap3A, %swap3A_10] : memref<2176x128xf32, #tpu.memory_space<vmem>>, vector<2176x128xf32>
    tpu.vector_store %arg4[%swap3A, %swap3A_10], %concatenate3A {strides = array<i32>} : memref<2176x128xf32, #tpu.memory_space<vmem>>, vector<2176x128xf32>,
    return
  }
  func.func @transform_0(%arg0: i32, %arg1: i32) -> (i32, i32, i32) {
    %c0_i32 = arith.constant 0 : i32
    %c0_i32_0 = arith.constant 0 : i32
    return %arg0, %c0_i32, %arg1 : i32, i32, i32
  }
  func.func @transform_1(%arg0: i32, %arg1: i32) -> (i32, i32, i32) {
    %add3A = arith.constant 23 : i32
    %add3A_0 = arith.addi %add3A, %arg1 : i32
    %c0_i32 = arith.constant 0 : i32
    %c0_i32_1 = arith.constant 0 : i32
    return %arg0, %c0_i32, %add3A_0 : i32, i32, i32
  }
  func.func @transform_2(%arg0: i32, %arg1: i32) -> (i32, i32) {
    %mul3A = arith.constant 23 : i32
    %mul3A_0 = arith.muli %arg0, %mul3A : i32
    %add3A = arith.addi %mul3A_0, %arg1 : i32
    %c0_i32 = arith.constant 0 : i32
    %c0_i32_1 = arith.constant 0 : i32
    return %add3A, %c0_i32 : i32, i32
  }
}

</mosaic_0001>

<sc_bundles>
// kernel: kernel.4.cloned.1.call-start
scs
__scs_entry_jumppad:
0x0: {  	(pc) =	sbr.rel $0x88, $3  }
0x1: {  	(tag) =	ssettag $0x0;
	lr =	simm.s32 $0x1  }
0x2: {  	[smem:$0x3F9F] =	sst lr;
	_ =	strace $0xD0000000  }
0x3: {  	_ = 	snop  }
0x4: {  	_ = 	snop  }
0x5: {  	_ = 	snop  }
0x6: {  	_ = 	snop  }
0x7: {  	_ = 	snop  }
__scs_overlays_trampoline_lowered:
0x8: {  	[smem:$0x3FAE] =	sst s0  }
0x9: {  	[smem:$0x3FAF] =	sst s1  }
0xa: {  	[smem:$0x3FB0] =	sst s2  }
0xb: {  	[smem:$0x3FB1] =	sst s3  }
0xc: {  	[smem:$0x3FB2] =	sst s4  }
0xd: {  	[smem:$0x3FB3] =	sst s5  }
0xe: {  	[smem:$0x3FB4] =	sst s6  }
0xf: {  	[smem:$0x3FB5] =	sst s7  }
0x10: {  	[smem:$0x3FB6] =	sst s8  }
0x11: {  	[smem:$0x3FB7] =	sst s9;
	s0 =	simm.s32 @!p0 $0x0  }
0x12: {  	s1 =	sld [smem:$0x3F9D];
	s0 =	simm.s32 @p0 $0x1  }
0x13: {  	[smem:$0x3FB8] =	sst s0;
	s0 =	simm.s32 @!p1 $0x0  }
0x14: {  	s2 =	sld [smem:$0x3F9C];
	s0 =	simm.s32 @p1 $0x1  }
0x15: {  	[smem:$0x3FB9] =	sst s0;
	s0 =	simm.s32 @!p2 $0x0  }
0x16: {  	s3 =	sld [smem:$0x3FDB];
	s0 =	simm.s32 @p2 $0x1  }
0x17: {  	s4 =	simm.s32 $0x1BF5;
	[smem:$0x3FBB] =	sst s0  }
0x18: {  	s0 =	sld [smem:$0x3F9E];
	_ =	swait.ge [sflag:s4], $0x0  }
0x19: {  	s7 =	sld [smem:$0x3F9F]  }
0x1a: {  	s8 =	sadd.s32 $0xFFFFE003, lr  }
0x1b: {  	s9 =	sadd.s32 $0xFFFFFEF7, lr;
	s5 =	simm.s32 $0xFFFFFFFF;
	p2 =	slt.u32 s8, $0xFFFFF086  }
0x1c: {  	p1 =	slt.u32 s9, $0xF7A;
	s5 =	simm.s32 @!p2 $0x0  }
0x1d: {  	s5 =	simm.s32 @p1 $0x1;
	p0 =	seq.s32 s7, s2  }
0x1e: {  	s7 =	smul.u32 @!p0 $0xF7A, s2;
	p2 =	seq.s32 @!p0 s5, $0x0  }
0x1f: {  	s9 =	smul.u32 $0xF7A, s1;
	s8 =	simm.s32 @!p0 $0x1BF5;
	p2 =	por !p2, p0  }
0x20: {  	[sflag:s8] =	ssyncset.s32 @!p0 $0xFFFFF086;
	s6 =	sadd.s32 @!p0 s3, s7;
	s7 =	simm.s32 @!p0 $0x108  }
0x21: {  	s3 =	sadd.s32 s3, s9;
	s6 =	sadd.s32 @!p0 $0x88, s6;
	s7 =	simm.s32 @p2 $0x1082  }
0x22: {  	[simem:s7], [sflag:s8] =	dma.local @!p0 [hbm:s6], $0xF7A  }
0x23: {  	s9 =	sor.u32 $0xD0000000, s2;
	s6 =	simm.s32 $0x108;
	_ =	swait.ge @!p0 [sflag:s8], $0x0  }
0x24: {  	s3 =	sadd.s32 $0x88, s3;
	s6 =	simm.s32 @!p1 $0x1082;
	[sflag:s4] =	ssyncset.s32 $0xFFFFF086  }
0x25: {  	[simem:s6], [sflag:s4] =	dma.local [hbm:s3], $0xF7A  }
0x26: {  	[smem:$0x3F9F] =	sst s1;
	(tag) =	ssettag s2;
	_ =	strace s9  }
0x27: {  	s1 =	sld [smem:$0x3FAF]  }
0x28: {  	s2 =	sld [smem:$0x3FB0]  }
0x29: {  	s4 =	sld [smem:$0x3FB2]  }
0x2a: {  	p0 =	seq.s32 s5, $0x0;
	s5 =	sld [smem:$0x3FB3]  }
0x2b: {  	s6 =	sld [smem:$0x3FB4]  }
0x2c: {  	s7 =	sld [smem:$0x3FB5]  }
0x2d: {  	s3 =	simm.s32 $0x108;
	s8 =	sld [smem:$0x3FB6]  }
0x2e: {  	s3 =	simm.s32 @!p0 $0x1082;
	s9 =	sld [smem:$0x3FB7]  }
0x2f: {  	lr =	sadd.s32 s0, s3;
	s0 =	sld [smem:$0x3FAE]  }
0x30: {  	s3 =	sld [smem:$0x3FB1]  }
0x31: {  	[smem:$0x3FBA] =	sst s10  }
0x32: {  	s10 =	sld [smem:$0x3FB8];
	_ =	sdelay $0x3  }
0x33: {  	p0 =	seq.s32 s10, $0x1;
	s10 =	sld [smem:$0x3FBA];
	_ =	sdelay $0x3  }
0x34: {  	[smem:$0x3FBA] =	sst s10  }
0x35: {  	s10 =	sld [smem:$0x3FB9];
	_ =	sdelay $0x3  }
0x36: {  	p1 =	seq.s32 s10, $0x1;
	s10 =	sld [smem:$0x3FBA];
	_ =	sdelay $0x3  }
0x37: {  	[smem:$0x3FBA] =	sst s10  }
0x38: {  	s10 =	sld [smem:$0x3FBB]  }
0x39: {  	_ = 	snop;
	(pc) =	sbr.ind lr, $3  }
0x3a: {  	_ = 	snop  }
0x3b: {  	_ = 	snop  }
0x3c: {  	p2 =	seq.s32 s10, $0x1;
	s10 =	sld [smem:$0x3FBA]  }
0x3d: {  	_ =	shalt  }
0x3e: {  	_ =	shalt  }
0x3f: {  	_ =	shalt  }
0x40: {  	_ =	shalt  }
0x41: {  	_ =	shalt  }
0x42: {  	_ =	shalt  }
0x43: {  	_ =	shalt  }
0x44: {  	_ =	shalt  }
0x45: {  	_ =	shalt  }
0x46: {  	_ =	shalt  }
0x47: {  	_ =	shalt  }
0x48: {  	_ =	shalt  }
0x49: {  	_ =	shalt  }
0x4a: {  	_ =	shalt  }
0x4b: {  	_ =	shalt  }
0x4c: {  	_ =	shalt  }
0x4d: {  	_ =	shalt  }
0x4e: {  	_ =	shalt  }
0x4f: {  	_ =	shalt  }
0x50: {  	_ =	shalt  }
0x51: {  	_ =	shalt  }
0x52: {  	_ =	shalt  }
0x53: {  	_ =	shalt  }
0x54: {  	_ =	shalt  }
0x55: {  	_ =	shalt  }
0x56: {  	_ =	shalt  }
0x57: {  	_ =	shalt  }
0x58: {  	_ =	shalt  }
0x59: {  	_ =	shalt  }
0x5a: {  	_ =	shalt  }
0x5b: {  	_ =	shalt  }
0x5c: {  	_ =	shalt  }
0x5d: {  	_ =	shalt  }
0x5e: {  	_ =	shalt  }
0x5f: {  	_ =	shalt  }
0x60: {  	_ =	shalt  }
0x61: {  	_ =	shalt  }
0x62: {  	_ =	shalt  }
0x63: {  	_ =	shalt  }
0x64: {  	_ =	shalt  }
0x65: {  	_ =	shalt  }
0x66: {  	_ =	shalt  }
0x67: {  	_ =	shalt  }
0x68: {  	_ =	shalt  }
0x69: {  	_ =	shalt  }
0x6a: {  	_ =	shalt  }
0x6b: {  	_ =	shalt  }
0x6c: {  	_ =	shalt  }
0x6d: {  	_ =	shalt  }
0x6e: {  	_ =	shalt  }
0x6f: {  	_ =	shalt  }
0x70: {  	_ =	shalt  }
0x71: {  	_ =	shalt  }
0x72: {  	_ =	shalt  }
0x73: {  	_ =	shalt  }
0x74: {  	_ =	shalt  }
0x75: {  	_ =	shalt  }
0x76: {  	_ =	shalt  }
0x77: {  	_ =	shalt  }
0x78: {  	_ =	shalt  }
0x79: {  	_ =	shalt  }
0x7a: {  	_ =	shalt  }
0x7b: {  	_ =	shalt  }
0x7c: {  	_ =	shalt  }
0x7d: {  	_ =	shalt  }
0x7e: {  	_ =	shalt  }
0x7f: {  	_ =	shalt  }
0x80: {  	_ =	shalt  }
0x81: {  	_ =	shalt  }
0x82: {  	_ =	shalt  }
0x83: {  	_ =	shalt  }
0x84: {  	_ =	shalt  }
0x85: {  	_ =	shalt  }
0x86: {  	_ =	shalt  }
0x87: {  	_ =	shalt  }
.Lfunc_end0:
.L_simem_size_0:
called_computation.1_lowered:
.L_overlay_start_0:
0x88: {  	s2 =	sld [smem:$0x3FD9]  }
0x89: {  	s3 =	sld [smem:$0x3FFE];
	_ =	sdelay $0x1  }
0x8a: {  	s1 =	srdreg.scid  }
0x8b: {  	s0 =	sand.u32 $0x1, s1  }
0x8c: {  	s17 =	sshll.u32 s0, $0xA;
	s2 =	sadd.s32 s3, s2  }
0x8d: {  	s2 =	sadd.s32 s2, s17  }
0x8e: {  	[smem:$0x3FC6] =	sst s2  }
0x8f: {  	_ = 	snop  }
0x90: {  	s2 =	sld [smem:$0x3FD0];
	(tm) =	ssettm $0x1  }
0x91: {  	s18 =	sld [smem:$0x3FFB];
	_ =	sdelay $0x3  }
0x92: {  	_ =	strace s18  }
0x93: {  	s3 =	sld [smem:$0x3FFC];
	_ =	sdelay $0x3  }
0x94: {  	_ =	strace s3  }
0x95: {  	s3 =	sld [smem:$0x3FFD];
	_ =	sdelay $0x3  }
0x96: {  	_ =	strace s3  }
0x97: {  	_ =	strace $0x8FFFFFFF  }
0x98: {  	s19 =	sld [smem:$0x3FDB];
	_ =	sdelay $0x1  }
0x99: {  	s4 =	simm.s32 $_scs_section_size  }
0x9a: {  	s5 =	simm.s32 $_size__tile_overlayer_lowered;
	s6 =	simm.s32 $_tile_overlayer_lowered  }
0x9b: {  	s22 =	simm.s32 $0x1BFF;
	s21 =	sshll.u32 s6, $0x1;
	s3 =	sadd.s32 s4, s19  }
0x9c: {  	s7 =	simm.s32 $0x0;
	s20 =	sshll.u32 s5, $0x1;
	s5 =	sadd.s32 s21, s3  }
0x9d: {  	[timem:s7], [sflag:s22] =	dma.local [hbm:s5], s20  }
0x9e: {  	_ =	swait.ge [sflag:s22], s20  }
0x9f: {  	s4 =	ssub.s32 $0x0, s20;
	[sflag:s22] =	ssyncset.done $0x0  }
0xa0: {  	[sflag:s22] =	ssyncadd.s32 s4;
	_ =	sdelay $0x1  }
0xa1: {  	s23 =	simm.s32 $0x1B8B  }
0xa2: {  	_ =	swait.ge [sflag:s23], $0x1  }
0xa3: {  	[sflag:s23] =	ssyncset.done $0x0  }
0xa4: {  	s25 =	simm.s32 $0x1B8E;
	s24 =	sld [smem:$0x3FFE];
	[sflag:s23] =	ssyncadd.s32 $0xFFFFFFFF  }
0xa5: {  	s26 =	simm.s32 $execute0_lowered;
	[smem:$0x3FD2] =	sst s25  }
0xa6: {  	s5 =	sshll.u32 s26, $0x1;
	_ =	strace $0x80000046;
	[dreg:$0x1] =	wrdreg $0xFFFFFFFF  }
0xa7: {  	s28 =	simm.s32 $_size_execute0_lowered;
	s3 =	sadd.s32 s3, s5;
	[dreg:$0x0] =	wrdreg $0x0  }
0xa8: {  	s5 =	sshll.u32 s28, $0x1;
	[dreg:$0x2] =	wrdreg s3  }
0xa9: {  	[dreg:$0x3] =	wrdreg s5  }
0xaa: {  	[dreg:$0x4] =	wrdreg $0xC0  }
0xab: {  	_ =	task [dreg:s7], $0x5FFFF  }
0xac: {  	[dreg:$0x1] =	wrdreg $0xFFFFFFFF  }
0xad: {  	[dreg:$0x0] =	wrdreg $0x60  }
0xae: {  	[dreg:$0x2] =	wrdreg s2  }
0xaf: {  	[dreg:$0x3] =	wrdreg s24  }
0xb0: {  	[dreg:$0x4] =	wrdreg $0x9  }
0xb1: {  	_ =	task.clear_ibuf [dreg:s7], $0x5FFFF;
	_ =	strace $0x90000046  }
0xb2: {  	s29 =	simm.s32 $0x9;
	_ =	strace $0x80000048  }
0xb3: {  	_ =	swait.ge [sflag:s29], $0x1  }
0xb4: {  	[sflag:s29] =	ssyncadd.s32 $0xFFFFFFFF  }
0xb5: {  	_ =	strace $0x90000048  }
0xb6: {  	_ =	sfence  }
0xb7: {  	s30 =	sld [smem:$0x0];
	_ =	sdelay $0x2  }
0xb8: {  	s31 =	sshll.u32 s1, $0xD;
	s1 =	sshrl.u32 s1, $0x2  }
0xb9: {  	s3 =	sand.u32 $0x4000, s31;
	s1 =	sadd.s32 s1, s30  }
0xba: {  	s0 =	sor.u32 s3, s0;
	s1 =	sshll.u32 s1, $0x11  }
0xbb: {  	s0 =	sor.u32 s1, s0  }
0xbc: {  	s0 =	sadd.s32 $0x8F2B, s0  }
0xbd: {  	[sflag:s0] =	ssyncadd.remote.s32 $0x1  }
0xbe: {  	_ =	sfence.sel $0xFFFF  }
0xbf: {  	[dreg:$0x0] =	wrdreg $0xFFFFFFFF;
	(pc) =	sbr.abs _section_cstart, $3  }
0xc0: {  	[dreg:$0x1] =	wrdreg $0xFFFFFFFF  }
0xc1: {  	_ =	task.clear_ibuf [dreg:s7], $0x2FFFF;
	_ =	strace $0x9FFFFFFF  }
0xc2: {  	(tm) =	ssettm $0x7FFFFFFF  }
0xc3: {  	_ =	shalt  }
tec
execute0_lowered:
.L_overlay_start_1:
0x0: {  	(tag) =	ssettag $0x1  }
0x1: {  	s1 =	rddreg [dreg:$0x0]  }
0x2: {  	s5 =	rddreg [dreg:$0x1]  }
0x3: {  	s0 =	rddreg [dreg:$0x2];
	s2 =	simm.s32 $0x0;
	s3 =	srdreg.scid  }
0x4: {  	s10 =	simm.s32 $0x2900;
	s11 =	simm.s32 $0x3D00;
	s12 =	simm.s32 $0x5100  }
0x5: {  	s13 =	simm.s32 $0x6500;
	s14 =	simm.s32 $0x7900;
	s15 =	simm.s32 $0x8D00  }
0x6: {  	s16 =	simm.s32 $0xA100;
	s17 =	simm.s32 $0xB500;
	s18 =	simm.s32 $0x1  }
0x7: {  	s19 =	simm.s32 $0xE80;
	s20 =	simm.s32 $0x1500;
	s21 =	simm.s32 $0x0  }
0x8: {  	[smem:$0x7FF] =	sst s2;
	s6 =	sand.u32 $0x1, s3;
	s4 =	sadd.s32 $0x800, s5  }
0x9: {  	s3 =	stileid.u32;
	s5 =	sadd.s32 $0x61C800, s5;
	s7 =	ssub.s32 $0x2, s6  }
0xa: {  	v0 =	vimm.s32 $0x0;
	s9 =	sshll.u32 s3, $0x6;
	s6 =	sshll.u32 s6, $0x5;
	s8 =	sshrl.u32 s7, $0x1  }
0xb: {  	v1 =	vimm.s32 $0x18700;
	v2 =	vimm.s32 $0x24A80;
	v3 =	vimm.s32 $0x30E00;
	_ =	strace $0x80000047;
	s6 =	sor.u32 s6, s9;
	s7 =	ssub.s32 s7, s8  }
0xc: {  	v4 =	vimm.s32 $0x3D180;
	v5 =	vimm.s32 $0x49500;
	v6 =	vimm.s32 $0x55880;
	s9 =	simm.s32 $0x28;
	s8 =	simm.s32 $0x2;
	s7 =	smax.u32 s7, $0x1  }
.LBB2_1:
0xd: {  	s22 =	simm.s32 $0x0  }
.LBB2_2:
0xe: {  	s24 =	sadd.s32 s6, s22  }
0xf: {  	s23 =	sshll.u32 s24, $0x8  }
0x10: {  	s25 =	sadd.s32 s1, s23;
	s23 =	simm.s32 $0x0  }
0x11: {  	[tilespmem:s23], [sflag:$0x2] =	stream.linear.gather [hbm4b:s25+s23], $0x800, $0x38;
	[tilespmem:$0xC900] =	vst v63  }
0x12: {  	_ =	swait.ge [sflag:s8], $0x800  }
0x13: {  	[sflag:s8] =	ssyncset.done $0x0  }
0x14: {  	[sflag:s8] =	ssyncadd.s32 $0xFFFFF800  }
0x15: {  	v7 =	vld [tilespmem:$0x0];
	_ =	sdelay $0x1  }
0x16: {  	v8 =	vld [tilespmem:$0x10];
	_ =	sdelay $0x1  }
0x17: {  	v9 =	vld [tilespmem:$0x20]  }
0x18: {  	vm0 =	vgt.s32 v7, $0xC37F;
	v10 =	vadd.s32 $0xFFFF3C80, v7  }
0x19: {  	v48 =	vld [tilespmem:$0x30];
	v7 =	vsel vm0, v10, v7  }
0x1a: {  	vm10 =	vgt.s32 v8, $0xC37F;
	v11 =	vadd.s32 $0xFFFF3C80, v8;
	[tilespmem:$0x800] =	vst v7;
	v7 =	vsel vm0, $0x1, v0  }
0x1b: {  	[tilespmem:$0xE80] =	vst v7;
	v7 =	vsel vm10, v11, v8;
	v8 =	vld [tilespmem:$0x40]  }
0x1c: {  	vm11 =	vgt.s32 v9, $0xC37F;
	v49 =	vadd.s32 $0xFFFF3C80, v9;
	[tilespmem:$0x810] =	vst v7;
	v7 =	vsel vm10, $0x1, v0  }
0x1d: {  	v50 =	vld [tilespmem:$0x50];
	[tilespmem:$0xE90] =	vst v7;
	v7 =	vsel vm11, v49, v9  }
0x1e: {  	vm12 =	vgt.s32 v48, $0xC37F;
	v51 =	vadd.s32 $0xFFFF3C80, v48;
	[tilespmem:$0x820] =	vst v7;
	v7 =	vsel vm11, $0x1, v0  }
0x1f: {  	v52 =	vld [tilespmem:$0x60];
	[tilespmem:$0xEA0] =	vst v7;
	v7 =	vsel vm12, v51, v48  }
0x20: {  	[tilespmem:$0x830] =	vst v7;
	v7 =	vsel vm12, $0x1, v0;
	vm13 =	vgt.s32 v8, $0xC37F;
	v53 =	vadd.s32 $0xFFFF3C80, v8  }
0x21: {  	[tilespmem:$0xEB0] =	vst v7;
	v7 =	vsel vm13, v53, v8;
	v8 =	vld [tilespmem:$0x70]  }
0x22: {  	vm14 =	vgt.s32 v50, $0xC37F;
	v54 =	vadd.s32 $0xFFFF3C80, v50;
	[tilespmem:$0x840] =	vst v7;
	v7 =	vsel vm13, $0x1, v0  }
0x23: {  	v55 =	vld [tilespmem:$0x400];
	[tilespmem:$0xEC0] =	vst v7;
	v7 =	vsel vm14, v54, v50  }
0x24: {  	vm15 =	vgt.s32 v52, $0xC37F;
	v56 =	vadd.s32 $0xFFFF3C80, v52;
	[tilespmem:$0x850] =	vst v7;
	v7 =	vsel vm14, $0x1, v0  }
0x25: {  	v57 =	vld [tilespmem:$0x410];
	[tilespmem:$0xED0] =	vst v7;
	v7 =	vsel vm15, v56, v52  }
0x26: {  	[tilespmem:$0x860] =	vst v7;
	v7 =	vsel vm15, $0x1, v0;
	vm4 =	vgt.s32 v8, $0xC37F;
	v58 =	vadd.s32 $0xFFFF3C80, v8  }
0x27: {  	[tilespmem:$0xEE0] =	vst v7;
	v7 =	vsel vm4, v58, v8;
	v8 =	vld [tilespmem:$0x420]  }
0x28: {  	vm5 =	vgt.s32 v55, $0xC37F;
	v59 =	vadd.s32 $0xFFFF3C80, v55;
	[tilespmem:$0x870] =	vst v7;
	v7 =	vsel vm4, $0x1, v0  }
0x29: {  	v60 =	vld [tilespmem:$0x430];
	[tilespmem:$0xEF0] =	vst v7;
	v7 =	vsel vm5, v59, v55  }
0x2a: {  	vm6 =	vgt.s32 v57, $0xC37F;
	v61 =	vadd.s32 $0xFFFF3C80, v57;
	[tilespmem:$0x880] =	vst v7;
	v7 =	vsel vm5, $0x1, v0  }
0x2b: {  	v62 =	vld [tilespmem:$0x438];
	[tilespmem:$0xF00] =	vst v7;
	v7 =	vsel vm6, v61, v57  }
0x2c: {  	[tilespmem:$0x890] =	vst v7;
	v7 =	vsel vm6, $0x1, v0;
	vm7 =	vgt.s32 v8, $0xC37F;
	v63 =	vadd.s32 $0xFFFF3C80, v8  }
0x2d: {  	[tilespmem:$0xF10] =	vst v7;
	v7 =	vsel vm7, v63, v8;
	v8 =	vld [tilespmem:$0x80]  }
0x2e: {  	vm8 =	vgt.s32 v60, $0xC37F;
	v12 =	vadd.s32 $0xFFFF3C80, v60;
	[tilespmem:$0x8A0] =	vst v7;
	v7 =	vsel vm7, $0x1, v0  }
0x2f: {  	v13 =	vld [tilespmem:$0x90];
	[tilespmem:$0xF20] =	vst v7;
	v7 =	vsel vm8, v12, v60  }
0x30: {  	vm9 =	vgt.s32 v62, $0xC37F;
	v14 =	vadd.s32 $0xFFFF3C80, v62;
	[tilespmem:$0x8B0] =	vst v7;
	v7 =	vsel vm8, $0x1, v0  }
0x31: {  	v15 =	vld [tilespmem:$0xA0];
	[tilespmem:$0xF30] =	vst v7;
	v7 =	vsel vm9, v14, v62  }
0x32: {  	[tilespmem:$0x8B8] =	vst v7;
	v7 =	vsel vm9, $0x1, v0;
	vm10 =	vgt.s32 v8, $0xC37F;
	v16 =	vadd.s32 $0xC380, v8  }
0x33: {  	[tilespmem:$0xF38] =	vst v7;
	v7 =	vsel vm10, v8, v16;
	v8 =	vld [tilespmem:$0xB0]  }
0x34: {  	v17 =	vadd.s32 $0xC380, v13;
	vm11 =	vgt.s32 v13, $0xC37F;
	[tilespmem:$0x8C8] =	vst v7;
	v7 =	vsel vm10, $0x1, v0  }
0x35: {  	v18 =	vld [tilespmem:$0xC0];
	[tilespmem:$0xF48] =	vst v7;
	v7 =	vsel vm11, v13, v17  }
0x36: {  	v19 =	vadd.s32 $0xC380, v15;
	vm12 =	vgt.s32 v15, $0xC37F;
	[tilespmem:$0x8D8] =	vst v7;
	v7 =	vsel vm11, $0x1, v0  }
0x37: {  	v20 =	vld [tilespmem:$0xD0];
	[tilespmem:$0xF58] =	vst v7;
	v7 =	vsel vm12, v15, v19  }
0x38: {  	[tilespmem:$0x8E8] =	vst v7;
	v7 =	vsel vm12, $0x1, v0;
	vm13 =	vgt.s32 v8, $0xC37F;
	v21 =	vadd.s32 $0xC380, v8  }
0x39: {  	[tilespmem:$0xF68] =	vst v7;
	v7 =	vsel vm13, v8, v21;
	v8 =	vld [tilespmem:$0xE0]  }
0x3a: {  	v22 =	vadd.s32 $0xC380, v18;
	vm14 =	vgt.s32 v18, $0xC37F;
	[tilespmem:$0x8F8] =	vst v7;
	v7 =	vsel vm13, $0x1, v0  }
0x3b: {  	v23 =	vld [tilespmem:$0xF0];
	[tilespmem:$0xF78] =	vst v7;
	v7 =	vsel vm14, v18, v22  }
0x3c: {  	v24 =	vadd.s32 $0xC380, v20;
	vm15 =	vgt.s32 v20, $0xC37F;
	[tilespmem:$0x908] =	vst v7;
	v7 =	vsel vm14, $0x1, v0  }
0x3d: {  	v25 =	vld [tilespmem:$0x480];
	[tilespmem:$0xF88] =	vst v7;
	v7 =	vsel vm15, v20, v24  }
0x3e: {  	[tilespmem:$0x918] =	vst v7;
	v7 =	vsel vm15, $0x1, v0;
	vm4 =	vgt.s32 v8, $0xC37F;
	v26 =	vadd.s32 $0xC380, v8  }
0x3f: {  	[tilespmem:$0xF98] =	vst v7;
	v7 =	vsel vm4, v8, v26;
	v8 =	vld [tilespmem:$0x490]  }
0x40: {  	v27 =	vadd.s32 $0xC380, v23;
	vm5 =	vgt.s32 v23, $0xC37F;
	[tilespmem:$0x928] =	vst v7;
	v7 =	vsel vm4, $0x1, v0  }
0x41: {  	v28 =	vld [tilespmem:$0x4A0];
	[tilespmem:$0xFA8] =	vst v7;
	v7 =	vsel vm5, v23, v27  }
0x42: {  	v29 =	vadd.s32 $0xC380, v25;
	vm6 =	vgt.s32 v25, $0xC37F;
	[tilespmem:$0x938] =	vst v7;
	v7 =	vsel vm5, $0x1, v0  }
0x43: {  	v30 =	vld [tilespmem:$0x4B0];
	[tilespmem:$0xFB8] =	vst v7;
	v7 =	vsel vm6, v25, v29  }
0x44: {  	[tilespmem:$0x948] =	vst v7;
	v7 =	vsel vm6, $0x1, v0;
	vm7 =	vgt.s32 v8, $0xC37F;
	v31 =	vadd.s32 $0xC380, v8  }
0x45: {  	[tilespmem:$0xFC8] =	vst v7;
	v7 =	vsel vm7, v8, v31;
	v8 =	vld [tilespmem:$0x4B8]  }
0x46: {  	v32 =	vadd.s32 $0xC380, v28;
	v12 =	vld [tilespmem:$0x100];
	vm8 =	vgt.s32 v28, $0xC37F;
	[tilespmem:$0x958] =	vst v7;
	v7 =	vsel vm7, $0x1, v0  }
0x47: {  	[tilespmem:$0xFD8] =	vst v7;
	v7 =	vsel vm8, v28, v32  }
0x48: {  	v34 =	vld [tilespmem:$0x110];
	v33 =	vadd.s32 $0xC380, v30;
	vm9 =	vgt.s32 v30, $0xC37F;
	[tilespmem:$0x968] =	vst v7;
	v7 =	vsel vm8, $0x1, v0  }
0x49: {  	[tilespmem:$0xFE8] =	vst v7;
	v7 =	vsel vm9, v30, v33  }
0x4a: {  	v36 =	vld [tilespmem:$0x120];
	[tilespmem:$0x978] =	vst v7;
	v7 =	vsel vm9, $0x1, v0;
	vm10 =	vgt.s32 v8, $0xC37F;
	v35 =	vadd.s32 $0xC380, v8  }
0x4b: {  	vm1 =	vgt.s32 v12, $0xC37F;
	[tilespmem:$0xFF8] =	vst v7;
	v7 =	vsel vm10, v8, v35  }
0x4c: {  	v37 =	vld [tilespmem:$0x130];
	v8 =	vsel vm1, $0xC380, v1;
	[tilespmem:$0x980] =	vst v7;
	v7 =	vsel vm10, $0x1, v0  }
0x4d: {  	vm11 =	vgt.s32 v34, $0xC37F;
	[tilespmem:$0x1000] =	vst v7;
	v7 =	vadd.s32 v12, v8  }
0x4e: {  	v38 =	vld [tilespmem:$0x140];
	v8 =	vsel vm11, $0xC380, v1;
	[tilespmem:$0x990] =	vst v7;
	v7 =	vsel vm1, $0x1, v0  }
0x4f: {  	vm12 =	vgt.s32 v36, $0xC37F;
	[tilespmem:$0x1010] =	vst v7;
	v7 =	vadd.s32 v34, v8  }
0x50: {  	v39 =	vld [tilespmem:$0x150];
	v8 =	vsel vm12, $0xC380, v1;
	[tilespmem:$0x9A0] =	vst v7;
	v7 =	vsel vm11, $0x1, v0  }
0x51: {  	vm13 =	vgt.s32 v37, $0xC37F;
	[tilespmem:$0x1020] =	vst v7;
	v7 =	vadd.s32 v36, v8  }
0x52: {  	v40 =	vld [tilespmem:$0x160];
	v8 =	vsel vm13, $0xC380, v1;
	[tilespmem:$0x9B0] =	vst v7;
	v7 =	vsel vm12, $0x1, v0  }
0x53: {  	vm14 =	vgt.s32 v38, $0xC37F;
	[tilespmem:$0x1030] =	vst v7;
	v7 =	vadd.s32 v37, v8  }
0x54: {  	v41 =	vld [tilespmem:$0x170];
	v8 =	vsel vm14, $0xC380, v1;
	[tilespmem:$0x9C0] =	vst v7;
	v7 =	vsel vm13, $0x1, v0  }
0x55: {  	vm15 =	vgt.s32 v39, $0xC37F;
	[tilespmem:$0x1040] =	vst v7;
	v7 =	vadd.s32 v38, v8  }
0x56: {  	v42 =	vld [tilespmem:$0x500];
	v8 =	vsel vm15, $0xC380, v1;
	[tilespmem:$0x9D0] =	vst v7;
	v7 =	vsel vm14, $0x1, v0  }
0x57: {  	vm4 =	vgt.s32 v40, $0xC37F;
	[tilespmem:$0x1050] =	vst v7;
	v7 =	vadd.s32 v39, v8  }
0x58: {  	v43 =	vld [tilespmem:$0x510];
	v8 =	vsel vm4, $0xC380, v1;
	[tilespmem:$0x9E0] =	vst v7;
	v7 =	vsel vm15, $0x1, v0  }
0x59: {  	vm5 =	vgt.s32 v41, $0xC37F;
	[tilespmem:$0x1060] =	vst v7;
	v7 =	vadd.s32 v40, v8  }
0x5a: {  	v44 =	vld [tilespmem:$0x520];
	v8 =	vsel vm5, $0xC380, v1;
	[tilespmem:$0x9F0] =	vst v7;
	v7 =	vsel vm4, $0x1, v0  }
0x5b: {  	vm6 =	vgt.s32 v42, $0xC37F;
	[tilespmem:$0x1070] =	vst v7;
	v7 =	vadd.s32 v41, v8  }
0x5c: {  	v45 =	vld [tilespmem:$0x530];
	v8 =	vsel vm6, $0xC380, v1;
	[tilespmem:$0xA00] =	vst v7;
	v7 =	vsel vm5, $0x1, v0  }
0x5d: {  	vm7 =	vgt.s32 v43, $0xC37F;
	[tilespmem:$0x1080] =	vst v7;
	v7 =	vadd.s32 v42, v8  }
0x5e: {  	v46 =	vld [tilespmem:$0x538];
	v8 =	vsel vm7, $0xC380, v1;
	[tilespmem:$0xA10] =	vst v7;
	v7 =	vsel vm6, $0x1, v0  }
0x5f: {  	vm8 =	vgt.s32 v44, $0xC37F;
	[tilespmem:$0x1090] =	vst v7;
	v7 =	vadd.s32 v43, v8  }
0x60: {  	v47 =	vld [tilespmem:$0x180];
	v8 =	vsel vm8, $0xC380, v1;
	[tilespmem:$0xA20] =	vst v7;
	v7 =	vsel vm7, $0x1, v0  }
0x61: {  	vm9 =	vgt.s32 v45, $0xC37F;
	[tilespmem:$0x10A0] =	vst v7;
	v7 =	vadd.s32 v44, v8  }
0x62: {  	v48 =	vld [tilespmem:$0x190];
	v8 =	vsel vm9, $0xC380, v1;
	[tilespmem:$0xA30] =	vst v7;
	v7 =	vsel vm8, $0x1, v0  }
0x63: {  	vm10 =	vgt.s32 v46, $0xC37F;
	[tilespmem:$0x10B0] =	vst v7;
	v7 =	vadd.s32 v45, v8  }
0x64: {  	v49 =	vld [tilespmem:$0x1A0];
	v8 =	vsel vm10, $0xC380, v1;
	[tilespmem:$0xA40] =	vst v7;
	v7 =	vsel vm9, $0x1, v0  }
0x65: {  	vm11 =	vgt.s32 v47, $0xC37F;
	[tilespmem:$0x10C0] =	vst v7;
	v7 =	vadd.s32 v46, v8  }
0x66: {  	v50 =	vld [tilespmem:$0x1B0];
	v8 =	vsel vm11, $0x18700, v2;
	[tilespmem:$0xA48] =	vst v7;
	v7 =	vsel vm10, $0x1, v0  }
0x67: {  	vm12 =	vgt.s32 v48, $0xC37F;
	[tilespmem:$0x10C8] =	vst v7;
	v7 =	vadd.s32 v47, v8  }
0x68: {  	v51 =	vld [tilespmem:$0x1C0];
	v8 =	vsel vm12, $0x18700, v2;
	[tilespmem:$0xA58] =	vst v7;
	v7 =	vsel vm11, $0x1, v0  }
0x69: {  	vm13 =	vgt.s32 v49, $0xC37F;
	[tilespmem:$0x10D8] =	vst v7;
	v7 =	vadd.s32 v48, v8  }
0x6a: {  	v52 =	vld [tilespmem:$0x1D0];
	v8 =	vsel vm13, $0x18700, v2;
	[tilespmem:$0xA68] =	vst v7;
	v7 =	vsel vm12, $0x1, v0  }
0x6b: {  	vm14 =	vgt.s32 v50, $0xC37F;
	[tilespmem:$0x10E8] =	vst v7;
	v7 =	vadd.s32 v49, v8  }
0x6c: {  	v53 =	vld [tilespmem:$0x1E0];
	v8 =	vsel vm14, $0x18700, v2;
	[tilespmem:$0xA78] =	vst v7;
	v7 =	vsel vm13, $0x1, v0  }
0x6d: {  	vm15 =	vgt.s32 v51, $0xC37F;
	[tilespmem:$0x10F8] =	vst v7;
	v7 =	vadd.s32 v50, v8  }
0x6e: {  	v54 =	vld [tilespmem:$0x1F0];
	v8 =	vsel vm15, $0x18700, v2;
	[tilespmem:$0xA88] =	vst v7;
	v7 =	vsel vm14, $0x1, v0  }
0x6f: {  	vm4 =	vgt.s32 v52, $0xC37F;
	[tilespmem:$0x1108] =	vst v7;
	v7 =	vadd.s32 v51, v8  }
0x70: {  	v55 =	vld [tilespmem:$0x580];
	v8 =	vsel vm4, $0x18700, v2;
	[tilespmem:$0xA98] =	vst v7;
	v7 =	vsel vm15, $0x1, v0  }
0x71: {  	vm5 =	vgt.s32 v53, $0xC37F;
	[tilespmem:$0x1118] =	vst v7;
	v7 =	vadd.s32 v52, v8  }
0x72: {  	v56 =	vld [tilespmem:$0x590];
	v8 =	vsel vm5, $0x18700, v2;
	[tilespmem:$0xAA8] =	vst v7;
	v7 =	vsel vm4, $0x1, v0  }
0x73: {  	vm6 =	vgt.s32 v54, $0xC37F;
	[tilespmem:$0x1128] =	vst v7;
	v7 =	vadd.s32 v53, v8  }
0x74: {  	v57 =	vld [tilespmem:$0x5A0];
	v8 =	vsel vm6, $0x18700, v2;
	[tilespmem:$0xAB8] =	vst v7;
	v7 =	vsel vm5, $0x1, v0  }
0x75: {  	vm7 =	vgt.s32 v55, $0xC37F;
	[tilespmem:$0x1138] =	vst v7;
	v7 =	vadd.s32 v54, v8  }
0x76: {  	v58 =	vld [tilespmem:$0x5B0];
	v8 =	vsel vm7, $0x18700, v2;
	[tilespmem:$0xAC8] =	vst v7;
	v7 =	vsel vm6, $0x1, v0  }
0x77: {  	vm8 =	vgt.s32 v56, $0xC37F;
	[tilespmem:$0x1148] =	vst v7;
	v7 =	vadd.s32 v55, v8  }
0x78: {  	v59 =	vld [tilespmem:$0x5B8];
	v8 =	vsel vm8, $0x18700, v2;
	[tilespmem:$0xAD8] =	vst v7;
	v7 =	vsel vm7, $0x1, v0  }
0x79: {  	vm9 =	vgt.s32 v57, $0xC37F;
	[tilespmem:$0x1158] =	vst v7;
	v7 =	vadd.s32 v56, v8  }
0x7a: {  	v60 =	vld [tilespmem:$0x200];
	v8 =	vsel vm9, $0x18700, v2;
	[tilespmem:$0xAE8] =	vst v7;
	v7 =	vsel vm8, $0x1, v0  }
0x7b: {  	vm10 =	vgt.s32 v58, $0xC37F;
	[tilespmem:$0x1168] =	vst v7;
	v7 =	vadd.s32 v57, v8  }
0x7c: {  	v61 =	vld [tilespmem:$0x210];
	v8 =	vsel vm10, $0x18700, v2;
	[tilespmem:$0xAF8] =	vst v7;
	v7 =	vsel vm9, $0x1, v0  }
0x7d: {  	vm11 =	vgt.s32 v59, $0xC37F;
	[tilespmem:$0x1178] =	vst v7;
	v7 =	vadd.s32 v58, v8  }
0x7e: {  	v62 =	vld [tilespmem:$0x220];
	v8 =	vsel vm11, $0x18700, v2;
	[tilespmem:$0xB08] =	vst v7;
	v7 =	vsel vm10, $0x1, v0  }
0x7f: {  	vm12 =	vgt.s32 v60, $0xC37F;
	[tilespmem:$0x1188] =	vst v7;
	v7 =	vadd.s32 v59, v8  }
0x80: {  	v63 =	vld [tilespmem:$0x230];
	v8 =	vsel vm12, $0x24A80, v3;
	[tilespmem:$0xB10] =	vst v7;
	v7 =	vsel vm11, $0x1, v0  }
0x81: {  	vm13 =	vgt.s32 v61, $0xC37F;
	[tilespmem:$0x1190] =	vst v7;
	v7 =	vadd.s32 v60, v8  }
0x82: {  	v16 =	vld [tilespmem:$0x240];
	v8 =	vsel vm13, $0x24A80, v3;
	[tilespmem:$0xB20] =	vst v7;
	v7 =	vsel vm12, $0x1, v0  }
0x83: {  	vm14 =	vgt.s32 v62, $0xC37F;
	[tilespmem:$0x11A0] =	vst v7;
	v7 =	vadd.s32 v61, v8  }
0x84: {  	v17 =	vld [tilespmem:$0x250];
	v8 =	vsel vm14, $0x24A80, v3;
	[tilespmem:$0xB30] =	vst v7;
	v7 =	vsel vm13, $0x1, v0  }
0x85: {  	vm15 =	vgt.s32 v63, $0xC37F;
	[tilespmem:$0x11B0] =	vst v7;
	v7 =	vadd.s32 v62, v8  }
0x86: {  	v18 =	vld [tilespmem:$0x260];
	v8 =	vsel vm15, $0x24A80, v3;
	[tilespmem:$0xB40] =	vst v7;
	v7 =	vsel vm14, $0x1, v0  }
0x87: {  	vm4 =	vgt.s32 v16, $0xC37F;
	[tilespmem:$0x11C0] =	vst v7;
	v7 =	vadd.s32 v63, v8  }
0x88: {  	v19 =	vld [tilespmem:$0x270];
	v8 =	vsel vm4, $0x24A80, v3;
	[tilespmem:$0xB50] =	vst v7;
	v7 =	vsel vm15, $0x1, v0  }
0x89: {  	vm5 =	vgt.s32 v17, $0xC37F;
	[tilespmem:$0x11D0] =	vst v7;
	v7 =	vadd.s32 v16, v8  }
0x8a: {  	v20 =	vld [tilespmem:$0x600];
	v8 =	vsel vm5, $0x24A80, v3;
	[tilespmem:$0xB60] =	vst v7;
	v7 =	vsel vm4, $0x1, v0  }
0x8b: {  	vm6 =	vgt.s32 v18, $0xC37F;
	[tilespmem:$0x11E0] =	vst v7;
	v7 =	vadd.s32 v17, v8  }
0x8c: {  	v21 =	vld [tilespmem:$0x610];
	v8 =	vsel vm6, $0x24A80, v3;
	[tilespmem:$0xB70] =	vst v7;
	v7 =	vsel vm5, $0x1, v0  }
0x8d: {  	vm7 =	vgt.s32 v19, $0xC37F;
	[tilespmem:$0x11F0] =	vst v7;
	v7 =	vadd.s32 v18, v8  }
0x8e: {  	v22 =	vld [tilespmem:$0x620];
	v8 =	vsel vm7, $0x24A80, v3;
	[tilespmem:$0xB80] =	vst v7;
	v7 =	vsel vm6, $0x1, v0  }
0x8f: {  	vm8 =	vgt.s32 v20, $0xC37F;
	[tilespmem:$0x1200] =	vst v7;
	v7 =	vadd.s32 v19, v8  }
0x90: {  	v23 =	vld [tilespmem:$0x630];
	v8 =	vsel vm8, $0x24A80, v3;
	[tilespmem:$0xB90] =	vst v7;
	v7 =	vsel vm7, $0x1, v0  }
0x91: {  	vm9 =	vgt.s32 v21, $0xC37F;
	[tilespmem:$0x1210] =	vst v7;
	v7 =	vadd.s32 v20, v8  }
0x92: {  	v24 =	vld [tilespmem:$0x638];
	v8 =	vsel vm9, $0x24A80, v3;
	[tilespmem:$0xBA0] =	vst v7;
	v7 =	vsel vm8, $0x1, v0  }
0x93: {  	vm10 =	vgt.s32 v22, $0xC37F;
	[tilespmem:$0x1220] =	vst v7;
	v7 =	vadd.s32 v21, v8  }
0x94: {  	v25 =	vld [tilespmem:$0x280];
	v8 =	vsel vm10, $0x24A80, v3;
	[tilespmem:$0xBB0] =	vst v7;
	v7 =	vsel vm9, $0x1, v0  }
0x95: {  	vm11 =	vgt.s32 v23, $0xC37F;
	[tilespmem:$0x1230] =	vst v7;
	v7 =	vadd.s32 v22, v8  }
0x96: {  	v26 =	vld [tilespmem:$0x290];
	v8 =	vsel vm11, $0x24A80, v3;
	[tilespmem:$0xBC0] =	vst v7;
	v7 =	vsel vm10, $0x1, v0  }
0x97: {  	vm12 =	vgt.s32 v24, $0xC37F;
	[tilespmem:$0x1240] =	vst v7;
	v7 =	vadd.s32 v23, v8  }
0x98: {  	v27 =	vld [tilespmem:$0x2A0];
	v8 =	vsel vm12, $0x24A80, v3;
	[tilespmem:$0xBD0] =	vst v7;
	v7 =	vsel vm11, $0x1, v0  }
0x99: {  	vm13 =	vgt.s32 v25, $0xC37F;
	[tilespmem:$0x1250] =	vst v7;
	v7 =	vadd.s32 v24, v8  }
0x9a: {  	v28 =	vld [tilespmem:$0x2B0];
	v8 =	vsel vm13, $0x30E00, v4;
	[tilespmem:$0xBD8] =	vst v7;
	v7 =	vsel vm12, $0x1, v0  }
0x9b: {  	vm14 =	vgt.s32 v26, $0xC37F;
	[tilespmem:$0x1258] =	vst v7;
	v7 =	vadd.s32 v25, v8  }
0x9c: {  	v29 =	vld [tilespmem:$0x2C0];
	v8 =	vsel vm14, $0x30E00, v4;
	[tilespmem:$0xBE8] =	vst v7;
	v7 =	vsel vm13, $0x1, v0  }
0x9d: {  	vm15 =	vgt.s32 v27, $0xC37F;
	[tilespmem:$0x1268] =	vst v7;
	v7 =	vadd.s32 v26, v8  }
0x9e: {  	v30 =	vld [tilespmem:$0x2D0];
	v8 =	vsel vm15, $0x30E00, v4;
	[tilespmem:$0xBF8] =	vst v7;
	v7 =	vsel vm14, $0x1, v0  }
0x9f: {  	vm4 =	vgt.s32 v28, $0xC37F;
	[tilespmem:$0x1278] =	vst v7;
	v7 =	vadd.s32 v27, v8  }
0xa0: {  	v31 =	vld [tilespmem:$0x2E0];
	v8 =	vsel vm4, $0x30E00, v4;
	[tilespmem:$0xC08] =	vst v7;
	v7 =	vsel vm15, $0x1, v0  }
0xa1: {  	vm5 =	vgt.s32 v29, $0xC37F;
	[tilespmem:$0x1288] =	vst v7;
	v7 =	vadd.s32 v28, v8  }
0xa2: {  	v32 =	vld [tilespmem:$0x2F0];
	v8 =	vsel vm5, $0x30E00, v4;
	[tilespmem:$0xC18] =	vst v7;
	v7 =	vsel vm4, $0x1, v0  }
0xa3: {  	vm6 =	vgt.s32 v30, $0xC37F;
	[tilespmem:$0x1298] =	vst v7;
	v7 =	vadd.s32 v29, v8  }
0xa4: {  	v33 =	vld [tilespmem:$0x680];
	v8 =	vsel vm6, $0x30E00, v4;
	[tilespmem:$0xC28] =	vst v7;
	v7 =	vsel vm5, $0x1, v0  }
0xa5: {  	vm7 =	vgt.s32 v31, $0xC37F;
	[tilespmem:$0x12A8] =	vst v7;
	v7 =	vadd.s32 v30, v8  }
0xa6: {  	v34 =	vld [tilespmem:$0x690];
	v8 =	vsel vm7, $0x30E00, v4;
	[tilespmem:$0xC38] =	vst v7;
	v7 =	vsel vm6, $0x1, v0  }
0xa7: {  	vm8 =	vgt.s32 v32, $0xC37F;
	[tilespmem:$0x12B8] =	vst v7;
	v7 =	vadd.s32 v31, v8  }
0xa8: {  	v35 =	vld [tilespmem:$0x6A0];
	v8 =	vsel vm8, $0x30E00, v4;
	[tilespmem:$0xC48] =	vst v7;
	v7 =	vsel vm7, $0x1, v0  }
0xa9: {  	vm9 =	vgt.s32 v33, $0xC37F;
	[tilespmem:$0x12C8] =	vst v7;
	v7 =	vadd.s32 v32, v8  }
0xaa: {  	v36 =	vld [tilespmem:$0x6B0];
	v8 =	vsel vm9, $0x30E00, v4;
	[tilespmem:$0xC58] =	vst v7;
	v7 =	vsel vm8, $0x1, v0  }
0xab: {  	vm10 =	vgt.s32 v34, $0xC37F;
	[tilespmem:$0x12D8] =	vst v7;
	v7 =	vadd.s32 v33, v8  }
0xac: {  	v37 =	vld [tilespmem:$0x6B8];
	v8 =	vsel vm10, $0x30E00, v4;
	[tilespmem:$0xC68] =	vst v7;
	v7 =	vsel vm9, $0x1, v0  }
0xad: {  	vm11 =	vgt.s32 v35, $0xC37F;
	[tilespmem:$0x12E8] =	vst v7;
	v7 =	vadd.s32 v34, v8  }
0xae: {  	v38 =	vld [tilespmem:$0x300];
	v8 =	vsel vm11, $0x30E00, v4;
	[tilespmem:$0xC78] =	vst v7;
	v7 =	vsel vm10, $0x1, v0  }
0xaf: {  	vm12 =	vgt.s32 v36, $0xC37F;
	[tilespmem:$0x12F8] =	vst v7;
	v7 =	vadd.s32 v35, v8  }
0xb0: {  	v39 =	vld [tilespmem:$0x310];
	v8 =	vsel vm12, $0x30E00, v4;
	[tilespmem:$0xC88] =	vst v7;
	v7 =	vsel vm11, $0x1, v0  }
0xb1: {  	vm13 =	vgt.s32 v37, $0xC37F;
	[tilespmem:$0x1308] =	vst v7;
	v7 =	vadd.s32 v36, v8  }
0xb2: {  	v40 =	vld [tilespmem:$0x320];
	v8 =	vsel vm13, $0x30E00, v4;
	[tilespmem:$0xC98] =	vst v7;
	v7 =	vsel vm12, $0x1, v0  }
0xb3: {  	vm14 =	vgt.s32 v38, $0xC37F;
	[tilespmem:$0x1318] =	vst v7;
	v7 =	vadd.s32 v37, v8  }
0xb4: {  	v41 =	vld [tilespmem:$0x330];
	v8 =	vsel vm14, $0x3D180, v5;
	[tilespmem:$0xCA0] =	vst v7;
	v7 =	vsel vm13, $0x1, v0  }
0xb5: {  	vm15 =	vgt.s32 v39, $0xC37F;
	[tilespmem:$0x1320] =	vst v7;
	v7 =	vadd.s32 v38, v8  }
0xb6: {  	v42 =	vld [tilespmem:$0x340];
	v8 =	vsel vm15, $0x3D180, v5;
	[tilespmem:$0xCB0] =	vst v7;
	v7 =	vsel vm14, $0x1, v0  }
0xb7: {  	vm4 =	vgt.s32 v40, $0xC37F;
	[tilespmem:$0x1330] =	vst v7;
	v7 =	vadd.s32 v39, v8  }
0xb8: {  	v43 =	vld [tilespmem:$0x350];
	v8 =	vsel vm4, $0x3D180, v5;
	[tilespmem:$0xCC0] =	vst v7;
	v7 =	vsel vm15, $0x1, v0  }
0xb9: {  	vm5 =	vgt.s32 v41, $0xC37F;
	[tilespmem:$0x1340] =	vst v7;
	v7 =	vadd.s32 v40, v8  }
0xba: {  	v44 =	vld [tilespmem:$0x360];
	v8 =	vsel vm5, $0x3D180, v5;
	[tilespmem:$0xCD0] =	vst v7;
	v7 =	vsel vm4, $0x1, v0  }
0xbb: {  	vm6 =	vgt.s32 v42, $0xC37F;
	[tilespmem:$0x1350] =	vst v7;
	v7 =	vadd.s32 v41, v8  }
0xbc: {  	v45 =	vld [tilespmem:$0x370];
	v8 =	vsel vm6, $0x3D180, v5;
	[tilespmem:$0xCE0] =	vst v7;
	v7 =	vsel vm5, $0x1, v0  }
0xbd: {  	vm7 =	vgt.s32 v43, $0xC37F;
	[tilespmem:$0x1360] =	vst v7;
	v7 =	vadd.s32 v42, v8  }
0xbe: {  	v46 =	vld [tilespmem:$0x700];
	v8 =	vsel vm7, $0x3D180, v5;
	[tilespmem:$0xCF0] =	vst v7;
	v7 =	vsel vm6, $0x1, v0  }
0xbf: {  	vm8 =	vgt.s32 v44, $0xC37F;
	[tilespmem:$0x1370] =	vst v7;
	v7 =	vadd.s32 v43, v8  }
0xc0: {  	v47 =	vld [tilespmem:$0x710];
	v8 =	vsel vm8, $0x3D180, v5;
	[tilespmem:$0xD00] =	vst v7;
	v7 =	vsel vm7, $0x1, v0  }
0xc1: {  	vm9 =	vgt.s32 v45, $0xC37F;
	[tilespmem:$0x1380] =	vst v7;
	v7 =	vadd.s32 v44, v8  }
0xc2: {  	v48 =	vld [tilespmem:$0x720];
	v8 =	vsel vm9, $0x3D180, v5;
	[tilespmem:$0xD10] =	vst v7;
	v7 =	vsel vm8, $0x1, v0  }
0xc3: {  	vm10 =	vgt.s32 v46, $0xC37F;
	[tilespmem:$0x1390] =	vst v7;
	v7 =	vadd.s32 v45, v8  }
0xc4: {  	v49 =	vld [tilespmem:$0x730];
	v8 =	vsel vm10, $0x3D180, v5;
	[tilespmem:$0xD20] =	vst v7;
	v7 =	vsel vm9, $0x1, v0  }
0xc5: {  	vm11 =	vgt.s32 v47, $0xC37F;
	[tilespmem:$0x13A0] =	vst v7;
	v7 =	vadd.s32 v46, v8  }
0xc6: {  	v50 =	vld [tilespmem:$0x738];
	v8 =	vsel vm11, $0x3D180, v5;
	[tilespmem:$0xD30] =	vst v7;
	v7 =	vsel vm10, $0x1, v0  }
0xc7: {  	vm12 =	vgt.s32 v48, $0xC37F;
	[tilespmem:$0x13B0] =	vst v7;
	v7 =	vadd.s32 v47, v8  }
0xc8: {  	v51 =	vld [tilespmem:$0x380];
	v8 =	vsel vm12, $0x3D180, v5;
	[tilespmem:$0xD40] =	vst v7;
	v7 =	vsel vm11, $0x1, v0  }
0xc9: {  	vm13 =	vgt.s32 v49, $0xC37F;
	[tilespmem:$0x13C0] =	vst v7;
	v7 =	vadd.s32 v48, v8  }
0xca: {  	v52 =	vld [tilespmem:$0x390];
	v8 =	vsel vm13, $0x3D180, v5;
	[tilespmem:$0xD50] =	vst v7;
	v7 =	vsel vm12, $0x1, v0  }
0xcb: {  	vm14 =	vgt.s32 v50, $0xC37F;
	[tilespmem:$0x13D0] =	vst v7;
	v7 =	vadd.s32 v49, v8  }
0xcc: {  	v53 =	vld [tilespmem:$0x3A0];
	v8 =	vsel vm14, $0x3D180, v5;
	[tilespmem:$0xD60] =	vst v7;
	v7 =	vsel vm13, $0x1, v0  }
0xcd: {  	vm15 =	vgt.s32 v51, $0xC37F;
	[tilespmem:$0x13E0] =	vst v7;
	v7 =	vadd.s32 v50, v8  }
0xce: {  	v54 =	vld [tilespmem:$0x3B0];
	v8 =	vsel vm15, $0x49500, v6;
	[tilespmem:$0xD68] =	vst v7;
	v7 =	vsel vm14, $0x1, v0  }
0xcf: {  	vm4 =	vgt.s32 v52, $0xC37F;
	[tilespmem:$0x13E8] =	vst v7;
	v7 =	vadd.s32 v51, v8  }
0xd0: {  	v55 =	vld [tilespmem:$0x3C0];
	v8 =	vsel vm4, $0x49500, v6;
	[tilespmem:$0xD78] =	vst v7;
	v7 =	vsel vm15, $0x1, v0  }
0xd1: {  	vm5 =	vgt.s32 v53, $0xC37F;
	[tilespmem:$0x13F8] =	vst v7;
	v7 =	vadd.s32 v52, v8  }
0xd2: {  	v56 =	vld [tilespmem:$0x3D0];
	v8 =	vsel vm5, $0x49500, v6;
	[tilespmem:$0xD88] =	vst v7;
	v7 =	vsel vm4, $0x1, v0  }
0xd3: {  	vm6 =	vgt.s32 v54, $0xC37F;
	[tilespmem:$0x1408] =	vst v7;
	v7 =	vadd.s32 v53, v8  }
0xd4: {  	v57 =	vld [tilespmem:$0x3E0];
	v8 =	vsel vm6, $0x49500, v6;
	[tilespmem:$0xD98] =	vst v7;
	v7 =	vsel vm5, $0x1, v0  }
0xd5: {  	vm7 =	vgt.s32 v55, $0xC37F;
	[tilespmem:$0x1418] =	vst v7;
	v7 =	vadd.s32 v54, v8  }
0xd6: {  	v58 =	vld [tilespmem:$0x3F0];
	v8 =	vsel vm7, $0x49500, v6;
	[tilespmem:$0xDA8] =	vst v7;
	v7 =	vsel vm6, $0x1, v0  }
0xd7: {  	vm8 =	vgt.s32 v56, $0xC37F;
	[tilespmem:$0x1428] =	vst v7;
	v7 =	vadd.s32 v55, v8  }
0xd8: {  	v59 =	vld [tilespmem:$0x780];
	v8 =	vsel vm8, $0x49500, v6;
	[tilespmem:$0xDB8] =	vst v7;
	v7 =	vsel vm7, $0x1, v0  }
0xd9: {  	vm9 =	vgt.s32 v57, $0xC37F;
	[tilespmem:$0x1438] =	vst v7;
	v7 =	vadd.s32 v56, v8  }
0xda: {  	v60 =	vld [tilespmem:$0x790];
	v8 =	vsel vm9, $0x49500, v6;
	[tilespmem:$0xDC8] =	vst v7;
	v7 =	vsel vm8, $0x1, v0  }
0xdb: {  	vm10 =	vgt.s32 v58, $0xC37F;
	[tilespmem:$0x1448] =	vst v7;
	v7 =	vadd.s32 v57, v8  }
0xdc: {  	v61 =	vld [tilespmem:$0x7A0];
	v8 =	vsel vm10, $0x49500, v6;
	[tilespmem:$0xDD8] =	vst v7;
	v7 =	vsel vm9, $0x1, v0  }
0xdd: {  	vm11 =	vgt.s32 v59, $0xC37F;
	[tilespmem:$0x1458] =	vst v7;
	v7 =	vadd.s32 v58, v8  }
0xde: {  	v62 =	vld [tilespmem:$0x7B0];
	v8 =	vsel vm11, $0x49500, v6;
	[tilespmem:$0xDE8] =	vst v7;
	v7 =	vsel vm10, $0x1, v0  }
0xdf: {  	vm12 =	vgt.s32 v60, $0xC37F;
	[tilespmem:$0x1468] =	vst v7;
	v7 =	vadd.s32 v59, v8  }
0xe0: {  	v63 =	vld [tilespmem:$0x7B8];
	v8 =	vsel vm12, $0x49500, v6;
	[tilespmem:$0xDF8] =	vst v7;
	v7 =	vsel vm11, $0x1, v0  }
0xe1: {  	vm13 =	vgt.s32 v61, $0xC37F;
	[tilespmem:$0x1478] =	vst v7;
	v7 =	vadd.s32 v60, v8  }
0xe2: {  	v8 =	vsel vm13, $0x49500, v6;
	[tilespmem:$0xE08] =	vst v7;
	v7 =	vsel vm12, $0x1, v0  }
0xe3: {  	vm14 =	vgt.s32 v62, $0xC37F;
	[tilespmem:$0x1488] =	vst v7;
	v7 =	vadd.s32 v61, v8  }
0xe4: {  	v8 =	vsel vm14, $0x49500, v6;
	[tilespmem:$0xE18] =	vst v7;
	v7 =	vsel vm13, $0x1, v0  }
0xe5: {  	vm15 =	vgt.s32 v63, $0xC37F;
	[tilespmem:$0x1498] =	vst v7;
	v7 =	vadd.s32 v62, v8  }
0xe6: {  	v8 =	vsel vm14, $0x1, v0;
	[tilespmem:$0xE28] =	vst v7;
	v7 =	vsel vm15, $0x49500, v6  }
0xe7: {  	[tilespmem:$0x14A8] =	vst v8;
	v7 =	vadd.s32 v63, v7  }
0xe8: {  	[tilespmem:$0xE30] =	vst v7;
	v7 =	vsel vm15, $0x1, v0  }
0xe9: {  	s24 =	smul.u32 $0xC8, s24;
	s25 =	simm.s32 $0x0;
	[tilespmem:$0x14B0] =	vst v7  }
.LBB2_3:
0xea: {  	s26 =	smul.u32 $0x28, s25;
	_ =	sdelay $0x1  }
0xeb: {  	s28 =	sadd.s32 $0x800, s26  }
0xec: {  	[tilespmem:s10], [sflag:$0x1] =	stream.indirect.gather [hbm4b:s4+s9], $0x80, s28, s9, $0xb8;
	[tilespmem:$0xC900] =	vst v63  }
0xed: {  	s28 =	sadd.s32 $0x8C8, s26  }
0xee: {  	[tilespmem:s11], [sflag:$0x1] =	stream.indirect.gather [hbm4b:s4+s9], $0x80, s28, s9, $0xb8;
	[tilespmem:$0xC900] =	vst v63  }
0xef: {  	s28 =	sadd.s32 $0x990, s26  }
0xf0: {  	[tilespmem:s12], [sflag:$0x1] =	stream.indirect.gather [hbm4b:s4+s9], $0x80, s28, s9, $0xb8;
	[tilespmem:$0xC900] =	vst v63  }
0xf1: {  	s28 =	sadd.s32 $0xA58, s26  }
0xf2: {  	[tilespmem:s13], [sflag:$0x1] =	stream.indirect.gather [hbm4b:s4+s9], $0x80, s28, s9, $0xb8;
	[tilespmem:$0xC900] =	vst v63  }
0xf3: {  	s28 =	sadd.s32 $0xB20, s26  }
0xf4: {  	[tilespmem:s14], [sflag:$0x1] =	stream.indirect.gather [hbm4b:s4+s9], $0x80, s28, s9, $0xb8;
	[tilespmem:$0xC900] =	vst v63  }
0xf5: {  	s28 =	sadd.s32 $0xBE8, s26  }
0xf6: {  	[tilespmem:s15], [sflag:$0x1] =	stream.indirect.gather [hbm4b:s4+s9], $0x80, s28, s9, $0xb8;
	[tilespmem:$0xC900] =	vst v63  }
0xf7: {  	s28 =	sadd.s32 $0xCB0, s26  }
0xf8: {  	[tilespmem:s16], [sflag:$0x1] =	stream.indirect.gather [hbm4b:s4+s9], $0x80, s28, s9, $0xb8;
	[tilespmem:$0xC900] =	vst v63  }
0xf9: {  	s28 =	sadd.s32 $0xD78, s26  }
0xfa: {  	[tilespmem:s17], [sflag:$0x1] =	stream.indirect.gather [hbm4b:s4+s9], $0x80, s28, s9, $0xb8;
	[tilespmem:$0xC900] =	vst v63  }
0xfb: {  	_ =	swait.ge [sflag:s18], $0x1400  }
0xfc: {  	[sflag:s18] =	ssyncset.done $0x0  }
0xfd: {  	[sflag:s18] =	ssyncadd.s32 $0xFFFFEC00  }
0xfe: {  	_ =	swait.ge [sflag:s18], $0x1400  }
0xff: {  	[sflag:s18] =	ssyncset.done $0x0  }
0x100: {  	[sflag:s18] =	ssyncadd.s32 $0xFFFFEC00  }
0x101: {  	_ =	swait.ge [sflag:s18], $0x1400  }
0x102: {  	[sflag:s18] =	ssyncset.done $0x0  }
0x103: {  	[sflag:s18] =	ssyncadd.s32 $0xFFFFEC00  }
0x104: {  	_ =	swait.ge [sflag:s18], $0x1400  }
0x105: {  	[sflag:s18] =	ssyncset.done $0x0  }
0x106: {  	[sflag:s18] =	ssyncadd.s32 $0xFFFFEC00  }
0x107: {  	_ =	swait.ge [sflag:s18], $0x1400  }
0x108: {  	[sflag:s18] =	ssyncset.done $0x0  }
0x109: {  	[sflag:s18] =	ssyncadd.s32 $0xFFFFEC00  }
0x10a: {  	_ =	swait.ge [sflag:s18], $0x1400  }
0x10b: {  	[sflag:s18] =	ssyncset.done $0x0  }
0x10c: {  	[sflag:s18] =	ssyncadd.s32 $0xFFFFEC00  }
0x10d: {  	_ =	swait.ge [sflag:s18], $0x1400  }
0x10e: {  	[sflag:s18] =	ssyncset.done $0x0  }
0x10f: {  	[sflag:s18] =	ssyncadd.s32 $0xFFFFEC00  }
0x110: {  	_ =	swait.ge [sflag:s18], $0x1400  }
0x111: {  	[sflag:s18] =	ssyncset.done $0x0  }
0x112: {  	s29 =	simm.s32 $0x0;
	s28 =	smov.u32 s23;
	[sflag:s18] =	ssyncadd.s32 $0xFFFFEC00  }
.LBB2_4:
0x113: {  	s30 =	sshra.s32 s29, $0x2  }
0x114: {  	v15 =	vld [tilespmem:s30+$0x2940]  }
0x115: {  	v16 =	vld [tilespmem:s30+$0x2900]  }
0x116: {  	v17 =	vld [tilespmem:s30+$0x3D40]  }
0x117: {  	v18 =	vld [tilespmem:s30+$0x3D00]  }
0x118: {  	v19 =	vld [tilespmem:s30+$0x5140]  }
0x119: {  	v20 =	vld [tilespmem:s30+$0x5100]  }
0x11a: {  	v21 =	vld [tilespmem:s30+$0x6540]  }
0x11b: {  	v22 =	vld [tilespmem:s30+$0x6500]  }
0x11c: {  	v23 =	vld [tilespmem:s30+$0x7940]  }
0x11d: {  	v24 =	vld [tilespmem:s30+$0x7900]  }
0x11e: {  	v25 =	vld [tilespmem:s30+$0x8D40]  }
0x11f: {  	v26 =	vld [tilespmem:s30+$0x8D00]  }
0x120: {  	v27 =	vld [tilespmem:s30+$0xA140]  }
0x121: {  	v28 =	vld [tilespmem:s30+$0xA100]  }
0x122: {  	v29 =	vld [tilespmem:s30+$0xB540]  }
0x123: {  	v30 =	vld [tilespmem:s30+$0xB500]  }
0x124: {  	v31 =	vld [tilespmem:s30+$0x2950]  }
0x125: {  	v32 =	vld [tilespmem:s30+$0x2910]  }
0x126: {  	v33 =	vld [tilespmem:s30+$0x3D50]  }
0x127: {  	v34 =	vld [tilespmem:s30+$0x3D10]  }
0x128: {  	v35 =	vld [tilespmem:s30+$0x5150]  }
0x129: {  	v36 =	vld [tilespmem:s30+$0x5110]  }
0x12a: {  	v37 =	vld [tilespmem:s30+$0x6550]  }
0x12b: {  	v38 =	vld [tilespmem:s30+$0x6510]  }
0x12c: {  	v39 =	vld [tilespmem:s30+$0x7950]  }
0x12d: {  	v40 =	vld [tilespmem:s30+$0x7910]  }
0x12e: {  	v41 =	vld [tilespmem:s30+$0x8D50]  }
0x12f: {  	v42 =	vld [tilespmem:s30+$0x8D10]  }
0x130: {  	v43 =	vld [tilespmem:s30+$0xA150]  }
0x131: {  	v44 =	vld [tilespmem:s30+$0xA110]  }
0x132: {  	v45 =	vld [tilespmem:s30+$0xB550]  }
0x133: {  	v46 =	vld [tilespmem:s30+$0xB510]  }
0x134: {  	v47 =	vld [tilespmem:s30+$0x2960]  }
0x135: {  	v48 =	vld [tilespmem:s30+$0x2920]  }
0x136: {  	v49 =	vld [tilespmem:s30+$0x3D60]  }
0x137: {  	v50 =	vld [tilespmem:s30+$0x3D20]  }
0x138: {  	v51 =	vld [tilespmem:s30+$0x5160]  }
0x139: {  	v52 =	vld [tilespmem:s30+$0x5120]  }
0x13a: {  	v7 =	vmov s28;
	v53 =	vld [tilespmem:s30+$0x6560]  }
0x13b: {  	v8 =	vadd.s32 $0xC8, v7;
	v54 =	vld [tilespmem:s30+$0x6520]  }
0x13c: {  	v9 =	vadd.s32 $0x190, v7;
	v55 =	vld [tilespmem:s30+$0x3D70]  }
0x13d: {  	v10 =	vadd.s32 $0x258, v7;
	v57 =	vld [tilespmem:s30+$0x3D30]  }
0x13e: {  	v11 =	vadd.s32 $0x320, v7;
	v58 =	vld [tilespmem:s30+$0x5170]  }
0x13f: {  	v13 =	vadd.s32 $0x3E8, v7;
	v12 =	vld.idx.msk [tilespmem:v7+s19+$0x0], $0xffff  }
0x140: {  	v14 =	vadd.s32 $0x4B0, v7;
	v8 =	vld.idx.msk [tilespmem:v8+s19+$0x0], $0xffff  }
0x141: {  	v7 =	vadd.s32 $0x578, v7;
	v9 =	vld.idx.msk [tilespmem:v9+s19+$0x0], $0xffff  }
0x142: {  	v10 =	vld.idx.msk [tilespmem:v10+s19+$0x0], $0xffff  }
0x143: {  	v11 =	vld.idx.msk [tilespmem:v11+s19+$0x0], $0xffff  }
0x144: {  	v13 =	vld.idx.msk [tilespmem:v13+s19+$0x0], $0xffff  }
0x145: {  	v14 =	vld.idx.msk [tilespmem:v14+s19+$0x0], $0xffff  }
0x146: {  	v7 =	vld.idx.msk [tilespmem:v7+s19+$0x0], $0xffff  }
0x147: {  	vm6 =	veq.s32 v12, $0x1;
	vm7 =	veq.s32 v8, $0x1;
	v8 =	vld [tilespmem:s30+$0x7960]  }
0x148: {  	v12 =	vsel vm6, v15, v16;
	v16 =	vld [tilespmem:s30+$0x7920]  }
0x149: {  	vm4 =	veq.s32 v10, $0x1;
	v10 =	vld [tilespmem:s30+$0xA160]  }
0x14a: {  	vm3 =	veq.s32 v11, $0x1;
	v11 =	vld [tilespmem:s30+$0xB560]  }
0x14b: {  	vm5 =	veq.s32 v9, $0x1;
	vm2 =	veq.s32 v13, $0x1;
	v13 =	vld [tilespmem:s30+$0x2970];
	v62 =	vsel vm7, v17, v18  }
0x14c: {  	v60 =	vsel vm6, v31, v32;
	v32 =	vsel vm6, v47, v48;
	v48 =	vld [tilespmem:s30+$0x7930];
	v63 =	vadd.f32 v62, v12  }
0x14d: {  	v20 =	vsel vm5, v19, v20;
	v17 =	vld [tilespmem:s30+$0x8D20]  }
0x14e: {  	vm1 =	veq.s32 v14, $0x1;
	v18 =	vld [tilespmem:s30+$0xA120];
	v9 =	vadd.f32 v20, v63  }
0x14f: {  	v22 =	vsel vm4, v21, v22;
	v24 =	vsel vm3, v23, v24;
	v26 =	vsel vm2, v25, v26;
	v20 =	vld [tilespmem:s30+$0x2930]  }
0x150: {  	v56 =	vsel vm1, v27, v28;
	v61 =	vsel vm7, v33, v34;
	v34 =	vld [tilespmem:s30+$0x6530];
	v9 =	vadd.f32 v22, v9  }
0x151: {  	v31 =	vsel vm5, v35, v36;
	v33 =	vsel vm7, v49, v50;
	v14 =	vsel vm7, v55, v57;
	v62 =	vld [tilespmem:s30+$0x5130]  }
0x152: {  	v47 =	vsel vm5, v51, v52;
	v50 =	vld [tilespmem:s30+$0x8D70];
	vm0 =	veq.s32 v7, $0x1;
	v9 =	vadd.f32 v24, v9  }
0x153: {  	v49 =	vsel vm4, v37, v38;
	v63 =	vadd.f32 v61, v60;
	v59 =	vsel vm0, v29, v30;
	v30 =	vld [tilespmem:s30+$0x6570]  }
0x154: {  	v52 =	vld [tilespmem:s30+$0x8D30];
	v35 =	vadd.f32 v33, v32;
	v13 =	vsel vm6, v13, v20;
	v9 =	vadd.f32 v26, v9  }
0x155: {  	v36 =	vld [tilespmem:s30+$0x7970];
	v51 =	vsel vm4, v53, v54;
	v15 =	vadd.f32 v31, v63;
	v13 =	vadd.f32 v14, v13  }
0x156: {  	v12 =	vld [tilespmem:s30+$0x8D60];
	v20 =	vadd.f32 v47, v35;
	v7 =	vadd.f32 v56, v9;
	v9 =	vsel vm5, v58, v62  }
0x157: {  	v19 =	vld [tilespmem:s30+$0xB520];
	v53 =	vsel vm3, v39, v40;
	v15 =	vadd.f32 v49, v15;
	v9 =	vadd.f32 v9, v13  }
0x158: {  	v54 =	vld [tilespmem:s30+$0xA170];
	v8 =	vsel vm3, v8, v16;
	v22 =	vsel vm4, v30, v34;
	v20 =	vadd.f32 v51, v20  }
0x159: {  	v55 =	vld [tilespmem:s30+$0xA130];
	v60 =	vsel vm2, v50, v52;
	v15 =	vadd.f32 v53, v15;
	v9 =	vadd.f32 v22, v9  }
0x15a: {  	v57 =	vld [tilespmem:s30+$0xB570];
	v14 =	vsel vm3, v36, v48;
	v56 =	vsel vm2, v41, v42;
	v8 =	vadd.f32 v8, v20  }
0x15b: {  	v12 =	vsel vm2, v12, v17;
	v58 =	vld [tilespmem:s30+$0xB530];
	v15 =	vadd.f32 v56, v15;
	v9 =	vadd.f32 v14, v9  }
0x15c: {  	v7 =	vadd.f32 v59, v7;
	v59 =	vsel vm1, v43, v44;
	v8 =	vadd.f32 v12, v8  }
0x15d: {  	v10 =	vsel vm1, v10, v18;
	v61 =	vadd.f32 v59, v15;
	v9 =	vadd.f32 v60, v9  }
0x15e: {  	p0 =	sne.s32 s29, $0x4E00;
	v63 =	vsel vm1, v54, v55;
	v62 =	vsel vm0, v45, v46;
	v8 =	vadd.f32 v10, v8  }
.Ltmp0:
0x15f: {  	v11 =	vsel vm0, v11, v19;
	v12 =	vadd.f32 v62, v61;
	v9 =	vadd.f32 v63, v9;
	(pc) =	sbr.rel @p0 .LBB2_4-.Ltmp0, $4  }
0x160: {  	[tilespmem:s30+$0x1500] =	vst v7;
	v7 =	vadd.f32 v11, v8;
	v8 =	vsel vm0, v57, v58  }
0x161: {  	[tilespmem:s30+$0x1510] =	vst v12;
	v8 =	vadd.f32 v8, v9  }
0x162: {  	[tilespmem:s30+$0x1520] =	vst v7  }
0x163: {  	s28 =	sadd.s32 $0x1, s28;
	s29 =	sadd.s32 $0x200, s29;
	[tilespmem:s30+$0x1530] =	vst v8  }
0x164: {  	s26 =	sadd.s32 s24, s26;
	s25 =	sadd.s32 $0x1, s25  }
0x165: {  	s26 =	sshll.u32 s26, $0x4;
	p0 =	sne.s32 s25, $0x5  }
.Ltmp1:
0x166: {  	s26 =	sadd.s32 s5, s26;
	(pc) =	sbr.rel @p0 .LBB2_3-.Ltmp1, $4  }
0x167: {  	[hbm4b:s26+s2] =	stream.linear.scatter [tilespmem:s20], [sflag:$0x2], $0x1400, $0x38;
	[tilespmem:$0xC900] =	vst v63  }
0x168: {  	_ =	swait.ge [sflag:s8], $0x1400  }
0x169: {  	[sflag:s8] =	ssyncset.done $0x0  }
0x16a: {  	s23 =	sadd.s32 $0x28, s23;
	[sflag:s8] =	ssyncadd.s32 $0xFFFFEC00  }
0x16b: {  	s22 =	sadd.s32 $0x1, s22  }
0x16c: {  	p0 =	sne.s32 s22, $0x20  }
.Ltmp2:
0x16d: {  	_ = 	snop;
	(pc) =	sbr.rel @p0 .LBB2_2-.Ltmp2, $1  }
0x16e: {  	_ =	sdelay $0x3  }
0x16f: {  	s21 =	sadd.s32 $0x1, s21  }
0x170: {  	p0 =	sne.s32 s21, s7  }
.Ltmp3:
0x171: {  	_ = 	snop;
	(pc) =	sbr.rel @p0 .LBB2_1-.Ltmp3, $1  }
0x172: {  	_ =	sdelay $0x3  }
0x173: {  	_ =	sfence.sel $0x180000  }
0x174: {  	[bflag:$0x0] =	sbarrier.arrive $0xFFFF  }
0x175: {  	p0 =	sne.s32 s3, $0x0;
	_ =	strace $0x90000047  }
0x176: {  	s0 =	sadd.s32 @!p0 $0x100000, s0;
	[bflag:$0x2] =	sbarrier.arrive $0xFFFF  }
0x177: {  	[sflag:s0] =	ssyncadd.tile.s32 @!p0 $0x1;
	_ =	shalt  }
.Lfunc_end2:
_tile_overlayer_lowered:
.L_overlay_start_2:
0x178: {  	(tag) =	ssettag $0x2  }
0x179: {  	s0 =	rddreg [dreg:$0x0];
	s2 =	stileid.u32  }
0x17a: {  	s1 =	rddreg [dreg:$0x1];
	p0 =	sne.s32 s2, $0x0  }
0x17b: {  	s3 =	rddreg [dreg:$0x2];
	[bflag:$0x3] =	sbarrier.arrive $0xFFFF;
	s2 =	simm.s32 @!p0 $0x1C02  }
0x17c: {  	[timem:s3], [sflag:s2] =	dma.local @!p0 [hbm:s0], s1  }
0x17d: {  	s0 =	simm.s32 @!p0 $0x2  }
0x17e: {  	_ =	swait.ge @!p0 [sflag:s0], s1  }
0x17f: {  	s1 =	ssub.s32 @!p0 $0x0, s1;
	[sflag:s0] =	ssyncset.done @!p0 $0x0  }
0x180: {  	[sflag:s0] =	ssyncadd.s32 @!p0 s1  }
0x181: {  	[bflag:$0x3] =	sbarrier.arrive $0xFFFF  }
0x182: {  	_ =	shalt  }

// kernel: sparse-core-data-format-call.cloned.1.call-start
scs
called_computation_lowered:
.L_overlay_start_0:
0x0: {  	s2 =	sld [smem:$0x3FD9]  }
0x1: {  	s3 =	sld [smem:$0x3FFE];
	_ =	sdelay $0x1  }
0x2: {  	s1 =	srdreg.scid  }
0x3: {  	s0 =	sand.u32 $0x1, s1  }
0x4: {  	s18 =	sshll.u32 s0, $0xA;
	s2 =	sadd.s32 s3, s2  }
0x5: {  	s2 =	sadd.s32 s2, s18  }
0x6: {  	[smem:$0x3FC6] =	sst s2  }
0x7: {  	_ = 	snop  }
0x8: {  	s2 =	sld [smem:$0x3FD0];
	(tm) =	ssettm $0x1  }
0x9: {  	s19 =	sld [smem:$0x3FFB];
	_ =	sdelay $0x3  }
0xa: {  	_ =	strace s19  }
0xb: {  	s3 =	sld [smem:$0x3FFC];
	_ =	sdelay $0x3  }
0xc: {  	_ =	strace s3  }
0xd: {  	s3 =	sld [smem:$0x3FFD];
	_ =	sdelay $0x3  }
0xe: {  	_ =	strace s3  }
0xf: {  	_ =	strace $0x8FFFFFFF  }
0x10: {  	s20 =	sld [smem:$0x3FDB];
	_ =	sdelay $0x1  }
0x11: {  	s4 =	simm.s32 $_scs_section_size  }
0x12: {  	s5 =	simm.s32 $_size__tile_overlayer_lowered;
	s6 =	simm.s32 $_tile_overlayer_lowered  }
0x13: {  	s23 =	simm.s32 $0x1BFF;
	s22 =	sshll.u32 s6, $0x1;
	s3 =	sadd.s32 s4, s20  }
0x14: {  	s7 =	simm.s32 $0x0;
	s21 =	sshll.u32 s5, $0x1;
	s5 =	sadd.s32 s22, s3  }
0x15: {  	[timem:s7], [sflag:s23] =	dma.local [hbm:s5], s21  }
0x16: {  	_ =	swait.ge [sflag:s23], s21  }
0x17: {  	s4 =	ssub.s32 $0x0, s21;
	[sflag:s23] =	ssyncset.done $0x0  }
0x18: {  	[sflag:s23] =	ssyncadd.s32 s4;
	_ =	sdelay $0x1  }
0x19: {  	s24 =	simm.s32 $0x1B8B  }
0x1a: {  	_ =	swait.ge [sflag:s24], $0x1  }
0x1b: {  	[sflag:s24] =	ssyncset.done $0x0  }
0x1c: {  	s26 =	simm.s32 $0x1B8E;
	s25 =	sld [smem:$0x3FFE];
	[sflag:s24] =	ssyncadd.s32 $0xFFFFFFFF  }
0x1d: {  	s27 =	simm.s32 $execute0_lowered;
	[smem:$0x3FD2] =	sst s26  }
0x1e: {  	s5 =	sshll.u32 s27, $0x1;
	_ =	strace $0x80000049;
	[dreg:$0x1] =	wrdreg $0xFFFFFFFF  }
0x1f: {  	s28 =	simm.s32 $_size_execute0_lowered;
	s3 =	sadd.s32 s3, s5;
	[dreg:$0x0] =	wrdreg $0x0  }
0x20: {  	s5 =	sshll.u32 s28, $0x1;
	[dreg:$0x2] =	wrdreg s3  }
0x21: {  	[dreg:$0x3] =	wrdreg s5  }
0x22: {  	[dreg:$0x4] =	wrdreg $0xC0  }
0x23: {  	_ =	task [dreg:s7], $0x5FFFF  }
0x24: {  	[dreg:$0x1] =	wrdreg $0xFFFFFFFF  }
0x25: {  	[dreg:$0x0] =	wrdreg $0x60  }
0x26: {  	[dreg:$0x2] =	wrdreg s25  }
0x27: {  	[dreg:$0x3] =	wrdreg s2  }
0x28: {  	[dreg:$0x4] =	wrdreg $0x9  }
0x29: {  	_ =	task.clear_ibuf [dreg:s7], $0x5FFFF;
	_ =	strace $0x90000049  }
0x2a: {  	s29 =	simm.s32 $0x9;
	_ =	strace $0x8000004B  }
0x2b: {  	_ =	swait.ge [sflag:s29], $0x1  }
0x2c: {  	[sflag:s29] =	ssyncadd.s32 $0xFFFFFFFF  }
0x2d: {  	_ =	strace $0x9000004B  }
0x2e: {  	_ =	sfence  }
0x2f: {  	s30 =	sld [smem:$0x0];
	_ =	sdelay $0x2  }
0x30: {  	s31 =	sshll.u32 s1, $0xD;
	s1 =	sshrl.u32 s1, $0x2  }
0x31: {  	s3 =	sand.u32 $0x4000, s31;
	s1 =	sadd.s32 s1, s30  }
0x32: {  	s0 =	sor.u32 s3, s0;
	s1 =	sshll.u32 s1, $0x11  }
0x33: {  	s0 =	sor.u32 s1, s0  }
0x34: {  	s0 =	sadd.s32 $0x8F2B, s0  }
0x35: {  	[sflag:s0] =	ssyncadd.remote.s32 $0x1  }
0x36: {  	_ =	sfence.sel $0xFFFF  }
0x37: {  	[dreg:$0x0] =	wrdreg $0xFFFFFFFF;
	(pc) =	sbr.abs _section_cstart, $3  }
0x38: {  	[dreg:$0x1] =	wrdreg $0xFFFFFFFF  }
0x39: {  	_ =	task.clear_ibuf [dreg:s7], $0x2FFFF;
	_ =	strace $0x9FFFFFFF  }
0x3a: {  	(tm) =	ssettm $0x7FFFFFFF  }
0x3b: {  	_ =	shalt  }
tec
execute0_lowered:
.L_overlay_start_1:
0x0: {  	(tag) =	ssettag $0x1  }
0x1: {  	s0 =	stileid.u32;
	s6 =	rddreg [dreg:$0x0]  }
0x2: {  	s2 =	rddreg [dreg:$0x1];
	s5 =	srdreg.scid  }
0x3: {  	s31 =	simm.s32 $0x2;
	s13 =	simm.s32 $0x0;
	s1 =	sshll.u32 s0, $0x7  }
0x4: {  	s14 =	simm.s32 $0x0;
	s12 =	simm.s32 $0x0;
	s3 =	sand.u32 $0x380, s1  }
0x5: {  	s5 =	sshll.u32 s5, $0x4;
	s6 =	sadd.s32 $0x61C800, s6;
	s4 =	ssub.s32 $0x400, s3  }
0x6: {  	s1 =	rddreg [dreg:$0x2];
	_ =	strace $0x8000004A;
	s7 =	sand.u32 $0x380, s4  }
0x7: {  	s5 =	sand.u32 $0x10, s5;
	p0 =	sne.s32 s7, $0x0;
	s7 =	simm.s32 $0x1  }
.Ltmp0:
0x8: {  	s8 =	sshrl.u32 s4, $0xA;
	s7 =	simm.s32 @!p0 $0x0;
	(pc) =	sbr.rel .LBB1_1-.Ltmp0, $4  }
0x9: {  	s9 =	sor.u32 s0, s5;
	s4 =	simm.s32 $0x1;
	s30 =	sadd.s32 s7, s8  }
0xa: {  	s11 =	smov.u32 s3;
	[sflag:s4] =	ssyncpa.u1 $0x0;
	s5 =	smul.u32 $0x32, s30  }
0xb: {  	[sflag:s31] =	ssyncpa.u1 $0x0;
	p0 =	por $0x0, $0x0;
	s7 =	sshrl.u32 s9, $0x3  }
0xc: {  	s9 =	simm.s32 $0x2000;
	s10 =	smov.u32 s7;
	s8 =	sor.u32 $0x1, s5  }
.LBB1_4:
0xd: {  	s17 =	sand.u32 $0x1F80, s14;
	s13 =	sshll.u32 s13, $0xD  }
0xe: {  	[tilespmem:s16+$0x810 ss:$0x81] =	vst.msk $0xffff, v2;
	s18 =	sshrl.u32 s14, $0x3;
	s31 =	sand.u32 $0x7, s14;
	s17 =	sadd.s32 s2, s17  }
0xf: {  	[tilespmem:s16+$0x1020 ss:$0x81] =	vst.msk $0xffff, v0;
	s18 =	sand.u32 $0xF, s18;
	s14 =	sshll.u32 s31, $0x12;
	s13 =	sadd.s32 s13, s17  }
0x10: {  	[tilespmem:s16+$0x0 ss:$0x81] =	vst.msk $0xffff, v1;
	s14 =	sor.u32 $0x400, s14;
	s13 =	sadd.s32 s18, s13  }
0x11: {  	[hbm4b:s13+s14] =	stream.strided.scatter [tilespmem:s15], [sflag:$0x2], $0x2000, s9, s14, $0x20;
	[tilespmem:$0x8080] =	vst v63  }
.LBB1_5:
0x12: {  	s15 =	sadd.s32 $0x4, s10  }
0x13: {  	s13 =	sadd.s32 $0x400, s11;
	s17 =	smov.u32 s11;
	p2 =	sgt.s32 s15, $0xC7  }
0x14: {  	s17 =	smov.u32 @p2 s13  }
0x15: {  	s15 =	smov.u32 @p2 s7;
	p2 =	sgt.s32 s17, $0x3FF  }
0x16: {  	s17 =	smov.u32 @p2 s3;
	p2 =	sne.s32 s12, s8  }
.Ltmp1:
0x17: {  	p1 =	slt.u32 s12, $0x2;
	(pc) =	sbr.rel @!p2 .LBB1_6-.Ltmp1, $4  }
0x18: {  	s16 =	simm.s32 @!p1 $0x2  }
0x19: {  	s14 =	smov.u32 s11;
	p0 =	por !p0, !p0;
	_ =	swait.ge @!p1 [sflag:s16], $0x2000  }
0x1a: {  	s13 =	smov.u32 s10;
	[sflag:s16] =	ssyncset.done @!p1 $0x0;
	s10 =	smov.u32 s15  }
0x1b: {  	s12 =	sadd.s32 $0x1, s12;
	[sflag:s16] =	ssyncadd.s32 @!p1 $0xFFFFE000;
	s11 =	smov.u32 s17  }
.LBB1_1:
0x1c: {  	p1 =	sge.u32 s12, s5  }
0x1d: {  	s15 =	sand.u32 @!p1 $0x1FFFFFF, s10  }
0x1e: {  	s16 =	smulhi.u32 @!p1 $0x147AE15, s15;
	_ =	sdelay $0x1  }
0x1f: {  	s16 =	smul.u32 @!p1 $0xC8, s16  }
0x20: {  	s17 =	sxor.u32 @!p1 $0xFFFFFFFF, s12;
	s18 =	smul.u32 @!p1 $0xC80, s11  }
0x21: {  	s31 =	sadd.s32 $0xFFFFFFFF, s12;
	s17 =	sshll.u32 @!p1 s17, $0xD;
	s15 =	ssub.s32 @!p1 s15, s16  }
0x22: {  	s16 =	sand.u32 @!p1 $0x2000, s17;
	s17 =	sadd.s32 @!p1 s6, s18;
	s15 =	sshll.u32 @!p1 s15, $0x4  }
0x23: {  	s18 =	simm.s32 @!p1 $0x6400;
	s15 =	sadd.s32 @!p1 s15, s17;
	s17 =	simm.s32 @!p1 $0x40  }
0x24: {  	[tilespmem:s16], [sflag:$0x1] =	stream.strided.gather @!p1 [hbm4b:s15+s17], $0x2000, s18, s17, $0x38;
	[tilespmem:$0x8080] =	vst v63  }
0x25: {  	p1 =	sge.u32 s31, s5  }
.Ltmp2:
0x26: {  	_ = 	snop;
	(pc) =	sbr.rel @p1 .LBB1_5-.Ltmp2, $1  }
0x27: {  	_ =	sdelay $0x3  }
0x28: {  	s15 =	simm.s32 $0x1  }
0x29: {  	_ =	swait.ge [sflag:s4], $0x2000;
	s15 =	simm.s32 @!p0 $0x0  }
0x2a: {  	[sflag:s4] =	ssyncset.done $0x0;
	s16 =	sshll.u32 s15, $0xD  }
0x2b: {  	[sflag:s4] =	ssyncadd.s32 $0xFFFFE000;
	s19 =	sor.u32 $0x20, s16  }
0x2c: {  	s15 =	smul.u32 $0x8100, s15;
	v3 =	vld [tilespmem:s19+$0x10]  }
0x2d: {  	s30 =	sand.u32 $0x1, s12;
	v2 =	vld [tilespmem:s19+$0xFFFFFFF0]  }
0x2e: {  	s16 =	smul.u32 $0x8100, s30;
	s15 =	sshrl.u32 s15, $0x2;
	v0 =	vld [tilespmem:s19+$0x0]  }
0x2f: {  	v1 =	vld [tilespmem:s19+$0xFFFFFFE0];
	s17 =	sor.u32 $0x4000, s15  }
0x30: {  	s31 =	sshrl.u32 s16, $0x2;
	s16 =	sadd.s32 $0x0, s17  }
0x31: {  	s18 =	simm.s32 $0x4;
	s19 =	sadd.s32 $0x40, s19;
	s15 =	sor.u32 $0x4000, s31;
	[tilespmem:s16+$0x1830 ss:$0x81] =	vst.msk $0xffff, v3  }
.LBB1_3:
0x32: {  	v3 =	vld [tilespmem:s19+$0x10];
	p1 =	sne.s32 s18, $0x1FC;
	[tilespmem:s16+$0x810 ss:$0x81] =	vst.msk $0xffff, v2;
	s20 =	smov.u32 s18;
	s18 =	sadd.s32 $0x4, s18  }
.Ltmp3:
0x33: {  	v2 =	vld [tilespmem:s19+$0xFFFFFFF0];
	[tilespmem:s16+$0x1020 ss:$0x81] =	vst.msk $0xffff, v0;
	(pc) =	sbr.rel @p1 .LBB1_3-.Ltmp3, $4  }
0x34: {  	v0 =	vld [tilespmem:s19+$0x0];
	[tilespmem:s16+$0x0 ss:$0x81] =	vst.msk $0xffff, v1  }
0x35: {  	s16 =	sshra.s32 s20, $0x2;
	v1 =	vld [tilespmem:s19+$0xFFFFFFE0]  }
0x36: {  	s16 =	sadd.s32 s16, s17  }
0x37: {  	s19 =	sadd.s32 $0x40, s19;
	[tilespmem:s16+$0x1830 ss:$0x81] =	vst.msk $0xffff, v3  }
.Ltmp4:
0x38: {  	_ = 	snop;
	(pc) =	sbr.rel .LBB1_4-.Ltmp4, $1  }
0x39: {  	_ =	sdelay $0x3  }
.LBB1_6:
0x3a: {  	_ =	sfence.sel $0x180000  }
0x3b: {  	s2 =	simm.s32 $0x1;
	[bflag:$0x0] =	sbarrier.arrive $0xFFFF  }
0x3c: {  	s31 =	simm.s32 $0x2;
	[sflag:s2] =	ssyncpa.u1 $0x1  }
0x3d: {  	[sflag:s31] =	ssyncpa.u1 $0x1  }
0x3e: {  	p0 =	sne.s32 s0, $0x0;
	_ =	strace $0x9000004A  }
0x3f: {  	s0 =	sadd.s32 @!p0 $0x100000, s1;
	[bflag:$0x2] =	sbarrier.arrive $0xFFFF  }
0x40: {  	[sflag:s0] =	ssyncadd.tile.s32 @!p0 $0x1;
	_ =	shalt  }
.Lfunc_end1:
_tile_overlayer_lowered:
.L_overlay_start_2:
0x41: {  	(tag) =	ssettag $0x2  }
0x42: {  	s0 =	rddreg [dreg:$0x0];
	s2 =	stileid.u32  }
0x43: {  	s1 =	rddreg [dreg:$0x1];
	p0 =	sne.s32 s2, $0x0  }
0x44: {  	s3 =	rddreg [dreg:$0x2];
	[bflag:$0x3] =	sbarrier.arrive $0xFFFF;
	s2 =	simm.s32 @!p0 $0x1C01  }
0x45: {  	[timem:s3], [sflag:s2] =	dma.local @!p0 [hbm:s0], s1  }
0x46: {  	s0 =	simm.s32 @!p0 $0x1  }
0x47: {  	_ =	swait.ge @!p0 [sflag:s0], s1  }
0x48: {  	s1 =	ssub.s32 @!p0 $0x0, s1;
	[sflag:s0] =	ssyncset.done @!p0 $0x0  }
0x49: {  	[sflag:s0] =	ssyncadd.s32 @!p0 s1  }
0x4a: {  	[bflag:$0x3] =	sbarrier.arrive $0xFFFF  }
0x4b: {  	_ =	shalt  }

</sc_bundles>
